<compile_context>
chip_gen: v7x
topology: tpu7x:2x2x1
jax: 0.10.2.dev20260603
libtpu: 0.0.44.dev20260713+nightly
codegen_flags: <defaults>
</compile_context>

<pallas_src>
import functools

import jax
import jax.numpy as jnp
from jax import lax
from jax.experimental import pallas as pl
from jax.experimental.pallas import tpu as pltpu
from jax.experimental.pallas import tpu_sc as plsc

TOKEN_SIZE = 23
D_MODEL = 1280
BATCH = 4
SEQ = 8192
N = BATCH * SEQ

NUM_CORES = 2
NUM_SUBCORES = 16
NW = NUM_CORES * NUM_SUBCORES
BPW = N // NW
R = 32
NCHUNK = BPW // R
TAB_PAD = 24
LANES = 16
KV = D_MODEL // LANES


def _build():
  mesh = plsc.VectorSubcoreMesh(core_axis_name="c", subcore_axis_name="s")

  @functools.partial(
      pl.kernel,
      mesh=mesh,
      out_type=jax.ShapeDtypeStruct((N, D_MODEL), jnp.float32),
      scratch_types=[
          pltpu.VMEM((8, 128), jnp.int32),
          pltpu.VMEM((TAB_PAD, D_MODEL), jnp.float32),
          pltpu.VMEM((R, D_MODEL), jnp.float32),
          pltpu.VMEM((R, D_MODEL), jnp.float32),
          pltpu.SemaphoreType.DMA,
          pltpu.SemaphoreType.DMA,
      ],
  )
  def emb_kernel(idx_hbm, table_hbm, out_hbm,
                 idx_v, tab_v, buf0, buf1, so0, so1):
    wid = lax.axis_index("s") * NUM_CORES + lax.axis_index("c")
    base = wid * BPW

    pltpu.async_copy(idx_hbm.at[wid], idx_v, so0)

    @pl.when(wid % 2 == 0)
    def _():
      pltpu.async_copy(table_hbm.at[pl.ds(0, 16)], tab_v.at[pl.ds(0, 16)],
                       so1)
      pltpu.async_copy(table_hbm.at[pl.ds(16, 8)], tab_v.at[pl.ds(16, 8)],
                       so1)

    @pl.when(wid % 2 == 1)
    def _():
      pltpu.async_copy(table_hbm.at[pl.ds(16, 8)], tab_v.at[pl.ds(16, 8)],
                       so1)
      pltpu.async_copy(table_hbm.at[pl.ds(0, 16)], tab_v.at[pl.ds(0, 16)],
                       so1)

    pltpu.make_async_copy(idx_hbm.at[wid], idx_v, so0).wait()
    pltpu.make_async_copy(table_hbm.at[pl.ds(0, 16)], tab_v.at[pl.ds(0, 16)],
                          so1).wait()
    pltpu.make_async_copy(table_hbm.at[pl.ds(16, 8)], tab_v.at[pl.ds(16, 8)],
                          so1).wait()

    bufs = (buf0, buf1)
    so = (so0, so1)

    def assemble(c, j):
      buf = bufs[j]

      def grp(g, carry):
        vec = idx_v[g >> 3, pl.ds((g & 7) * LANES, LANES)]
        base_i = (g & 1) * LANES
        rs = [vec[l] for l in range(LANES)]

        @plsc.parallel_loop(0, KV, unroll=8)
        def _copy(k):
          off = k * LANES
          for l in range(LANES):
            buf[base_i + l, pl.ds(off, LANES)] = tab_v[rs[l], pl.ds(off, LANES)]

        return carry

      lax.fori_loop(2 * c, 2 * c + 2, grp, None)

    def put(c, j):
      pltpu.async_copy(bufs[j], out_hbm.at[pl.ds(base + c * R, R)], so[j])

    def put_wait(c, j):
      pltpu.make_async_copy(
          bufs[j], out_hbm.at[pl.ds(base + c * R, R)], so[j]).wait()

    def body(p, _):
      c0 = 2 * p
      for j in range(2):
        c = c0 + j

        @pl.when(c >= 2)
        def _():
          put_wait(c - 2, j)

        assemble(c, j)
        put(c, j)
      return _

    lax.fori_loop(0, NCHUNK // 2, body, None)
    put_wait(NCHUNK - 2, 0)
    put_wait(NCHUNK - 1, 1)

  return emb_kernel


_emb = _build()


def kernel(x, embed_weight):
  idx = x.reshape(NW, 8, 128).astype(jnp.int32)
  table_pad = jnp.concatenate(
      [embed_weight,
       jnp.zeros((TAB_PAD - TOKEN_SIZE, D_MODEL), jnp.float32)], axis=0)
  out = _emb(idx, table_pad)
  return out.reshape(BATCH, SEQ, D_MODEL)

# --- scband reference (transcript-rebuilt; emitter-appended) ---
"""Pipeline reference for scband-embedder-79164837200678 (READ-ONLY COPY).

The authoritative reference and input builder live on the scoring server;
editing this copy changes nothing except your own understanding.
"""

import jax, jax.numpy as jnp
import numpy as np

TOKEN_SIZE = 23
D_MODEL = 1280
BATCH = 4
SEQ = 8192

def setup_inputs(seed: int = 0) -> dict:
    key = jax.random.key(seed)
    k_idx, k_w = jax.random.split(key)
    x = jax.random.randint(k_idx, (BATCH, SEQ), 0, TOKEN_SIZE, dtype=jnp.int64 if jax.config.jax_enable_x64 else jnp.int32)
    # nn.Embedding default init: N(0, 1)
    embed_weight = jax.random.normal(k_w, (TOKEN_SIZE, D_MODEL), dtype=jnp.float32)
    return {"x": x, "embed_weight": embed_weight}

def reference(x, embed_weight):
    # Embedder.forward: return self.embed(x) -> row gather from embedding table
    return jnp.take(embed_weight, x, axis=0)

if __name__ == "__main__":
    import jax
    _d = setup_inputs()
    print(jax.jit(kernel)(*tuple(_d.values())))

</pallas_src>

<mosaic_0001>
#map = affine_map<(d0, d1) -> (0, 0, 0)>
#map1 = affine_map<(d0, d1) -> (0, 0)>
module attributes {stable_mosaic.version = 14 : i64} {
  func.func @emb_kernel(%arg0: i32, %arg1: i32, %arg2: memref<32x8x128xi32, #tpu.memory_space<hbm>>, %arg3: memref<24x1280xf32, #tpu.memory_space<hbm>>, %arg4: memref<32768x1280xf32, #tpu.memory_space<hbm>>, %arg5: memref<8x128xi32, #tpu.memory_space<vmem>>, %arg6: memref<24x1280xf32, #tpu.memory_space<vmem>>, %arg7: memref<32x1280xf32, #tpu.memory_space<vmem>>, %arg8: memref<32x1280xf32, #tpu.memory_space<vmem>>, %arg9: memref<!tpu.dma_semaphore, #tpu.memory_space<semaphore_mem>>, %arg10: memref<!tpu.dma_semaphore, #tpu.memory_space<semaphore_mem>>) attributes {dimension_semantics = [#tpu.dimension_semantics<core_parallel>, #tpu.dimension_semantics<subcore_parallel>], iteration_bounds = array<i64: 2, 16>, scalar_prefetch = 0 : i64, scratch_operands = 6 : i64, tpu.core_type = #tpu.core_type<sc_vector_subcore>, window_params = [{transform_indices = #map}, {transform_indices = #map1}, {transform_indices = #map1}]} {
    %mul3A = arith.constant 2 : i32
    %mul3A_0 = arith.muli %arg1, %mul3A : i32
    %add3A = arith.addi %mul3A_0, %arg0 : i32
    %mul3A_1 = arith.constant 1024 : i32
    %mul3A_2 = arith.muli %add3A, %mul3A_1 : i32
    %dma_start3A = arith.constant 0 : i32
    %dma_start3A_3 = arith.constant 0 : i32
    %dma_start3A_4 = tpu.memref_slice %arg2[%add3A, %dma_start3A, %dma_start3A_3] : memref<32x8x128xi32, #tpu.memory_space<hbm>> -> memref<1x8x128xi32, #tpu.memory_space<hbm>>
    %dma_start3A_5 = tpu.memref_squeeze %dma_start3A_4 : memref<1x8x128xi32, #tpu.memory_space<hbm>> -> memref<8x128xi32, #tpu.memory_space<hbm>>
    %dma_start3A_6 = arith.constant 0 : i32
    %dma_start3A_7 = arith.constant 0 : i32
    %dma_start3A_8 = tpu.memref_slice %arg2[%add3A, %dma_start3A_6, %dma_start3A_7] : memref<32x8x128xi32, #tpu.memory_space<hbm>> -> memref<1x8x128xi32, #tpu.memory_space<hbm>>
    %dma_start3A_9 = tpu.memref_squeeze %dma_start3A_8 : memref<1x8x128xi32, #tpu.memory_space<hbm>> -> memref<8x128xi32, #tpu.memory_space<hbm>>
    tpu.enqueue_dma source(%dma_start3A_9 : memref<8x128xi32, #tpu.memory_space<hbm>>) target(%arg5 : memref<8x128xi32, #tpu.memory_space<vmem>>) target_semaphore(%arg9 : memref<!tpu.dma_semaphore, #tpu.memory_space<semaphore_mem>>)
    %jit3A = arith.constant 2 : i32
    %eq3A = arith.constant 0 : i32
    %eq3A_10 = arith.cmpi eq, %jit3A, %eq3A : i32
    %jit3A_11 = arith.constant 1 : i32
    %select_n3A = arith.select %eq3A_10, %jit3A_11, %jit3A : i32
    %rem3A = arith.remsi %add3A, %select_n3A : i32
    %ne3A = arith.constant 0 : i32
    %ne3A_12 = arith.cmpi ne, %rem3A, %ne3A : i32
    %lt3A = arith.constant 0 : i32
    %lt3A_13 = arith.cmpi slt, %rem3A, %lt3A : i32
    %lt3A_14 = arith.constant 0 : i32
    %lt3A_15 = arith.cmpi slt, %select_n3A, %lt3A_14 : i32
    %ne3A_16 = arith.xori %lt3A_13, %lt3A_15 : i1
    %and3A = arith.andi %ne3A_16, %ne3A_12 : i1
    %add3A_17 = arith.addi %rem3A, %select_n3A : i32
    %select_n3A_18 = arith.select %and3A, %add3A_17, %rem3A : i32
    %eq3A_19 = arith.constant 0 : i32
    %eq3A_20 = arith.cmpi eq, %select_n3A_18, %eq3A_19 : i32
    %convert_element_type3A = arith.extui %eq3A_20 : i1 to i32
    %cond3A = arith.constant 0 : i32
    %cond3A_21 = arith.cmpi ne, %convert_element_type3A, %cond3A : i32
    scf.if %cond3A_21 {
      %dma_start3A_90 = arith.constant 0 : i32
      %dma_start3A_91 = arith.constant 0 : i32
      %dma_start3A_92 = tpu.memref_slice %arg6[%dma_start3A_90, %dma_start3A_91] : memref<24x1280xf32, #tpu.memory_space<vmem>> -> memref<16x1280xf32, #tpu.memory_space<vmem>>
      %dma_start3A_93 = arith.constant 0 : i32
      %dma_start3A_94 = arith.constant 0 : i32
      %dma_start3A_95 = tpu.memref_slice %arg3[%dma_start3A_93, %dma_start3A_94] : memref<24x1280xf32, #tpu.memory_space<hbm>> -> memref<16x1280xf32, #tpu.memory_space<hbm>>
      %dma_start3A_96 = arith.constant 0 : i32
      %dma_start3A_97 = arith.constant 0 : i32
      %dma_start3A_98 = tpu.memref_slice %arg6[%dma_start3A_96, %dma_start3A_97] : memref<24x1280xf32, #tpu.memory_space<vmem>> -> memref<16x1280xf32, #tpu.memory_space<vmem>>
      %dma_start3A_99 = arith.constant 0 : i32
      %dma_start3A_100 = arith.constant 0 : i32
      %dma_start3A_101 = tpu.memref_slice %arg3[%dma_start3A_99, %dma_start3A_100] : memref<24x1280xf32, #tpu.memory_space<hbm>> -> memref<16x1280xf32, #tpu.memory_space<hbm>>
      tpu.enqueue_dma source(%dma_start3A_101 : memref<16x1280xf32, #tpu.memory_space<hbm>>) target(%dma_start3A_98 : memref<16x1280xf32, #tpu.memory_space<vmem>>) target_semaphore(%arg10 : memref<!tpu.dma_semaphore, #tpu.memory_space<semaphore_mem>>)
      %dma_start3A_102 = arith.constant 16 : i32
      %dma_start3A_103 = arith.constant 0 : i32
      %dma_start3A_104 = tpu.memref_slice %arg6[%dma_start3A_102, %dma_start3A_103] : memref<24x1280xf32, #tpu.memory_space<vmem>> -> memref<8x1280xf32, #tpu.memory_space<vmem>>
      %dma_start3A_105 = arith.constant 16 : i32
      %dma_start3A_106 = arith.constant 0 : i32
      %dma_start3A_107 = tpu.memref_slice %arg3[%dma_start3A_105, %dma_start3A_106] : memref<24x1280xf32, #tpu.memory_space<hbm>> -> memref<8x1280xf32, #tpu.memory_space<hbm>>
      %dma_start3A_108 = arith.constant 16 : i32
      %dma_start3A_109 = arith.constant 0 : i32
      %dma_start3A_110 = tpu.memref_slice %arg6[%dma_start3A_108, %dma_start3A_109] : memref<24x1280xf32, #tpu.memory_space<vmem>> -> memref<8x1280xf32, #tpu.memory_space<vmem>>
      %dma_start3A_111 = arith.constant 16 : i32
      %dma_start3A_112 = arith.constant 0 : i32
      %dma_start3A_113 = tpu.memref_slice %arg3[%dma_start3A_111, %dma_start3A_112] : memref<24x1280xf32, #tpu.memory_space<hbm>> -> memref<8x1280xf32, #tpu.memory_space<hbm>>
      tpu.enqueue_dma source(%dma_start3A_113 : memref<8x1280xf32, #tpu.memory_space<hbm>>) target(%dma_start3A_110 : memref<8x1280xf32, #tpu.memory_space<vmem>>) target_semaphore(%arg10 : memref<!tpu.dma_semaphore, #tpu.memory_space<semaphore_mem>>)
    } else {
    }
    %jit3A_22 = arith.constant 2 : i32
    %eq3A_23 = arith.constant 0 : i32
    %eq3A_24 = arith.cmpi eq, %jit3A_22, %eq3A_23 : i32
    %jit3A_25 = arith.constant 1 : i32
    %select_n3A_26 = arith.select %eq3A_24, %jit3A_25, %jit3A_22 : i32
    %rem3A_27 = arith.remsi %add3A, %select_n3A_26 : i32
    %ne3A_28 = arith.constant 0 : i32
    %ne3A_29 = arith.cmpi ne, %rem3A_27, %ne3A_28 : i32
    %lt3A_30 = arith.constant 0 : i32
    %lt3A_31 = arith.cmpi slt, %rem3A_27, %lt3A_30 : i32
    %lt3A_32 = arith.constant 0 : i32
    %lt3A_33 = arith.cmpi slt, %select_n3A_26, %lt3A_32 : i32
    %ne3A_34 = arith.xori %lt3A_31, %lt3A_33 : i1
    %and3A_35 = arith.andi %ne3A_34, %ne3A_29 : i1
    %add3A_36 = arith.addi %rem3A_27, %select_n3A_26 : i32
    %select_n3A_37 = arith.select %and3A_35, %add3A_36, %rem3A_27 : i32
    %eq3A_38 = arith.constant 1 : i32
    %eq3A_39 = arith.cmpi eq, %select_n3A_37, %eq3A_38 : i32
    %convert_element_type3A_40 = arith.extui %eq3A_39 : i1 to i32
    %cond3A_41 = arith.constant 0 : i32
    %cond3A_42 = arith.cmpi ne, %convert_element_type3A_40, %cond3A_41 : i32
    scf.if %cond3A_42 {
      %dma_start3A_90 = arith.constant 16 : i32
      %dma_start3A_91 = arith.constant 0 : i32
      %dma_start3A_92 = tpu.memref_slice %arg6[%dma_start3A_90, %dma_start3A_91] : memref<24x1280xf32, #tpu.memory_space<vmem>> -> memref<8x1280xf32, #tpu.memory_space<vmem>>
      %dma_start3A_93 = arith.constant 16 : i32
      %dma_start3A_94 = arith.constant 0 : i32
      %dma_start3A_95 = tpu.memref_slice %arg3[%dma_start3A_93, %dma_start3A_94] : memref<24x1280xf32, #tpu.memory_space<hbm>> -> memref<8x1280xf32, #tpu.memory_space<hbm>>
      %dma_start3A_96 = arith.constant 16 : i32
      %dma_start3A_97 = arith.constant 0 : i32
      %dma_start3A_98 = tpu.memref_slice %arg6[%dma_start3A_96, %dma_start3A_97] : memref<24x1280xf32, #tpu.memory_space<vmem>> -> memref<8x1280xf32, #tpu.memory_space<vmem>>
      %dma_start3A_99 = arith.constant 16 : i32
      %dma_start3A_100 = arith.constant 0 : i32
      %dma_start3A_101 = tpu.memref_slice %arg3[%dma_start3A_99, %dma_start3A_100] : memref<24x1280xf32, #tpu.memory_space<hbm>> -> memref<8x1280xf32, #tpu.memory_space<hbm>>
      tpu.enqueue_dma source(%dma_start3A_101 : memref<8x1280xf32, #tpu.memory_space<hbm>>) target(%dma_start3A_98 : memref<8x1280xf32, #tpu.memory_space<vmem>>) target_semaphore(%arg10 : memref<!tpu.dma_semaphore, #tpu.memory_space<semaphore_mem>>)
      %dma_start3A_102 = arith.constant 0 : i32
      %dma_start3A_103 = arith.constant 0 : i32
      %dma_start3A_104 = tpu.memref_slice %arg6[%dma_start3A_102, %dma_start3A_103] : memref<24x1280xf32, #tpu.memory_space<vmem>> -> memref<16x1280xf32, #tpu.memory_space<vmem>>
      %dma_start3A_105 = arith.constant 0 : i32
      %dma_start3A_106 = arith.constant 0 : i32
      %dma_start3A_107 = tpu.memref_slice %arg3[%dma_start3A_105, %dma_start3A_106] : memref<24x1280xf32, #tpu.memory_space<hbm>> -> memref<16x1280xf32, #tpu.memory_space<hbm>>
      %dma_start3A_108 = arith.constant 0 : i32
      %dma_start3A_109 = arith.constant 0 : i32
      %dma_start3A_110 = tpu.memref_slice %arg6[%dma_start3A_108, %dma_start3A_109] : memref<24x1280xf32, #tpu.memory_space<vmem>> -> memref<16x1280xf32, #tpu.memory_space<vmem>>
      %dma_start3A_111 = arith.constant 0 : i32
      %dma_start3A_112 = arith.constant 0 : i32
      %dma_start3A_113 = tpu.memref_slice %arg3[%dma_start3A_111, %dma_start3A_112] : memref<24x1280xf32, #tpu.memory_space<hbm>> -> memref<16x1280xf32, #tpu.memory_space<hbm>>
      tpu.enqueue_dma source(%dma_start3A_113 : memref<16x1280xf32, #tpu.memory_space<hbm>>) target(%dma_start3A_110 : memref<16x1280xf32, #tpu.memory_space<vmem>>) target_semaphore(%arg10 : memref<!tpu.dma_semaphore, #tpu.memory_space<semaphore_mem>>)
    } else {
    }
    %dma_wait3A = arith.constant 0 : i32
    %dma_wait3A_43 = arith.constant 0 : i32
    %dma_wait3A_44 = tpu.memref_slice %arg2[%add3A, %dma_wait3A, %dma_wait3A_43] : memref<32x8x128xi32, #tpu.memory_space<hbm>> -> memref<1x8x128xi32, #tpu.memory_space<hbm>>
    %dma_wait3A_45 = tpu.memref_squeeze %dma_wait3A_44 : memref<1x8x128xi32, #tpu.memory_space<hbm>> -> memref<8x128xi32, #tpu.memory_space<hbm>>
    %dma_wait3A_46 = arith.constant 0 : i32
    %dma_wait3A_47 = arith.constant 0 : i32
    %dma_wait3A_48 = tpu.memref_slice %arg2[%add3A, %dma_wait3A_46, %dma_wait3A_47] : memref<32x8x128xi32, #tpu.memory_space<hbm>> -> memref<1x8x128xi32, #tpu.memory_space<hbm>>
    %dma_wait3A_49 = tpu.memref_squeeze %dma_wait3A_48 : memref<1x8x128xi32, #tpu.memory_space<hbm>> -> memref<8x128xi32, #tpu.memory_space<hbm>>
    tpu.wait_dma2 semaphore(%arg9 : memref<!tpu.dma_semaphore, #tpu.memory_space<semaphore_mem>>) src(%dma_wait3A_49 : memref<8x128xi32, #tpu.memory_space<hbm>>) dst(%arg5 : memref<8x128xi32, #tpu.memory_space<vmem>>)
    %dma_wait3A_50 = arith.constant 0 : i32
    %dma_wait3A_51 = arith.constant 0 : i32
    %dma_wait3A_52 = tpu.memref_slice %arg6[%dma_wait3A_50, %dma_wait3A_51] : memref<24x1280xf32, #tpu.memory_space<vmem>> -> memref<16x1280xf32, #tpu.memory_space<vmem>>
    %dma_wait3A_53 = arith.constant 0 : i32
    %dma_wait3A_54 = arith.constant 0 : i32
    %dma_wait3A_55 = tpu.memref_slice %arg3[%dma_wait3A_53, %dma_wait3A_54] : memref<24x1280xf32, #tpu.memory_space<hbm>> -> memref<16x1280xf32, #tpu.memory_space<hbm>>
    %dma_wait3A_56 = arith.constant 0 : i32
    %dma_wait3A_57 = arith.constant 0 : i32
    %dma_wait3A_58 = tpu.memref_slice %arg6[%dma_wait3A_56, %dma_wait3A_57] : memref<24x1280xf32, #tpu.memory_space<vmem>> -> memref<16x1280xf32, #tpu.memory_space<vmem>>
    %dma_wait3A_59 = arith.constant 0 : i32
    %dma_wait3A_60 = arith.constant 0 : i32
    %dma_wait3A_61 = tpu.memref_slice %arg3[%dma_wait3A_59, %dma_wait3A_60] : memref<24x1280xf32, #tpu.memory_space<hbm>> -> memref<16x1280xf32, #tpu.memory_space<hbm>>
    tpu.wait_dma2 semaphore(%arg10 : memref<!tpu.dma_semaphore, #tpu.memory_space<semaphore_mem>>) src(%dma_wait3A_61 : memref<16x1280xf32, #tpu.memory_space<hbm>>) dst(%dma_wait3A_58 : memref<16x1280xf32, #tpu.memory_space<vmem>>)
    %dma_wait3A_62 = arith.constant 16 : i32
    %dma_wait3A_63 = arith.constant 0 : i32
    %dma_wait3A_64 = tpu.memref_slice %arg6[%dma_wait3A_62, %dma_wait3A_63] : memref<24x1280xf32, #tpu.memory_space<vmem>> -> memref<8x1280xf32, #tpu.memory_space<vmem>>
    %dma_wait3A_65 = arith.constant 16 : i32
    %dma_wait3A_66 = arith.constant 0 : i32
    %dma_wait3A_67 = tpu.memref_slice %arg3[%dma_wait3A_65, %dma_wait3A_66] : memref<24x1280xf32, #tpu.memory_space<hbm>> -> memref<8x1280xf32, #tpu.memory_space<hbm>>
    %dma_wait3A_68 = arith.constant 16 : i32
    %dma_wait3A_69 = arith.constant 0 : i32
    %dma_wait3A_70 = tpu.memref_slice %arg6[%dma_wait3A_68, %dma_wait3A_69] : memref<24x1280xf32, #tpu.memory_space<vmem>> -> memref<8x1280xf32, #tpu.memory_space<vmem>>
    %dma_wait3A_71 = arith.constant 16 : i32
    %dma_wait3A_72 = arith.constant 0 : i32
    %dma_wait3A_73 = tpu.memref_slice %arg3[%dma_wait3A_71, %dma_wait3A_72] : memref<24x1280xf32, #tpu.memory_space<hbm>> -> memref<8x1280xf32, #tpu.memory_space<hbm>>
    tpu.wait_dma2 semaphore(%arg10 : memref<!tpu.dma_semaphore, #tpu.memory_space<semaphore_mem>>) src(%dma_wait3A_73 : memref<8x1280xf32, #tpu.memory_space<hbm>>) dst(%dma_wait3A_70 : memref<8x1280xf32, #tpu.memory_space<vmem>>)
    %scan3A = arith.constant 0 : i32
    %scan3A_74 = arith.constant 16 : i32
    %scan3A_75 = arith.addi %scan3A, %scan3A_74 : i32
    %scan3A_76 = arith.constant 1 : i32
    scf.for %scan3A_90 = %scan3A to %scan3A_75 step %scan3A_76  : i32 {
      %mul3A_91 = arith.constant 2 : i32
      %mul3A_92 = arith.muli %mul3A_91, %scan3A_90 : i32
      %add3A_93 = arith.constant 0 : i32
      %add3A_94 = arith.addi %mul3A_92, %add3A_93 : i32
      %ge3A = arith.constant 2 : i32
      %ge3A_95 = arith.cmpi sge, %add3A_94, %ge3A : i32
      %convert_element_type3A_96 = arith.extui %ge3A_95 : i1 to i32
      %cond3A_97 = arith.constant 0 : i32
      %cond3A_98 = arith.cmpi ne, %convert_element_type3A_96, %cond3A_97 : i32
      scf.if %cond3A_98 {
        %sub3A = arith.constant 2 : i32
        %sub3A_147 = arith.subi %add3A_94, %sub3A : i32
        %mul3A_148 = arith.constant 32 : i32
        %mul3A_149 = arith.muli %sub3A_147, %mul3A_148 : i32
        %add3A_150 = arith.addi %mul3A_2, %mul3A_149 : i32
        %dma_wait3A_151 = arith.constant 0 : i32
        %dma_wait3A_152 = tpu.memref_slice %arg4[%add3A_150, %dma_wait3A_151] : memref<32768x1280xf32, #tpu.memory_space<hbm>> -> memref<32x1280xf32, #tpu.memory_space<hbm>>
        %dma_wait3A_153 = arith.constant 0 : i32
        %dma_wait3A_154 = tpu.memref_slice %arg4[%add3A_150, %dma_wait3A_153] : memref<32768x1280xf32, #tpu.memory_space<hbm>> -> memref<32x1280xf32, #tpu.memory_space<hbm>>
        tpu.wait_dma2 semaphore(%arg9 : memref<!tpu.dma_semaphore, #tpu.memory_space<semaphore_mem>>) src(%arg7 : memref<32x1280xf32, #tpu.memory_space<vmem>>) dst(%dma_wait3A_154 : memref<32x1280xf32, #tpu.memory_space<hbm>>)
      } else {
      }
      %mul3A_99 = arith.constant 2 : i32
      %mul3A_100 = arith.muli %mul3A_99, %add3A_94 : i32
      %mul3A_101 = arith.constant 2 : i32
      %mul3A_102 = arith.muli %mul3A_101, %add3A_94 : i32
      %add3A_103 = arith.constant 2 : i32
      %add3A_104 = arith.addi %mul3A_102, %add3A_103 : i32
      %while3A = arith.subi %add3A_104, %mul3A_100 : i32
      %while3A_105 = arith.addi %mul3A_100, %while3A : i32
      %while3A_106 = arith.constant 1 : i32
      %while3A_107 = arith.divsi %while3A, %while3A_106 : i32
      %while3A_108 = arith.muli %while3A_107, %while3A_106 : i32
      %while3A_109 = arith.addi %mul3A_100, %while3A_108 : i32
      %while3A_110 = arith.constant 1 : i32
      scf.for %while3A_147 = %mul3A_100 to %while3A_109 step %while3A_110  : i32 {
        %shift_right_arithmetic3A = arith.constant 3 : i32
        %shift_right_arithmetic3A_148 = arith.shrsi %while3A_147, %shift_right_arithmetic3A : i32
        %and3A_149 = arith.constant 7 : i32
        %and3A_150 = arith.andi %while3A_147, %and3A_149 : i32
        %mul3A_151 = arith.constant 16 : i32
        %mul3A_152 = arith.muli %and3A_150, %mul3A_151 : i32
        %get3A = arith.index_cast %shift_right_arithmetic3A_148 : i32 to index
        %get3A_153 = arith.index_cast %mul3A_152 : i32 to index
        %get3A_154 = tpu.vector_load %arg5[%get3A, %get3A_153] {strides = array<i32>} : memref<8x128xi32, #tpu.memory_space<vmem>>, vector<1x16xi32>,
        %get3A_155 = vector.shape_cast %get3A_154 : vector<1x16xi32> to vector<16xi32>
        %and3A_156 = arith.constant 1 : i32
        %and3A_157 = arith.andi %while3A_147, %and3A_156 : i32
        %mul3A_158 = arith.constant 16 : i32
        %mul3A_159 = arith.muli %and3A_157, %mul3A_158 : i32
        %slice3A = vector.extract_strided_slice %get3A_155 {offsets = [0], sizes = [1], strides = [1]} : vector<16xi32> to vector<1xi32>
        %squeeze3A = vector.extract %slice3A[0] : i32 from vector<1xi32>
        %slice3A_160 = vector.extract_strided_slice %get3A_155 {offsets = [1], sizes = [1], strides = [1]} : vector<16xi32> to vector<1xi32>
        %squeeze3A_161 = vector.extract %slice3A_160[0] : i32 from vector<1xi32>
        %slice3A_162 = vector.extract_strided_slice %get3A_155 {offsets = [2], sizes = [1], strides = [1]} : vector<16xi32> to vector<1xi32>
        %squeeze3A_163 = vector.extract %slice3A_162[0] : i32 from vector<1xi32>
        %slice3A_164 = vector.extract_strided_slice %get3A_155 {offsets = [3], sizes = [1], strides = [1]} : vector<16xi32> to vector<1xi32>
        %squeeze3A_165 = vector.extract %slice3A_164[0] : i32 from vector<1xi32>
        %slice3A_166 = vector.extract_strided_slice %get3A_155 {offsets = [4], sizes = [1], strides = [1]} : vector<16xi32> to vector<1xi32>
        %squeeze3A_167 = vector.extract %slice3A_166[0] : i32 from vector<1xi32>
        %slice3A_168 = vector.extract_strided_slice %get3A_155 {offsets = [5], sizes = [1], strides = [1]} : vector<16xi32> to vector<1xi32>
        %squeeze3A_169 = vector.extract %slice3A_168[0] : i32 from vector<1xi32>
        %slice3A_170 = vector.extract_strided_slice %get3A_155 {offsets = [6], sizes = [1], strides = [1]} : vector<16xi32> to vector<1xi32>
        %squeeze3A_171 = vector.extract %slice3A_170[0] : i32 from vector<1xi32>
        %slice3A_172 = vector.extract_strided_slice %get3A_155 {offsets = [7], sizes = [1], strides = [1]} : vector<16xi32> to vector<1xi32>
        %squeeze3A_173 = vector.extract %slice3A_172[0] : i32 from vector<1xi32>
        %slice3A_174 = vector.extract_strided_slice %get3A_155 {offsets = [8], sizes = [1], strides = [1]} : vector<16xi32> to vector<1xi32>
        %squeeze3A_175 = vector.extract %slice3A_174[0] : i32 from vector<1xi32>
        %slice3A_176 = vector.extract_strided_slice %get3A_155 {offsets = [9], sizes = [1], strides = [1]} : vector<16xi32> to vector<1xi32>
        %squeeze3A_177 = vector.extract %slice3A_176[0] : i32 from vector<1xi32>
        %slice3A_178 = vector.extract_strided_slice %get3A_155 {offsets = [10], sizes = [1], strides = [1]} : vector<16xi32> to vector<1xi32>
        %squeeze3A_179 = vector.extract %slice3A_178[0] : i32 from vector<1xi32>
        %slice3A_180 = vector.extract_strided_slice %get3A_155 {offsets = [11], sizes = [1], strides = [1]} : vector<16xi32> to vector<1xi32>
        %squeeze3A_181 = vector.extract %slice3A_180[0] : i32 from vector<1xi32>
        %slice3A_182 = vector.extract_strided_slice %get3A_155 {offsets = [12], sizes = [1], strides = [1]} : vector<16xi32> to vector<1xi32>
        %squeeze3A_183 = vector.extract %slice3A_182[0] : i32 from vector<1xi32>
        %slice3A_184 = vector.extract_strided_slice %get3A_155 {offsets = [13], sizes = [1], strides = [1]} : vector<16xi32> to vector<1xi32>
        %squeeze3A_185 = vector.extract %slice3A_184[0] : i32 from vector<1xi32>
        %slice3A_186 = vector.extract_strided_slice %get3A_155 {offsets = [14], sizes = [1], strides = [1]} : vector<16xi32> to vector<1xi32>
        %squeeze3A_187 = vector.extract %slice3A_186[0] : i32 from vector<1xi32>
        %slice3A_188 = vector.extract_strided_slice %get3A_155 {offsets = [15], sizes = [1], strides = [1]} : vector<16xi32> to vector<1xi32>
        %squeeze3A_189 = vector.extract %slice3A_188[0] : i32 from vector<1xi32>
        %parallel_loop3A = arith.constant 0 : i32
        %parallel_loop3A_190 = arith.constant 80 : i32
        %parallel_loop3A_191 = arith.constant 1 : i32
        scf.for %parallel_loop3A_192 = %parallel_loop3A to %parallel_loop3A_190 step %parallel_loop3A_191  : i32 {
          %parallel_loop3A_193 = arith.constant 16 : i32
          %parallel_loop3A_194 = arith.muli %parallel_loop3A_192, %parallel_loop3A_193 : i32
          %parallel_loop3A_195 = arith.index_cast %squeeze3A : i32 to index
          %parallel_loop3A_196 = arith.index_cast %parallel_loop3A_194 : i32 to index
          %parallel_loop3A_197 = tpu.vector_load %arg6[%parallel_loop3A_195, %parallel_loop3A_196] {strides = array<i32>} : memref<24x1280xf32, #tpu.memory_space<vmem>>, vector<1x16xf32>,
          %parallel_loop3A_198 = vector.shape_cast %parallel_loop3A_197 : vector<1x16xf32> to vector<16xf32>
          %parallel_loop3A_199 = arith.constant 0 : i32
          %parallel_loop3A_200 = arith.addi %mul3A_159, %parallel_loop3A_199 : i32
          %parallel_loop3A_201 = arith.index_cast %parallel_loop3A_200 : i32 to index
          %parallel_loop3A_202 = arith.index_cast %parallel_loop3A_194 : i32 to index
          %parallel_loop3A_203 = tpu.vector_load %arg7[%parallel_loop3A_201, %parallel_loop3A_202] {strides = array<i32>} : memref<32x1280xf32, #tpu.memory_space<vmem>>, vector<1x16xf32>,
          %parallel_loop3A_204 = vector.shape_cast %parallel_loop3A_203 : vector<1x16xf32> to vector<16xf32>
          %parallel_loop3A_205 = vector.shape_cast %parallel_loop3A_198 : vector<16xf32> to vector<1x16xf32>
          tpu.vector_store %arg7[%parallel_loop3A_201, %parallel_loop3A_202], %parallel_loop3A_205 {strides = array<i32>} : memref<32x1280xf32, #tpu.memory_space<vmem>>, vector<1x16xf32>,
          %parallel_loop3A_206 = arith.index_cast %squeeze3A_161 : i32 to index
          %parallel_loop3A_207 = arith.index_cast %parallel_loop3A_194 : i32 to index
          %parallel_loop3A_208 = tpu.vector_load %arg6[%parallel_loop3A_206, %parallel_loop3A_207] {strides = array<i32>} : memref<24x1280xf32, #tpu.memory_space<vmem>>, vector<1x16xf32>,
          %parallel_loop3A_209 = vector.shape_cast %parallel_loop3A_208 : vector<1x16xf32> to vector<16xf32>
          %parallel_loop3A_210 = arith.constant 1 : i32
          %parallel_loop3A_211 = arith.addi %mul3A_159, %parallel_loop3A_210 : i32
          %parallel_loop3A_212 = arith.index_cast %parallel_loop3A_211 : i32 to index
          %parallel_loop3A_213 = arith.index_cast %parallel_loop3A_194 : i32 to index
          %parallel_loop3A_214 = tpu.vector_load %arg7[%parallel_loop3A_212, %parallel_loop3A_213] {strides = array<i32>} : memref<32x1280xf32, #tpu.memory_space<vmem>>, vector<1x16xf32>,
          %parallel_loop3A_215 = vector.shape_cast %parallel_loop3A_214 : vector<1x16xf32> to vector<16xf32>
          %parallel_loop3A_216 = vector.shape_cast %parallel_loop3A_209 : vector<16xf32> to vector<1x16xf32>
          tpu.vector_store %arg7[%parallel_loop3A_212, %parallel_loop3A_213], %parallel_loop3A_216 {strides = array<i32>} : memref<32x1280xf32, #tpu.memory_space<vmem>>, vector<1x16xf32>,
          %parallel_loop3A_217 = arith.index_cast %squeeze3A_163 : i32 to index
          %parallel_loop3A_218 = arith.index_cast %parallel_loop3A_194 : i32 to index
          %parallel_loop3A_219 = tpu.vector_load %arg6[%parallel_loop3A_217, %parallel_loop3A_218] {strides = array<i32>} : memref<24x1280xf32, #tpu.memory_space<vmem>>, vector<1x16xf32>,
          %parallel_loop3A_220 = vector.shape_cast %parallel_loop3A_219 : vector<1x16xf32> to vector<16xf32>
          %parallel_loop3A_221 = arith.constant 2 : i32
          %parallel_loop3A_222 = arith.addi %mul3A_159, %parallel_loop3A_221 : i32
          %parallel_loop3A_223 = arith.index_cast %parallel_loop3A_222 : i32 to index
          %parallel_loop3A_224 = arith.index_cast %parallel_loop3A_194 : i32 to index
          %parallel_loop3A_225 = tpu.vector_load %arg7[%parallel_loop3A_223, %parallel_loop3A_224] {strides = array<i32>} : memref<32x1280xf32, #tpu.memory_space<vmem>>, vector<1x16xf32>,
          %parallel_loop3A_226 = vector.shape_cast %parallel_loop3A_225 : vector<1x16xf32> to vector<16xf32>
          %parallel_loop3A_227 = vector.shape_cast %parallel_loop3A_220 : vector<16xf32> to vector<1x16xf32>
          tpu.vector_store %arg7[%parallel_loop3A_223, %parallel_loop3A_224], %parallel_loop3A_227 {strides = array<i32>} : memref<32x1280xf32, #tpu.memory_space<vmem>>, vector<1x16xf32>,
          %parallel_loop3A_228 = arith.index_cast %squeeze3A_165 : i32 to index
          %parallel_loop3A_229 = arith.index_cast %parallel_loop3A_194 : i32 to index
          %parallel_loop3A_230 = tpu.vector_load %arg6[%parallel_loop3A_228, %parallel_loop3A_229] {strides = array<i32>} : memref<24x1280xf32, #tpu.memory_space<vmem>>, vector<1x16xf32>,
          %parallel_loop3A_231 = vector.shape_cast %parallel_loop3A_230 : vector<1x16xf32> to vector<16xf32>
          %parallel_loop3A_232 = arith.constant 3 : i32
          %parallel_loop3A_233 = arith.addi %mul3A_159, %parallel_loop3A_232 : i32
          %parallel_loop3A_234 = arith.index_cast %parallel_loop3A_233 : i32 to index
          %parallel_loop3A_235 = arith.index_cast %parallel_loop3A_194 : i32 to index
          %parallel_loop3A_236 = tpu.vector_load %arg7[%parallel_loop3A_234, %parallel_loop3A_235] {strides = array<i32>} : memref<32x1280xf32, #tpu.memory_space<vmem>>, vector<1x16xf32>,
          %parallel_loop3A_237 = vector.shape_cast %parallel_loop3A_236 : vector<1x16xf32> to vector<16xf32>
          %parallel_loop3A_238 = vector.shape_cast %parallel_loop3A_231 : vector<16xf32> to vector<1x16xf32>
          tpu.vector_store %arg7[%parallel_loop3A_234, %parallel_loop3A_235], %parallel_loop3A_238 {strides = array<i32>} : memref<32x1280xf32, #tpu.memory_space<vmem>>, vector<1x16xf32>,
          %parallel_loop3A_239 = arith.index_cast %squeeze3A_167 : i32 to index
          %parallel_loop3A_240 = arith.index_cast %parallel_loop3A_194 : i32 to index
          %parallel_loop3A_241 = tpu.vector_load %arg6[%parallel_loop3A_239, %parallel_loop3A_240] {strides = array<i32>} : memref<24x1280xf32, #tpu.memory_space<vmem>>, vector<1x16xf32>,
          %parallel_loop3A_242 = vector.shape_cast %parallel_loop3A_241 : vector<1x16xf32> to vector<16xf32>
          %parallel_loop3A_243 = arith.constant 4 : i32
          %parallel_loop3A_244 = arith.addi %mul3A_159, %parallel_loop3A_243 : i32
          %parallel_loop3A_245 = arith.index_cast %parallel_loop3A_244 : i32 to index
          %parallel_loop3A_246 = arith.index_cast %parallel_loop3A_194 : i32 to index
          %parallel_loop3A_247 = tpu.vector_load %arg7[%parallel_loop3A_245, %parallel_loop3A_246] {strides = array<i32>} : memref<32x1280xf32, #tpu.memory_space<vmem>>, vector<1x16xf32>,
          %parallel_loop3A_248 = vector.shape_cast %parallel_loop3A_247 : vector<1x16xf32> to vector<16xf32>
          %parallel_loop3A_249 = vector.shape_cast %parallel_loop3A_242 : vector<16xf32> to vector<1x16xf32>
          tpu.vector_store %arg7[%parallel_loop3A_245, %parallel_loop3A_246], %parallel_loop3A_249 {strides = array<i32>} : memref<32x1280xf32, #tpu.memory_space<vmem>>, vector<1x16xf32>,
          %parallel_loop3A_250 = arith.index_cast %squeeze3A_169 : i32 to index
          %parallel_loop3A_251 = arith.index_cast %parallel_loop3A_194 : i32 to index
          %parallel_loop3A_252 = tpu.vector_load %arg6[%parallel_loop3A_250, %parallel_loop3A_251] {strides = array<i32>} : memref<24x1280xf32, #tpu.memory_space<vmem>>, vector<1x16xf32>,
          %parallel_loop3A_253 = vector.shape_cast %parallel_loop3A_252 : vector<1x16xf32> to vector<16xf32>
          %parallel_loop3A_254 = arith.constant 5 : i32
          %parallel_loop3A_255 = arith.addi %mul3A_159, %parallel_loop3A_254 : i32
          %parallel_loop3A_256 = arith.index_cast %parallel_loop3A_255 : i32 to index
          %parallel_loop3A_257 = arith.index_cast %parallel_loop3A_194 : i32 to index
          %parallel_loop3A_258 = tpu.vector_load %arg7[%parallel_loop3A_256, %parallel_loop3A_257] {strides = array<i32>} : memref<32x1280xf32, #tpu.memory_space<vmem>>, vector<1x16xf32>,
          %parallel_loop3A_259 = vector.shape_cast %parallel_loop3A_258 : vector<1x16xf32> to vector<16xf32>
          %parallel_loop3A_260 = vector.shape_cast %parallel_loop3A_253 : vector<16xf32> to vector<1x16xf32>
          tpu.vector_store %arg7[%parallel_loop3A_256, %parallel_loop3A_257], %parallel_loop3A_260 {strides = array<i32>} : memref<32x1280xf32, #tpu.memory_space<vmem>>, vector<1x16xf32>,
          %parallel_loop3A_261 = arith.index_cast %squeeze3A_171 : i32 to index
          %parallel_loop3A_262 = arith.index_cast %parallel_loop3A_194 : i32 to index
          %parallel_loop3A_263 = tpu.vector_load %arg6[%parallel_loop3A_261, %parallel_loop3A_262] {strides = array<i32>} : memref<24x1280xf32, #tpu.memory_space<vmem>>, vector<1x16xf32>,
          %parallel_loop3A_264 = vector.shape_cast %parallel_loop3A_263 : vector<1x16xf32> to vector<16xf32>
          %parallel_loop3A_265 = arith.constant 6 : i32
          %parallel_loop3A_266 = arith.addi %mul3A_159, %parallel_loop3A_265 : i32
          %parallel_loop3A_267 = arith.index_cast %parallel_loop3A_266 : i32 to index
          %parallel_loop3A_268 = arith.index_cast %parallel_loop3A_194 : i32 to index
          %parallel_loop3A_269 = tpu.vector_load %arg7[%parallel_loop3A_267, %parallel_loop3A_268] {strides = array<i32>} : memref<32x1280xf32, #tpu.memory_space<vmem>>, vector<1x16xf32>,
          %parallel_loop3A_270 = vector.shape_cast %parallel_loop3A_269 : vector<1x16xf32> to vector<16xf32>
          %parallel_loop3A_271 = vector.shape_cast %parallel_loop3A_264 : vector<16xf32> to vector<1x16xf32>
          tpu.vector_store %arg7[%parallel_loop3A_267, %parallel_loop3A_268], %parallel_loop3A_271 {strides = array<i32>} : memref<32x1280xf32, #tpu.memory_space<vmem>>, vector<1x16xf32>,
          %parallel_loop3A_272 = arith.index_cast %squeeze3A_173 : i32 to index
          %parallel_loop3A_273 = arith.index_cast %parallel_loop3A_194 : i32 to index
          %parallel_loop3A_274 = tpu.vector_load %arg6[%parallel_loop3A_272, %parallel_loop3A_273] {strides = array<i32>} : memref<24x1280xf32, #tpu.memory_space<vmem>>, vector<1x16xf32>,
          %parallel_loop3A_275 = vector.shape_cast %parallel_loop3A_274 : vector<1x16xf32> to vector<16xf32>
          %parallel_loop3A_276 = arith.constant 7 : i32
          %parallel_loop3A_277 = arith.addi %mul3A_159, %parallel_loop3A_276 : i32
          %parallel_loop3A_278 = arith.index_cast %parallel_loop3A_277 : i32 to index
          %parallel_loop3A_279 = arith.index_cast %parallel_loop3A_194 : i32 to index
          %parallel_loop3A_280 = tpu.vector_load %arg7[%parallel_loop3A_278, %parallel_loop3A_279] {strides = array<i32>} : memref<32x1280xf32, #tpu.memory_space<vmem>>, vector<1x16xf32>,
          %parallel_loop3A_281 = vector.shape_cast %parallel_loop3A_280 : vector<1x16xf32> to vector<16xf32>
          %parallel_loop3A_282 = vector.shape_cast %parallel_loop3A_275 : vector<16xf32> to vector<1x16xf32>
          tpu.vector_store %arg7[%parallel_loop3A_278, %parallel_loop3A_279], %parallel_loop3A_282 {strides = array<i32>} : memref<32x1280xf32, #tpu.memory_space<vmem>>, vector<1x16xf32>,
          %parallel_loop3A_283 = arith.index_cast %squeeze3A_175 : i32 to index
          %parallel_loop3A_284 = arith.index_cast %parallel_loop3A_194 : i32 to index
          %parallel_loop3A_285 = tpu.vector_load %arg6[%parallel_loop3A_283, %parallel_loop3A_284] {strides = array<i32>} : memref<24x1280xf32, #tpu.memory_space<vmem>>, vector<1x16xf32>,
          %parallel_loop3A_286 = vector.shape_cast %parallel_loop3A_285 : vector<1x16xf32> to vector<16xf32>
          %parallel_loop3A_287 = arith.constant 8 : i32
          %parallel_loop3A_288 = arith.addi %mul3A_159, %parallel_loop3A_287 : i32
          %parallel_loop3A_289 = arith.index_cast %parallel_loop3A_288 : i32 to index
          %parallel_loop3A_290 = arith.index_cast %parallel_loop3A_194 : i32 to index
          %parallel_loop3A_291 = tpu.vector_load %arg7[%parallel_loop3A_289, %parallel_loop3A_290] {strides = array<i32>} : memref<32x1280xf32, #tpu.memory_space<vmem>>, vector<1x16xf32>,
          %parallel_loop3A_292 = vector.shape_cast %parallel_loop3A_291 : vector<1x16xf32> to vector<16xf32>
          %parallel_loop3A_293 = vector.shape_cast %parallel_loop3A_286 : vector<16xf32> to vector<1x16xf32>
          tpu.vector_store %arg7[%parallel_loop3A_289, %parallel_loop3A_290], %parallel_loop3A_293 {strides = array<i32>} : memref<32x1280xf32, #tpu.memory_space<vmem>>, vector<1x16xf32>,
          %parallel_loop3A_294 = arith.index_cast %squeeze3A_177 : i32 to index
          %parallel_loop3A_295 = arith.index_cast %parallel_loop3A_194 : i32 to index
          %parallel_loop3A_296 = tpu.vector_load %arg6[%parallel_loop3A_294, %parallel_loop3A_295] {strides = array<i32>} : memref<24x1280xf32, #tpu.memory_space<vmem>>, vector<1x16xf32>,
          %parallel_loop3A_297 = vector.shape_cast %parallel_loop3A_296 : vector<1x16xf32> to vector<16xf32>
          %parallel_loop3A_298 = arith.constant 9 : i32
          %parallel_loop3A_299 = arith.addi %mul3A_159, %parallel_loop3A_298 : i32
          %parallel_loop3A_300 = arith.index_cast %parallel_loop3A_299 : i32 to index
          %parallel_loop3A_301 = arith.index_cast %parallel_loop3A_194 : i32 to index
          %parallel_loop3A_302 = tpu.vector_load %arg7[%parallel_loop3A_300, %parallel_loop3A_301] {strides = array<i32>} : memref<32x1280xf32, #tpu.memory_space<vmem>>, vector<1x16xf32>,
          %parallel_loop3A_303 = vector.shape_cast %parallel_loop3A_302 : vector<1x16xf32> to vector<16xf32>
          %parallel_loop3A_304 = vector.shape_cast %parallel_loop3A_297 : vector<16xf32> to vector<1x16xf32>
          tpu.vector_store %arg7[%parallel_loop3A_300, %parallel_loop3A_301], %parallel_loop3A_304 {strides = array<i32>} : memref<32x1280xf32, #tpu.memory_space<vmem>>, vector<1x16xf32>,
          %parallel_loop3A_305 = arith.index_cast %squeeze3A_179 : i32 to index
          %parallel_loop3A_306 = arith.index_cast %parallel_loop3A_194 : i32 to index
          %parallel_loop3A_307 = tpu.vector_load %arg6[%parallel_loop3A_305, %parallel_loop3A_306] {strides = array<i32>} : memref<24x1280xf32, #tpu.memory_space<vmem>>, vector<1x16xf32>,
          %parallel_loop3A_308 = vector.shape_cast %parallel_loop3A_307 : vector<1x16xf32> to vector<16xf32>
          %parallel_loop3A_309 = arith.constant 10 : i32
          %parallel_loop3A_310 = arith.addi %mul3A_159, %parallel_loop3A_309 : i32
          %parallel_loop3A_311 = arith.index_cast %parallel_loop3A_310 : i32 to index
          %parallel_loop3A_312 = arith.index_cast %parallel_loop3A_194 : i32 to index
          %parallel_loop3A_313 = tpu.vector_load %arg7[%parallel_loop3A_311, %parallel_loop3A_312] {strides = array<i32>} : memref<32x1280xf32, #tpu.memory_space<vmem>>, vector<1x16xf32>,
          %parallel_loop3A_314 = vector.shape_cast %parallel_loop3A_313 : vector<1x16xf32> to vector<16xf32>
          %parallel_loop3A_315 = vector.shape_cast %parallel_loop3A_308 : vector<16xf32> to vector<1x16xf32>
          tpu.vector_store %arg7[%parallel_loop3A_311, %parallel_loop3A_312], %parallel_loop3A_315 {strides = array<i32>} : memref<32x1280xf32, #tpu.memory_space<vmem>>, vector<1x16xf32>,
          %parallel_loop3A_316 = arith.index_cast %squeeze3A_181 : i32 to index
          %parallel_loop3A_317 = arith.index_cast %parallel_loop3A_194 : i32 to index
          %parallel_loop3A_318 = tpu.vector_load %arg6[%parallel_loop3A_316, %parallel_loop3A_317] {strides = array<i32>} : memref<24x1280xf32, #tpu.memory_space<vmem>>, vector<1x16xf32>,
          %parallel_loop3A_319 = vector.shape_cast %parallel_loop3A_318 : vector<1x16xf32> to vector<16xf32>
          %parallel_loop3A_320 = arith.constant 11 : i32
          %parallel_loop3A_321 = arith.addi %mul3A_159, %parallel_loop3A_320 : i32
          %parallel_loop3A_322 = arith.index_cast %parallel_loop3A_321 : i32 to index
          %parallel_loop3A_323 = arith.index_cast %parallel_loop3A_194 : i32 to index
          %parallel_loop3A_324 = tpu.vector_load %arg7[%parallel_loop3A_322, %parallel_loop3A_323] {strides = array<i32>} : memref<32x1280xf32, #tpu.memory_space<vmem>>, vector<1x16xf32>,
          %parallel_loop3A_325 = vector.shape_cast %parallel_loop3A_324 : vector<1x16xf32> to vector<16xf32>
          %parallel_loop3A_326 = vector.shape_cast %parallel_loop3A_319 : vector<16xf32> to vector<1x16xf32>
          tpu.vector_store %arg7[%parallel_loop3A_322, %parallel_loop3A_323], %parallel_loop3A_326 {strides = array<i32>} : memref<32x1280xf32, #tpu.memory_space<vmem>>, vector<1x16xf32>,
          %parallel_loop3A_327 = arith.index_cast %squeeze3A_183 : i32 to index
          %parallel_loop3A_328 = arith.index_cast %parallel_loop3A_194 : i32 to index
          %parallel_loop3A_329 = tpu.vector_load %arg6[%parallel_loop3A_327, %parallel_loop3A_328] {strides = array<i32>} : memref<24x1280xf32, #tpu.memory_space<vmem>>, vector<1x16xf32>,
          %parallel_loop3A_330 = vector.shape_cast %parallel_loop3A_329 : vector<1x16xf32> to vector<16xf32>
          %parallel_loop3A_331 = arith.constant 12 : i32
          %parallel_loop3A_332 = arith.addi %mul3A_159, %parallel_loop3A_331 : i32
          %parallel_loop3A_333 = arith.index_cast %parallel_loop3A_332 : i32 to index
          %parallel_loop3A_334 = arith.index_cast %parallel_loop3A_194 : i32 to index
          %parallel_loop3A_335 = tpu.vector_load %arg7[%parallel_loop3A_333, %parallel_loop3A_334] {strides = array<i32>} : memref<32x1280xf32, #tpu.memory_space<vmem>>, vector<1x16xf32>,
          %parallel_loop3A_336 = vector.shape_cast %parallel_loop3A_335 : vector<1x16xf32> to vector<16xf32>
          %parallel_loop3A_337 = vector.shape_cast %parallel_loop3A_330 : vector<16xf32> to vector<1x16xf32>
          tpu.vector_store %arg7[%parallel_loop3A_333, %parallel_loop3A_334], %parallel_loop3A_337 {strides = array<i32>} : memref<32x1280xf32, #tpu.memory_space<vmem>>, vector<1x16xf32>,
          %parallel_loop3A_338 = arith.index_cast %squeeze3A_185 : i32 to index
          %parallel_loop3A_339 = arith.index_cast %parallel_loop3A_194 : i32 to index
          %parallel_loop3A_340 = tpu.vector_load %arg6[%parallel_loop3A_338, %parallel_loop3A_339] {strides = array<i32>} : memref<24x1280xf32, #tpu.memory_space<vmem>>, vector<1x16xf32>,
          %parallel_loop3A_341 = vector.shape_cast %parallel_loop3A_340 : vector<1x16xf32> to vector<16xf32>
          %parallel_loop3A_342 = arith.constant 13 : i32
          %parallel_loop3A_343 = arith.addi %mul3A_159, %parallel_loop3A_342 : i32
          %parallel_loop3A_344 = arith.index_cast %parallel_loop3A_343 : i32 to index
          %parallel_loop3A_345 = arith.index_cast %parallel_loop3A_194 : i32 to index
          %parallel_loop3A_346 = tpu.vector_load %arg7[%parallel_loop3A_344, %parallel_loop3A_345] {strides = array<i32>} : memref<32x1280xf32, #tpu.memory_space<vmem>>, vector<1x16xf32>,
          %parallel_loop3A_347 = vector.shape_cast %parallel_loop3A_346 : vector<1x16xf32> to vector<16xf32>
          %parallel_loop3A_348 = vector.shape_cast %parallel_loop3A_341 : vector<16xf32> to vector<1x16xf32>
          tpu.vector_store %arg7[%parallel_loop3A_344, %parallel_loop3A_345], %parallel_loop3A_348 {strides = array<i32>} : memref<32x1280xf32, #tpu.memory_space<vmem>>, vector<1x16xf32>,
          %parallel_loop3A_349 = arith.index_cast %squeeze3A_187 : i32 to index
          %parallel_loop3A_350 = arith.index_cast %parallel_loop3A_194 : i32 to index
          %parallel_loop3A_351 = tpu.vector_load %arg6[%parallel_loop3A_349, %parallel_loop3A_350] {strides = array<i32>} : memref<24x1280xf32, #tpu.memory_space<vmem>>, vector<1x16xf32>,
          %parallel_loop3A_352 = vector.shape_cast %parallel_loop3A_351 : vector<1x16xf32> to vector<16xf32>
          %parallel_loop3A_353 = arith.constant 14 : i32
          %parallel_loop3A_354 = arith.addi %mul3A_159, %parallel_loop3A_353 : i32
          %parallel_loop3A_355 = arith.index_cast %parallel_loop3A_354 : i32 to index
          %parallel_loop3A_356 = arith.index_cast %parallel_loop3A_194 : i32 to index
          %parallel_loop3A_357 = tpu.vector_load %arg7[%parallel_loop3A_355, %parallel_loop3A_356] {strides = array<i32>} : memref<32x1280xf32, #tpu.memory_space<vmem>>, vector<1x16xf32>,
          %parallel_loop3A_358 = vector.shape_cast %parallel_loop3A_357 : vector<1x16xf32> to vector<16xf32>
          %parallel_loop3A_359 = vector.shape_cast %parallel_loop3A_352 : vector<16xf32> to vector<1x16xf32>
          tpu.vector_store %arg7[%parallel_loop3A_355, %parallel_loop3A_356], %parallel_loop3A_359 {strides = array<i32>} : memref<32x1280xf32, #tpu.memory_space<vmem>>, vector<1x16xf32>,
          %parallel_loop3A_360 = arith.index_cast %squeeze3A_189 : i32 to index
          %parallel_loop3A_361 = arith.index_cast %parallel_loop3A_194 : i32 to index
          %parallel_loop3A_362 = tpu.vector_load %arg6[%parallel_loop3A_360, %parallel_loop3A_361] {strides = array<i32>} : memref<24x1280xf32, #tpu.memory_space<vmem>>, vector<1x16xf32>,
          %parallel_loop3A_363 = vector.shape_cast %parallel_loop3A_362 : vector<1x16xf32> to vector<16xf32>
          %parallel_loop3A_364 = arith.constant 15 : i32
          %parallel_loop3A_365 = arith.addi %mul3A_159, %parallel_loop3A_364 : i32
          %parallel_loop3A_366 = arith.index_cast %parallel_loop3A_365 : i32 to index
          %parallel_loop3A_367 = arith.index_cast %parallel_loop3A_194 : i32 to index
          %parallel_loop3A_368 = tpu.vector_load %arg7[%parallel_loop3A_366, %parallel_loop3A_367] {strides = array<i32>} : memref<32x1280xf32, #tpu.memory_space<vmem>>, vector<1x16xf32>,
          %parallel_loop3A_369 = vector.shape_cast %parallel_loop3A_368 : vector<1x16xf32> to vector<16xf32>
          %parallel_loop3A_370 = vector.shape_cast %parallel_loop3A_363 : vector<16xf32> to vector<1x16xf32>
          tpu.vector_store %arg7[%parallel_loop3A_366, %parallel_loop3A_367], %parallel_loop3A_370 {strides = array<i32>} : memref<32x1280xf32, #tpu.memory_space<vmem>>, vector<1x16xf32>,
        } {sc.loop_unroll_factor = 8 : i64, sc.parallel_access}
      }
      %while3A_111 = arith.constant 1 : i32
      scf.for %while3A_147 = %while3A_109 to %while3A_105 step %while3A_111  : i32 {
        %shift_right_arithmetic3A = arith.constant 3 : i32
        %shift_right_arithmetic3A_148 = arith.shrsi %while3A_147, %shift_right_arithmetic3A : i32
        %and3A_149 = arith.constant 7 : i32
        %and3A_150 = arith.andi %while3A_147, %and3A_149 : i32
        %mul3A_151 = arith.constant 16 : i32
        %mul3A_152 = arith.muli %and3A_150, %mul3A_151 : i32
        %get3A = arith.index_cast %shift_right_arithmetic3A_148 : i32 to index
        %get3A_153 = arith.index_cast %mul3A_152 : i32 to index
        %get3A_154 = tpu.vector_load %arg5[%get3A, %get3A_153] {strides = array<i32>} : memref<8x128xi32, #tpu.memory_space<vmem>>, vector<1x16xi32>,
        %get3A_155 = vector.shape_cast %get3A_154 : vector<1x16xi32> to vector<16xi32>
        %and3A_156 = arith.constant 1 : i32
        %and3A_157 = arith.andi %while3A_147, %and3A_156 : i32
        %mul3A_158 = arith.constant 16 : i32
        %mul3A_159 = arith.muli %and3A_157, %mul3A_158 : i32
        %slice3A = vector.extract_strided_slice %get3A_155 {offsets = [0], sizes = [1], strides = [1]} : vector<16xi32> to vector<1xi32>
        %squeeze3A = vector.extract %slice3A[0] : i32 from vector<1xi32>
        %slice3A_160 = vector.extract_strided_slice %get3A_155 {offsets = [1], sizes = [1], strides = [1]} : vector<16xi32> to vector<1xi32>
        %squeeze3A_161 = vector.extract %slice3A_160[0] : i32 from vector<1xi32>
        %slice3A_162 = vector.extract_strided_slice %get3A_155 {offsets = [2], sizes = [1], strides = [1]} : vector<16xi32> to vector<1xi32>
        %squeeze3A_163 = vector.extract %slice3A_162[0] : i32 from vector<1xi32>
        %slice3A_164 = vector.extract_strided_slice %get3A_155 {offsets = [3], sizes = [1], strides = [1]} : vector<16xi32> to vector<1xi32>
        %squeeze3A_165 = vector.extract %slice3A_164[0] : i32 from vector<1xi32>
        %slice3A_166 = vector.extract_strided_slice %get3A_155 {offsets = [4], sizes = [1], strides = [1]} : vector<16xi32> to vector<1xi32>
        %squeeze3A_167 = vector.extract %slice3A_166[0] : i32 from vector<1xi32>
        %slice3A_168 = vector.extract_strided_slice %get3A_155 {offsets = [5], sizes = [1], strides = [1]} : vector<16xi32> to vector<1xi32>
        %squeeze3A_169 = vector.extract %slice3A_168[0] : i32 from vector<1xi32>
        %slice3A_170 = vector.extract_strided_slice %get3A_155 {offsets = [6], sizes = [1], strides = [1]} : vector<16xi32> to vector<1xi32>
        %squeeze3A_171 = vector.extract %slice3A_170[0] : i32 from vector<1xi32>
        %slice3A_172 = vector.extract_strided_slice %get3A_155 {offsets = [7], sizes = [1], strides = [1]} : vector<16xi32> to vector<1xi32>
        %squeeze3A_173 = vector.extract %slice3A_172[0] : i32 from vector<1xi32>
        %slice3A_174 = vector.extract_strided_slice %get3A_155 {offsets = [8], sizes = [1], strides = [1]} : vector<16xi32> to vector<1xi32>
        %squeeze3A_175 = vector.extract %slice3A_174[0] : i32 from vector<1xi32>
        %slice3A_176 = vector.extract_strided_slice %get3A_155 {offsets = [9], sizes = [1], strides = [1]} : vector<16xi32> to vector<1xi32>
        %squeeze3A_177 = vector.extract %slice3A_176[0] : i32 from vector<1xi32>
        %slice3A_178 = vector.extract_strided_slice %get3A_155 {offsets = [10], sizes = [1], strides = [1]} : vector<16xi32> to vector<1xi32>
        %squeeze3A_179 = vector.extract %slice3A_178[0] : i32 from vector<1xi32>
        %slice3A_180 = vector.extract_strided_slice %get3A_155 {offsets = [11], sizes = [1], strides = [1]} : vector<16xi32> to vector<1xi32>
        %squeeze3A_181 = vector.extract %slice3A_180[0] : i32 from vector<1xi32>
        %slice3A_182 = vector.extract_strided_slice %get3A_155 {offsets = [12], sizes = [1], strides = [1]} : vector<16xi32> to vector<1xi32>
        %squeeze3A_183 = vector.extract %slice3A_182[0] : i32 from vector<1xi32>
        %slice3A_184 = vector.extract_strided_slice %get3A_155 {offsets = [13], sizes = [1], strides = [1]} : vector<16xi32> to vector<1xi32>
        %squeeze3A_185 = vector.extract %slice3A_184[0] : i32 from vector<1xi32>
        %slice3A_186 = vector.extract_strided_slice %get3A_155 {offsets = [14], sizes = [1], strides = [1]} : vector<16xi32> to vector<1xi32>
        %squeeze3A_187 = vector.extract %slice3A_186[0] : i32 from vector<1xi32>
        %slice3A_188 = vector.extract_strided_slice %get3A_155 {offsets = [15], sizes = [1], strides = [1]} : vector<16xi32> to vector<1xi32>
        %squeeze3A_189 = vector.extract %slice3A_188[0] : i32 from vector<1xi32>
        %parallel_loop3A = arith.constant 0 : i32
        %parallel_loop3A_190 = arith.constant 80 : i32
        %parallel_loop3A_191 = arith.constant 1 : i32
        scf.for %parallel_loop3A_192 = %parallel_loop3A to %parallel_loop3A_190 step %parallel_loop3A_191  : i32 {
          %parallel_loop3A_193 = arith.constant 16 : i32
          %parallel_loop3A_194 = arith.muli %parallel_loop3A_192, %parallel_loop3A_193 : i32
          %parallel_loop3A_195 = arith.index_cast %squeeze3A : i32 to index
          %parallel_loop3A_196 = arith.index_cast %parallel_loop3A_194 : i32 to index
          %parallel_loop3A_197 = tpu.vector_load %arg6[%parallel_loop3A_195, %parallel_loop3A_196] {strides = array<i32>} : memref<24x1280xf32, #tpu.memory_space<vmem>>, vector<1x16xf32>,
          %parallel_loop3A_198 = vector.shape_cast %parallel_loop3A_197 : vector<1x16xf32> to vector<16xf32>
          %parallel_loop3A_199 = arith.constant 0 : i32
          %parallel_loop3A_200 = arith.addi %mul3A_159, %parallel_loop3A_199 : i32
          %parallel_loop3A_201 = arith.index_cast %parallel_loop3A_200 : i32 to index
          %parallel_loop3A_202 = arith.index_cast %parallel_loop3A_194 : i32 to index
          %parallel_loop3A_203 = tpu.vector_load %arg7[%parallel_loop3A_201, %parallel_loop3A_202] {strides = array<i32>} : memref<32x1280xf32, #tpu.memory_space<vmem>>, vector<1x16xf32>,
          %parallel_loop3A_204 = vector.shape_cast %parallel_loop3A_203 : vector<1x16xf32> to vector<16xf32>
          %parallel_loop3A_205 = vector.shape_cast %parallel_loop3A_198 : vector<16xf32> to vector<1x16xf32>
          tpu.vector_store %arg7[%parallel_loop3A_201, %parallel_loop3A_202], %parallel_loop3A_205 {strides = array<i32>} : memref<32x1280xf32, #tpu.memory_space<vmem>>, vector<1x16xf32>,
          %parallel_loop3A_206 = arith.index_cast %squeeze3A_161 : i32 to index
          %parallel_loop3A_207 = arith.index_cast %parallel_loop3A_194 : i32 to index
          %parallel_loop3A_208 = tpu.vector_load %arg6[%parallel_loop3A_206, %parallel_loop3A_207] {strides = array<i32>} : memref<24x1280xf32, #tpu.memory_space<vmem>>, vector<1x16xf32>,
          %parallel_loop3A_209 = vector.shape_cast %parallel_loop3A_208 : vector<1x16xf32> to vector<16xf32>
          %parallel_loop3A_210 = arith.constant 1 : i32
          %parallel_loop3A_211 = arith.addi %mul3A_159, %parallel_loop3A_210 : i32
          %parallel_loop3A_212 = arith.index_cast %parallel_loop3A_211 : i32 to index
          %parallel_loop3A_213 = arith.index_cast %parallel_loop3A_194 : i32 to index
          %parallel_loop3A_214 = tpu.vector_load %arg7[%parallel_loop3A_212, %parallel_loop3A_213] {strides = array<i32>} : memref<32x1280xf32, #tpu.memory_space<vmem>>, vector<1x16xf32>,
          %parallel_loop3A_215 = vector.shape_cast %parallel_loop3A_214 : vector<1x16xf32> to vector<16xf32>
          %parallel_loop3A_216 = vector.shape_cast %parallel_loop3A_209 : vector<16xf32> to vector<1x16xf32>
          tpu.vector_store %arg7[%parallel_loop3A_212, %parallel_loop3A_213], %parallel_loop3A_216 {strides = array<i32>} : memref<32x1280xf32, #tpu.memory_space<vmem>>, vector<1x16xf32>,
          %parallel_loop3A_217 = arith.index_cast %squeeze3A_163 : i32 to index
          %parallel_loop3A_218 = arith.index_cast %parallel_loop3A_194 : i32 to index
          %parallel_loop3A_219 = tpu.vector_load %arg6[%parallel_loop3A_217, %parallel_loop3A_218] {strides = array<i32>} : memref<24x1280xf32, #tpu.memory_space<vmem>>, vector<1x16xf32>,
          %parallel_loop3A_220 = vector.shape_cast %parallel_loop3A_219 : vector<1x16xf32> to vector<16xf32>
          %parallel_loop3A_221 = arith.constant 2 : i32
          %parallel_loop3A_222 = arith.addi %mul3A_159, %parallel_loop3A_221 : i32
          %parallel_loop3A_223 = arith.index_cast %parallel_loop3A_222 : i32 to index
          %parallel_loop3A_224 = arith.index_cast %parallel_loop3A_194 : i32 to index
          %parallel_loop3A_225 = tpu.vector_load %arg7[%parallel_loop3A_223, %parallel_loop3A_224] {strides = array<i32>} : memref<32x1280xf32, #tpu.memory_space<vmem>>, vector<1x16xf32>,
          %parallel_loop3A_226 = vector.shape_cast %parallel_loop3A_225 : vector<1x16xf32> to vector<16xf32>
          %parallel_loop3A_227 = vector.shape_cast %parallel_loop3A_220 : vector<16xf32> to vector<1x16xf32>
          tpu.vector_store %arg7[%parallel_loop3A_223, %parallel_loop3A_224], %parallel_loop3A_227 {strides = array<i32>} : memref<32x1280xf32, #tpu.memory_space<vmem>>, vector<1x16xf32>,
          %parallel_loop3A_228 = arith.index_cast %squeeze3A_165 : i32 to index
          %parallel_loop3A_229 = arith.index_cast %parallel_loop3A_194 : i32 to index
          %parallel_loop3A_230 = tpu.vector_load %arg6[%parallel_loop3A_228, %parallel_loop3A_229] {strides = array<i32>} : memref<24x1280xf32, #tpu.memory_space<vmem>>, vector<1x16xf32>,
          %parallel_loop3A_231 = vector.shape_cast %parallel_loop3A_230 : vector<1x16xf32> to vector<16xf32>
          %parallel_loop3A_232 = arith.constant 3 : i32
          %parallel_loop3A_233 = arith.addi %mul3A_159, %parallel_loop3A_232 : i32
          %parallel_loop3A_234 = arith.index_cast %parallel_loop3A_233 : i32 to index
          %parallel_loop3A_235 = arith.index_cast %parallel_loop3A_194 : i32 to index
          %parallel_loop3A_236 = tpu.vector_load %arg7[%parallel_loop3A_234, %parallel_loop3A_235] {strides = array<i32>} : memref<32x1280xf32, #tpu.memory_space<vmem>>, vector<1x16xf32>,
          %parallel_loop3A_237 = vector.shape_cast %parallel_loop3A_236 : vector<1x16xf32> to vector<16xf32>
          %parallel_loop3A_238 = vector.shape_cast %parallel_loop3A_231 : vector<16xf32> to vector<1x16xf32>
          tpu.vector_store %arg7[%parallel_loop3A_234, %parallel_loop3A_235], %parallel_loop3A_238 {strides = array<i32>} : memref<32x1280xf32, #tpu.memory_space<vmem>>, vector<1x16xf32>,
          %parallel_loop3A_239 = arith.index_cast %squeeze3A_167 : i32 to index
          %parallel_loop3A_240 = arith.index_cast %parallel_loop3A_194 : i32 to index
          %parallel_loop3A_241 = tpu.vector_load %arg6[%parallel_loop3A_239, %parallel_loop3A_240] {strides = array<i32>} : memref<24x1280xf32, #tpu.memory_space<vmem>>, vector<1x16xf32>,
          %parallel_loop3A_242 = vector.shape_cast %parallel_loop3A_241 : vector<1x16xf32> to vector<16xf32>
          %parallel_loop3A_243 = arith.constant 4 : i32
          %parallel_loop3A_244 = arith.addi %mul3A_159, %parallel_loop3A_243 : i32
          %parallel_loop3A_245 = arith.index_cast %parallel_loop3A_244 : i32 to index
          %parallel_loop3A_246 = arith.index_cast %parallel_loop3A_194 : i32 to index
          %parallel_loop3A_247 = tpu.vector_load %arg7[%parallel_loop3A_245, %parallel_loop3A_246] {strides = array<i32>} : memref<32x1280xf32, #tpu.memory_space<vmem>>, vector<1x16xf32>,
          %parallel_loop3A_248 = vector.shape_cast %parallel_loop3A_247 : vector<1x16xf32> to vector<16xf32>
          %parallel_loop3A_249 = vector.shape_cast %parallel_loop3A_242 : vector<16xf32> to vector<1x16xf32>
          tpu.vector_store %arg7[%parallel_loop3A_245, %parallel_loop3A_246], %parallel_loop3A_249 {strides = array<i32>} : memref<32x1280xf32, #tpu.memory_space<vmem>>, vector<1x16xf32>,
          %parallel_loop3A_250 = arith.index_cast %squeeze3A_169 : i32 to index
          %parallel_loop3A_251 = arith.index_cast %parallel_loop3A_194 : i32 to index
          %parallel_loop3A_252 = tpu.vector_load %arg6[%parallel_loop3A_250, %parallel_loop3A_251] {strides = array<i32>} : memref<24x1280xf32, #tpu.memory_space<vmem>>, vector<1x16xf32>,
          %parallel_loop3A_253 = vector.shape_cast %parallel_loop3A_252 : vector<1x16xf32> to vector<16xf32>
          %parallel_loop3A_254 = arith.constant 5 : i32
          %parallel_loop3A_255 = arith.addi %mul3A_159, %parallel_loop3A_254 : i32
          %parallel_loop3A_256 = arith.index_cast %parallel_loop3A_255 : i32 to index
          %parallel_loop3A_257 = arith.index_cast %parallel_loop3A_194 : i32 to index
          %parallel_loop3A_258 = tpu.vector_load %arg7[%parallel_loop3A_256, %parallel_loop3A_257] {strides = array<i32>} : memref<32x1280xf32, #tpu.memory_space<vmem>>, vector<1x16xf32>,
          %parallel_loop3A_259 = vector.shape_cast %parallel_loop3A_258 : vector<1x16xf32> to vector<16xf32>
          %parallel_loop3A_260 = vector.shape_cast %parallel_loop3A_253 : vector<16xf32> to vector<1x16xf32>
          tpu.vector_store %arg7[%parallel_loop3A_256, %parallel_loop3A_257], %parallel_loop3A_260 {strides = array<i32>} : memref<32x1280xf32, #tpu.memory_space<vmem>>, vector<1x16xf32>,
          %parallel_loop3A_261 = arith.index_cast %squeeze3A_171 : i32 to index
          %parallel_loop3A_262 = arith.index_cast %parallel_loop3A_194 : i32 to index
          %parallel_loop3A_263 = tpu.vector_load %arg6[%parallel_loop3A_261, %parallel_loop3A_262] {strides = array<i32>} : memref<24x1280xf32, #tpu.memory_space<vmem>>, vector<1x16xf32>,
          %parallel_loop3A_264 = vector.shape_cast %parallel_loop3A_263 : vector<1x16xf32> to vector<16xf32>
          %parallel_loop3A_265 = arith.constant 6 : i32
          %parallel_loop3A_266 = arith.addi %mul3A_159, %parallel_loop3A_265 : i32
          %parallel_loop3A_267 = arith.index_cast %parallel_loop3A_266 : i32 to index
          %parallel_loop3A_268 = arith.index_cast %parallel_loop3A_194 : i32 to index
          %parallel_loop3A_269 = tpu.vector_load %arg7[%parallel_loop3A_267, %parallel_loop3A_268] {strides = array<i32>} : memref<32x1280xf32, #tpu.memory_space<vmem>>, vector<1x16xf32>,
          %parallel_loop3A_270 = vector.shape_cast %parallel_loop3A_269 : vector<1x16xf32> to vector<16xf32>
          %parallel_loop3A_271 = vector.shape_cast %parallel_loop3A_264 : vector<16xf32> to vector<1x16xf32>
          tpu.vector_store %arg7[%parallel_loop3A_267, %parallel_loop3A_268], %parallel_loop3A_271 {strides = array<i32>} : memref<32x1280xf32, #tpu.memory_space<vmem>>, vector<1x16xf32>,
          %parallel_loop3A_272 = arith.index_cast %squeeze3A_173 : i32 to index
          %parallel_loop3A_273 = arith.index_cast %parallel_loop3A_194 : i32 to index
          %parallel_loop3A_274 = tpu.vector_load %arg6[%parallel_loop3A_272, %parallel_loop3A_273] {strides = array<i32>} : memref<24x1280xf32, #tpu.memory_space<vmem>>, vector<1x16xf32>,
          %parallel_loop3A_275 = vector.shape_cast %parallel_loop3A_274 : vector<1x16xf32> to vector<16xf32>
          %parallel_loop3A_276 = arith.constant 7 : i32
          %parallel_loop3A_277 = arith.addi %mul3A_159, %parallel_loop3A_276 : i32
          %parallel_loop3A_278 = arith.index_cast %parallel_loop3A_277 : i32 to index
          %parallel_loop3A_279 = arith.index_cast %parallel_loop3A_194 : i32 to index
          %parallel_loop3A_280 = tpu.vector_load %arg7[%parallel_loop3A_278, %parallel_loop3A_279] {strides = array<i32>} : memref<32x1280xf32, #tpu.memory_space<vmem>>, vector<1x16xf32>,
          %parallel_loop3A_281 = vector.shape_cast %parallel_loop3A_280 : vector<1x16xf32> to vector<16xf32>
          %parallel_loop3A_282 = vector.shape_cast %parallel_loop3A_275 : vector<16xf32> to vector<1x16xf32>
          tpu.vector_store %arg7[%parallel_loop3A_278, %parallel_loop3A_279], %parallel_loop3A_282 {strides = array<i32>} : memref<32x1280xf32, #tpu.memory_space<vmem>>, vector<1x16xf32>,
          %parallel_loop3A_283 = arith.index_cast %squeeze3A_175 : i32 to index
          %parallel_loop3A_284 = arith.index_cast %parallel_loop3A_194 : i32 to index
          %parallel_loop3A_285 = tpu.vector_load %arg6[%parallel_loop3A_283, %parallel_loop3A_284] {strides = array<i32>} : memref<24x1280xf32, #tpu.memory_space<vmem>>, vector<1x16xf32>,
          %parallel_loop3A_286 = vector.shape_cast %parallel_loop3A_285 : vector<1x16xf32> to vector<16xf32>
          %parallel_loop3A_287 = arith.constant 8 : i32
          %parallel_loop3A_288 = arith.addi %mul3A_159, %parallel_loop3A_287 : i32
          %parallel_loop3A_289 = arith.index_cast %parallel_loop3A_288 : i32 to index
          %parallel_loop3A_290 = arith.index_cast %parallel_loop3A_194 : i32 to index
          %parallel_loop3A_291 = tpu.vector_load %arg7[%parallel_loop3A_289, %parallel_loop3A_290] {strides = array<i32>} : memref<32x1280xf32, #tpu.memory_space<vmem>>, vector<1x16xf32>,
          %parallel_loop3A_292 = vector.shape_cast %parallel_loop3A_291 : vector<1x16xf32> to vector<16xf32>
          %parallel_loop3A_293 = vector.shape_cast %parallel_loop3A_286 : vector<16xf32> to vector<1x16xf32>
          tpu.vector_store %arg7[%parallel_loop3A_289, %parallel_loop3A_290], %parallel_loop3A_293 {strides = array<i32>} : memref<32x1280xf32, #tpu.memory_space<vmem>>, vector<1x16xf32>,
          %parallel_loop3A_294 = arith.index_cast %squeeze3A_177 : i32 to index
          %parallel_loop3A_295 = arith.index_cast %parallel_loop3A_194 : i32 to index
          %parallel_loop3A_296 = tpu.vector_load %arg6[%parallel_loop3A_294, %parallel_loop3A_295] {strides = array<i32>} : memref<24x1280xf32, #tpu.memory_space<vmem>>, vector<1x16xf32>,
          %parallel_loop3A_297 = vector.shape_cast %parallel_loop3A_296 : vector<1x16xf32> to vector<16xf32>
          %parallel_loop3A_298 = arith.constant 9 : i32
          %parallel_loop3A_299 = arith.addi %mul3A_159, %parallel_loop3A_298 : i32
          %parallel_loop3A_300 = arith.index_cast %parallel_loop3A_299 : i32 to index
          %parallel_loop3A_301 = arith.index_cast %parallel_loop3A_194 : i32 to index
          %parallel_loop3A_302 = tpu.vector_load %arg7[%parallel_loop3A_300, %parallel_loop3A_301] {strides = array<i32>} : memref<32x1280xf32, #tpu.memory_space<vmem>>, vector<1x16xf32>,
          %parallel_loop3A_303 = vector.shape_cast %parallel_loop3A_302 : vector<1x16xf32> to vector<16xf32>
          %parallel_loop3A_304 = vector.shape_cast %parallel_loop3A_297 : vector<16xf32> to vector<1x16xf32>
          tpu.vector_store %arg7[%parallel_loop3A_300, %parallel_loop3A_301], %parallel_loop3A_304 {strides = array<i32>} : memref<32x1280xf32, #tpu.memory_space<vmem>>, vector<1x16xf32>,
          %parallel_loop3A_305 = arith.index_cast %squeeze3A_179 : i32 to index
          %parallel_loop3A_306 = arith.index_cast %parallel_loop3A_194 : i32 to index
          %parallel_loop3A_307 = tpu.vector_load %arg6[%parallel_loop3A_305, %parallel_loop3A_306] {strides = array<i32>} : memref<24x1280xf32, #tpu.memory_space<vmem>>, vector<1x16xf32>,
          %parallel_loop3A_308 = vector.shape_cast %parallel_loop3A_307 : vector<1x16xf32> to vector<16xf32>
          %parallel_loop3A_309 = arith.constant 10 : i32
          %parallel_loop3A_310 = arith.addi %mul3A_159, %parallel_loop3A_309 : i32
          %parallel_loop3A_311 = arith.index_cast %parallel_loop3A_310 : i32 to index
          %parallel_loop3A_312 = arith.index_cast %parallel_loop3A_194 : i32 to index
          %parallel_loop3A_313 = tpu.vector_load %arg7[%parallel_loop3A_311, %parallel_loop3A_312] {strides = array<i32>} : memref<32x1280xf32, #tpu.memory_space<vmem>>, vector<1x16xf32>,
          %parallel_loop3A_314 = vector.shape_cast %parallel_loop3A_313 : vector<1x16xf32> to vector<16xf32>
          %parallel_loop3A_315 = vector.shape_cast %parallel_loop3A_308 : vector<16xf32> to vector<1x16xf32>
          tpu.vector_store %arg7[%parallel_loop3A_311, %parallel_loop3A_312], %parallel_loop3A_315 {strides = array<i32>} : memref<32x1280xf32, #tpu.memory_space<vmem>>, vector<1x16xf32>,
          %parallel_loop3A_316 = arith.index_cast %squeeze3A_181 : i32 to index
          %parallel_loop3A_317 = arith.index_cast %parallel_loop3A_194 : i32 to index
          %parallel_loop3A_318 = tpu.vector_load %arg6[%parallel_loop3A_316, %parallel_loop3A_317] {strides = array<i32>} : memref<24x1280xf32, #tpu.memory_space<vmem>>, vector<1x16xf32>,
          %parallel_loop3A_319 = vector.shape_cast %parallel_loop3A_318 : vector<1x16xf32> to vector<16xf32>
          %parallel_loop3A_320 = arith.constant 11 : i32
          %parallel_loop3A_321 = arith.addi %mul3A_159, %parallel_loop3A_320 : i32
          %parallel_loop3A_322 = arith.index_cast %parallel_loop3A_321 : i32 to index
          %parallel_loop3A_323 = arith.index_cast %parallel_loop3A_194 : i32 to index
          %parallel_loop3A_324 = tpu.vector_load %arg7[%parallel_loop3A_322, %parallel_loop3A_323] {strides = array<i32>} : memref<32x1280xf32, #tpu.memory_space<vmem>>, vector<1x16xf32>,
          %parallel_loop3A_325 = vector.shape_cast %parallel_loop3A_324 : vector<1x16xf32> to vector<16xf32>
          %parallel_loop3A_326 = vector.shape_cast %parallel_loop3A_319 : vector<16xf32> to vector<1x16xf32>
          tpu.vector_store %arg7[%parallel_loop3A_322, %parallel_loop3A_323], %parallel_loop3A_326 {strides = array<i32>} : memref<32x1280xf32, #tpu.memory_space<vmem>>, vector<1x16xf32>,
          %parallel_loop3A_327 = arith.index_cast %squeeze3A_183 : i32 to index
          %parallel_loop3A_328 = arith.index_cast %parallel_loop3A_194 : i32 to index
          %parallel_loop3A_329 = tpu.vector_load %arg6[%parallel_loop3A_327, %parallel_loop3A_328] {strides = array<i32>} : memref<24x1280xf32, #tpu.memory_space<vmem>>, vector<1x16xf32>,
          %parallel_loop3A_330 = vector.shape_cast %parallel_loop3A_329 : vector<1x16xf32> to vector<16xf32>
          %parallel_loop3A_331 = arith.constant 12 : i32
          %parallel_loop3A_332 = arith.addi %mul3A_159, %parallel_loop3A_331 : i32
          %parallel_loop3A_333 = arith.index_cast %parallel_loop3A_332 : i32 to index
          %parallel_loop3A_334 = arith.index_cast %parallel_loop3A_194 : i32 to index
          %parallel_loop3A_335 = tpu.vector_load %arg7[%parallel_loop3A_333, %parallel_loop3A_334] {strides = array<i32>} : memref<32x1280xf32, #tpu.memory_space<vmem>>, vector<1x16xf32>,
          %parallel_loop3A_336 = vector.shape_cast %parallel_loop3A_335 : vector<1x16xf32> to vector<16xf32>
          %parallel_loop3A_337 = vector.shape_cast %parallel_loop3A_330 : vector<16xf32> to vector<1x16xf32>
          tpu.vector_store %arg7[%parallel_loop3A_333, %parallel_loop3A_334], %parallel_loop3A_337 {strides = array<i32>} : memref<32x1280xf32, #tpu.memory_space<vmem>>, vector<1x16xf32>,
          %parallel_loop3A_338 = arith.index_cast %squeeze3A_185 : i32 to index
          %parallel_loop3A_339 = arith.index_cast %parallel_loop3A_194 : i32 to index
          %parallel_loop3A_340 = tpu.vector_load %arg6[%parallel_loop3A_338, %parallel_loop3A_339] {strides = array<i32>} : memref<24x1280xf32, #tpu.memory_space<vmem>>, vector<1x16xf32>,
          %parallel_loop3A_341 = vector.shape_cast %parallel_loop3A_340 : vector<1x16xf32> to vector<16xf32>
          %parallel_loop3A_342 = arith.constant 13 : i32
          %parallel_loop3A_343 = arith.addi %mul3A_159, %parallel_loop3A_342 : i32
          %parallel_loop3A_344 = arith.index_cast %parallel_loop3A_343 : i32 to index
          %parallel_loop3A_345 = arith.index_cast %parallel_loop3A_194 : i32 to index
          %parallel_loop3A_346 = tpu.vector_load %arg7[%parallel_loop3A_344, %parallel_loop3A_345] {strides = array<i32>} : memref<32x1280xf32, #tpu.memory_space<vmem>>, vector<1x16xf32>,
          %parallel_loop3A_347 = vector.shape_cast %parallel_loop3A_346 : vector<1x16xf32> to vector<16xf32>
          %parallel_loop3A_348 = vector.shape_cast %parallel_loop3A_341 : vector<16xf32> to vector<1x16xf32>
          tpu.vector_store %arg7[%parallel_loop3A_344, %parallel_loop3A_345], %parallel_loop3A_348 {strides = array<i32>} : memref<32x1280xf32, #tpu.memory_space<vmem>>, vector<1x16xf32>,
          %parallel_loop3A_349 = arith.index_cast %squeeze3A_187 : i32 to index
          %parallel_loop3A_350 = arith.index_cast %parallel_loop3A_194 : i32 to index
          %parallel_loop3A_351 = tpu.vector_load %arg6[%parallel_loop3A_349, %parallel_loop3A_350] {strides = array<i32>} : memref<24x1280xf32, #tpu.memory_space<vmem>>, vector<1x16xf32>,
          %parallel_loop3A_352 = vector.shape_cast %parallel_loop3A_351 : vector<1x16xf32> to vector<16xf32>
          %parallel_loop3A_353 = arith.constant 14 : i32
          %parallel_loop3A_354 = arith.addi %mul3A_159, %parallel_loop3A_353 : i32
          %parallel_loop3A_355 = arith.index_cast %parallel_loop3A_354 : i32 to index
          %parallel_loop3A_356 = arith.index_cast %parallel_loop3A_194 : i32 to index
          %parallel_loop3A_357 = tpu.vector_load %arg7[%parallel_loop3A_355, %parallel_loop3A_356] {strides = array<i32>} : memref<32x1280xf32, #tpu.memory_space<vmem>>, vector<1x16xf32>,
          %parallel_loop3A_358 = vector.shape_cast %parallel_loop3A_357 : vector<1x16xf32> to vector<16xf32>
          %parallel_loop3A_359 = vector.shape_cast %parallel_loop3A_352 : vector<16xf32> to vector<1x16xf32>
          tpu.vector_store %arg7[%parallel_loop3A_355, %parallel_loop3A_356], %parallel_loop3A_359 {strides = array<i32>} : memref<32x1280xf32, #tpu.memory_space<vmem>>, vector<1x16xf32>,
          %parallel_loop3A_360 = arith.index_cast %squeeze3A_189 : i32 to index
          %parallel_loop3A_361 = arith.index_cast %parallel_loop3A_194 : i32 to index
          %parallel_loop3A_362 = tpu.vector_load %arg6[%parallel_loop3A_360, %parallel_loop3A_361] {strides = array<i32>} : memref<24x1280xf32, #tpu.memory_space<vmem>>, vector<1x16xf32>,
          %parallel_loop3A_363 = vector.shape_cast %parallel_loop3A_362 : vector<1x16xf32> to vector<16xf32>
          %parallel_loop3A_364 = arith.constant 15 : i32
          %parallel_loop3A_365 = arith.addi %mul3A_159, %parallel_loop3A_364 : i32
          %parallel_loop3A_366 = arith.index_cast %parallel_loop3A_365 : i32 to index
          %parallel_loop3A_367 = arith.index_cast %parallel_loop3A_194 : i32 to index
          %parallel_loop3A_368 = tpu.vector_load %arg7[%parallel_loop3A_366, %parallel_loop3A_367] {strides = array<i32>} : memref<32x1280xf32, #tpu.memory_space<vmem>>, vector<1x16xf32>,
          %parallel_loop3A_369 = vector.shape_cast %parallel_loop3A_368 : vector<1x16xf32> to vector<16xf32>
          %parallel_loop3A_370 = vector.shape_cast %parallel_loop3A_363 : vector<16xf32> to vector<1x16xf32>
          tpu.vector_store %arg7[%parallel_loop3A_366, %parallel_loop3A_367], %parallel_loop3A_370 {strides = array<i32>} : memref<32x1280xf32, #tpu.memory_space<vmem>>, vector<1x16xf32>,
        } {sc.loop_unroll_factor = 8 : i64, sc.parallel_access}
      }
      %mul3A_112 = arith.constant 32 : i32
      %mul3A_113 = arith.muli %add3A_94, %mul3A_112 : i32
      %add3A_114 = arith.addi %mul3A_2, %mul3A_113 : i32
      %dma_start3A_115 = arith.constant 0 : i32
      %dma_start3A_116 = tpu.memref_slice %arg4[%add3A_114, %dma_start3A_115] : memref<32768x1280xf32, #tpu.memory_space<hbm>> -> memref<32x1280xf32, #tpu.memory_space<hbm>>
      %dma_start3A_117 = arith.constant 0 : i32
      %dma_start3A_118 = tpu.memref_slice %arg4[%add3A_114, %dma_start3A_117] : memref<32768x1280xf32, #tpu.memory_space<hbm>> -> memref<32x1280xf32, #tpu.memory_space<hbm>>
      tpu.enqueue_dma source(%arg7 : memref<32x1280xf32, #tpu.memory_space<vmem>>) target(%dma_start3A_118 : memref<32x1280xf32, #tpu.memory_space<hbm>>) target_semaphore(%arg9 : memref<!tpu.dma_semaphore, #tpu.memory_space<semaphore_mem>>)
      %add3A_119 = arith.constant 1 : i32
      %add3A_120 = arith.addi %mul3A_92, %add3A_119 : i32
      %ge3A_121 = arith.constant 2 : i32
      %ge3A_122 = arith.cmpi sge, %add3A_120, %ge3A_121 : i32
      %convert_element_type3A_123 = arith.extui %ge3A_122 : i1 to i32
      %cond3A_124 = arith.constant 0 : i32
      %cond3A_125 = arith.cmpi ne, %convert_element_type3A_123, %cond3A_124 : i32
      scf.if %cond3A_125 {
        %sub3A = arith.constant 2 : i32
        %sub3A_147 = arith.subi %add3A_120, %sub3A : i32
        %mul3A_148 = arith.constant 32 : i32
        %mul3A_149 = arith.muli %sub3A_147, %mul3A_148 : i32
        %add3A_150 = arith.addi %mul3A_2, %mul3A_149 : i32
        %dma_wait3A_151 = arith.constant 0 : i32
        %dma_wait3A_152 = tpu.memref_slice %arg4[%add3A_150, %dma_wait3A_151] : memref<32768x1280xf32, #tpu.memory_space<hbm>> -> memref<32x1280xf32, #tpu.memory_space<hbm>>
        %dma_wait3A_153 = arith.constant 0 : i32
        %dma_wait3A_154 = tpu.memref_slice %arg4[%add3A_150, %dma_wait3A_153] : memref<32768x1280xf32, #tpu.memory_space<hbm>> -> memref<32x1280xf32, #tpu.memory_space<hbm>>
        tpu.wait_dma2 semaphore(%arg10 : memref<!tpu.dma_semaphore, #tpu.memory_space<semaphore_mem>>) src(%arg8 : memref<32x1280xf32, #tpu.memory_space<vmem>>) dst(%dma_wait3A_154 : memref<32x1280xf32, #tpu.memory_space<hbm>>)
      } else {
      }
      %mul3A_126 = arith.constant 2 : i32
      %mul3A_127 = arith.muli %mul3A_126, %add3A_120 : i32
      %mul3A_128 = arith.constant 2 : i32
      %mul3A_129 = arith.muli %mul3A_128, %add3A_120 : i32
      %add3A_130 = arith.constant 2 : i32
      %add3A_131 = arith.addi %mul3A_129, %add3A_130 : i32
      %while3A_132 = arith.subi %add3A_131, %mul3A_127 : i32
      %while3A_133 = arith.addi %mul3A_127, %while3A_132 : i32
      %while3A_134 = arith.constant 1 : i32
      %while3A_135 = arith.divsi %while3A_132, %while3A_134 : i32
      %while3A_136 = arith.muli %while3A_135, %while3A_134 : i32
      %while3A_137 = arith.addi %mul3A_127, %while3A_136 : i32
      %while3A_138 = arith.constant 1 : i32
      scf.for %while3A_147 = %mul3A_127 to %while3A_137 step %while3A_138  : i32 {
        %shift_right_arithmetic3A = arith.constant 3 : i32
        %shift_right_arithmetic3A_148 = arith.shrsi %while3A_147, %shift_right_arithmetic3A : i32
        %and3A_149 = arith.constant 7 : i32
        %and3A_150 = arith.andi %while3A_147, %and3A_149 : i32
        %mul3A_151 = arith.constant 16 : i32
        %mul3A_152 = arith.muli %and3A_150, %mul3A_151 : i32
        %get3A = arith.index_cast %shift_right_arithmetic3A_148 : i32 to index
        %get3A_153 = arith.index_cast %mul3A_152 : i32 to index
        %get3A_154 = tpu.vector_load %arg5[%get3A, %get3A_153] {strides = array<i32>} : memref<8x128xi32, #tpu.memory_space<vmem>>, vector<1x16xi32>,
        %get3A_155 = vector.shape_cast %get3A_154 : vector<1x16xi32> to vector<16xi32>
        %and3A_156 = arith.constant 1 : i32
        %and3A_157 = arith.andi %while3A_147, %and3A_156 : i32
        %mul3A_158 = arith.constant 16 : i32
        %mul3A_159 = arith.muli %and3A_157, %mul3A_158 : i32
        %slice3A = vector.extract_strided_slice %get3A_155 {offsets = [0], sizes = [1], strides = [1]} : vector<16xi32> to vector<1xi32>
        %squeeze3A = vector.extract %slice3A[0] : i32 from vector<1xi32>
        %slice3A_160 = vector.extract_strided_slice %get3A_155 {offsets = [1], sizes = [1], strides = [1]} : vector<16xi32> to vector<1xi32>
        %squeeze3A_161 = vector.extract %slice3A_160[0] : i32 from vector<1xi32>
        %slice3A_162 = vector.extract_strided_slice %get3A_155 {offsets = [2], sizes = [1], strides = [1]} : vector<16xi32> to vector<1xi32>
        %squeeze3A_163 = vector.extract %slice3A_162[0] : i32 from vector<1xi32>
        %slice3A_164 = vector.extract_strided_slice %get3A_155 {offsets = [3], sizes = [1], strides = [1]} : vector<16xi32> to vector<1xi32>
        %squeeze3A_165 = vector.extract %slice3A_164[0] : i32 from vector<1xi32>
        %slice3A_166 = vector.extract_strided_slice %get3A_155 {offsets = [4], sizes = [1], strides = [1]} : vector<16xi32> to vector<1xi32>
        %squeeze3A_167 = vector.extract %slice3A_166[0] : i32 from vector<1xi32>
        %slice3A_168 = vector.extract_strided_slice %get3A_155 {offsets = [5], sizes = [1], strides = [1]} : vector<16xi32> to vector<1xi32>
        %squeeze3A_169 = vector.extract %slice3A_168[0] : i32 from vector<1xi32>
        %slice3A_170 = vector.extract_strided_slice %get3A_155 {offsets = [6], sizes = [1], strides = [1]} : vector<16xi32> to vector<1xi32>
        %squeeze3A_171 = vector.extract %slice3A_170[0] : i32 from vector<1xi32>
        %slice3A_172 = vector.extract_strided_slice %get3A_155 {offsets = [7], sizes = [1], strides = [1]} : vector<16xi32> to vector<1xi32>
        %squeeze3A_173 = vector.extract %slice3A_172[0] : i32 from vector<1xi32>
        %slice3A_174 = vector.extract_strided_slice %get3A_155 {offsets = [8], sizes = [1], strides = [1]} : vector<16xi32> to vector<1xi32>
        %squeeze3A_175 = vector.extract %slice3A_174[0] : i32 from vector<1xi32>
        %slice3A_176 = vector.extract_strided_slice %get3A_155 {offsets = [9], sizes = [1], strides = [1]} : vector<16xi32> to vector<1xi32>
        %squeeze3A_177 = vector.extract %slice3A_176[0] : i32 from vector<1xi32>
        %slice3A_178 = vector.extract_strided_slice %get3A_155 {offsets = [10], sizes = [1], strides = [1]} : vector<16xi32> to vector<1xi32>
        %squeeze3A_179 = vector.extract %slice3A_178[0] : i32 from vector<1xi32>
        %slice3A_180 = vector.extract_strided_slice %get3A_155 {offsets = [11], sizes = [1], strides = [1]} : vector<16xi32> to vector<1xi32>
        %squeeze3A_181 = vector.extract %slice3A_180[0] : i32 from vector<1xi32>
        %slice3A_182 = vector.extract_strided_slice %get3A_155 {offsets = [12], sizes = [1], strides = [1]} : vector<16xi32> to vector<1xi32>
        %squeeze3A_183 = vector.extract %slice3A_182[0] : i32 from vector<1xi32>
        %slice3A_184 = vector.extract_strided_slice %get3A_155 {offsets = [13], sizes = [1], strides = [1]} : vector<16xi32> to vector<1xi32>
        %squeeze3A_185 = vector.extract %slice3A_184[0] : i32 from vector<1xi32>
        %slice3A_186 = vector.extract_strided_slice %get3A_155 {offsets = [14], sizes = [1], strides = [1]} : vector<16xi32> to vector<1xi32>
        %squeeze3A_187 = vector.extract %slice3A_186[0] : i32 from vector<1xi32>
        %slice3A_188 = vector.extract_strided_slice %get3A_155 {offsets = [15], sizes = [1], strides = [1]} : vector<16xi32> to vector<1xi32>
        %squeeze3A_189 = vector.extract %slice3A_188[0] : i32 from vector<1xi32>
        %parallel_loop3A = arith.constant 0 : i32
        %parallel_loop3A_190 = arith.constant 80 : i32
        %parallel_loop3A_191 = arith.constant 1 : i32
        scf.for %parallel_loop3A_192 = %parallel_loop3A to %parallel_loop3A_190 step %parallel_loop3A_191  : i32 {
          %parallel_loop3A_193 = arith.constant 16 : i32
          %parallel_loop3A_194 = arith.muli %parallel_loop3A_192, %parallel_loop3A_193 : i32
          %parallel_loop3A_195 = arith.index_cast %squeeze3A : i32 to index
          %parallel_loop3A_196 = arith.index_cast %parallel_loop3A_194 : i32 to index
          %parallel_loop3A_197 = tpu.vector_load %arg6[%parallel_loop3A_195, %parallel_loop3A_196] {strides = array<i32>} : memref<24x1280xf32, #tpu.memory_space<vmem>>, vector<1x16xf32>,
          %parallel_loop3A_198 = vector.shape_cast %parallel_loop3A_197 : vector<1x16xf32> to vector<16xf32>
          %parallel_loop3A_199 = arith.constant 0 : i32
          %parallel_loop3A_200 = arith.addi %mul3A_159, %parallel_loop3A_199 : i32
          %parallel_loop3A_201 = arith.index_cast %parallel_loop3A_200 : i32 to index
          %parallel_loop3A_202 = arith.index_cast %parallel_loop3A_194 : i32 to index
          %parallel_loop3A_203 = tpu.vector_load %arg8[%parallel_loop3A_201, %parallel_loop3A_202] {strides = array<i32>} : memref<32x1280xf32, #tpu.memory_space<vmem>>, vector<1x16xf32>,
          %parallel_loop3A_204 = vector.shape_cast %parallel_loop3A_203 : vector<1x16xf32> to vector<16xf32>
          %parallel_loop3A_205 = vector.shape_cast %parallel_loop3A_198 : vector<16xf32> to vector<1x16xf32>
          tpu.vector_store %arg8[%parallel_loop3A_201, %parallel_loop3A_202], %parallel_loop3A_205 {strides = array<i32>} : memref<32x1280xf32, #tpu.memory_space<vmem>>, vector<1x16xf32>,
          %parallel_loop3A_206 = arith.index_cast %squeeze3A_161 : i32 to index
          %parallel_loop3A_207 = arith.index_cast %parallel_loop3A_194 : i32 to index
          %parallel_loop3A_208 = tpu.vector_load %arg6[%parallel_loop3A_206, %parallel_loop3A_207] {strides = array<i32>} : memref<24x1280xf32, #tpu.memory_space<vmem>>, vector<1x16xf32>,
          %parallel_loop3A_209 = vector.shape_cast %parallel_loop3A_208 : vector<1x16xf32> to vector<16xf32>
          %parallel_loop3A_210 = arith.constant 1 : i32
          %parallel_loop3A_211 = arith.addi %mul3A_159, %parallel_loop3A_210 : i32
          %parallel_loop3A_212 = arith.index_cast %parallel_loop3A_211 : i32 to index
          %parallel_loop3A_213 = arith.index_cast %parallel_loop3A_194 : i32 to index
          %parallel_loop3A_214 = tpu.vector_load %arg8[%parallel_loop3A_212, %parallel_loop3A_213] {strides = array<i32>} : memref<32x1280xf32, #tpu.memory_space<vmem>>, vector<1x16xf32>,
          %parallel_loop3A_215 = vector.shape_cast %parallel_loop3A_214 : vector<1x16xf32> to vector<16xf32>
          %parallel_loop3A_216 = vector.shape_cast %parallel_loop3A_209 : vector<16xf32> to vector<1x16xf32>
          tpu.vector_store %arg8[%parallel_loop3A_212, %parallel_loop3A_213], %parallel_loop3A_216 {strides = array<i32>} : memref<32x1280xf32, #tpu.memory_space<vmem>>, vector<1x16xf32>,
          %parallel_loop3A_217 = arith.index_cast %squeeze3A_163 : i32 to index
          %parallel_loop3A_218 = arith.index_cast %parallel_loop3A_194 : i32 to index
          %parallel_loop3A_219 = tpu.vector_load %arg6[%parallel_loop3A_217, %parallel_loop3A_218] {strides = array<i32>} : memref<24x1280xf32, #tpu.memory_space<vmem>>, vector<1x16xf32>,
          %parallel_loop3A_220 = vector.shape_cast %parallel_loop3A_219 : vector<1x16xf32> to vector<16xf32>
          %parallel_loop3A_221 = arith.constant 2 : i32
          %parallel_loop3A_222 = arith.addi %mul3A_159, %parallel_loop3A_221 : i32
          %parallel_loop3A_223 = arith.index_cast %parallel_loop3A_222 : i32 to index
          %parallel_loop3A_224 = arith.index_cast %parallel_loop3A_194 : i32 to index
          %parallel_loop3A_225 = tpu.vector_load %arg8[%parallel_loop3A_223, %parallel_loop3A_224] {strides = array<i32>} : memref<32x1280xf32, #tpu.memory_space<vmem>>, vector<1x16xf32>,
          %parallel_loop3A_226 = vector.shape_cast %parallel_loop3A_225 : vector<1x16xf32> to vector<16xf32>
          %parallel_loop3A_227 = vector.shape_cast %parallel_loop3A_220 : vector<16xf32> to vector<1x16xf32>
          tpu.vector_store %arg8[%parallel_loop3A_223, %parallel_loop3A_224], %parallel_loop3A_227 {strides = array<i32>} : memref<32x1280xf32, #tpu.memory_space<vmem>>, vector<1x16xf32>,
          %parallel_loop3A_228 = arith.index_cast %squeeze3A_165 : i32 to index
          %parallel_loop3A_229 = arith.index_cast %parallel_loop3A_194 : i32 to index
          %parallel_loop3A_230 = tpu.vector_load %arg6[%parallel_loop3A_228, %parallel_loop3A_229] {strides = array<i32>} : memref<24x1280xf32, #tpu.memory_space<vmem>>, vector<1x16xf32>,
          %parallel_loop3A_231 = vector.shape_cast %parallel_loop3A_230 : vector<1x16xf32> to vector<16xf32>
          %parallel_loop3A_232 = arith.constant 3 : i32
          %parallel_loop3A_233 = arith.addi %mul3A_159, %parallel_loop3A_232 : i32
          %parallel_loop3A_234 = arith.index_cast %parallel_loop3A_233 : i32 to index
          %parallel_loop3A_235 = arith.index_cast %parallel_loop3A_194 : i32 to index
          %parallel_loop3A_236 = tpu.vector_load %arg8[%parallel_loop3A_234, %parallel_loop3A_235] {strides = array<i32>} : memref<32x1280xf32, #tpu.memory_space<vmem>>, vector<1x16xf32>,
          %parallel_loop3A_237 = vector.shape_cast %parallel_loop3A_236 : vector<1x16xf32> to vector<16xf32>
          %parallel_loop3A_238 = vector.shape_cast %parallel_loop3A_231 : vector<16xf32> to vector<1x16xf32>
          tpu.vector_store %arg8[%parallel_loop3A_234, %parallel_loop3A_235], %parallel_loop3A_238 {strides = array<i32>} : memref<32x1280xf32, #tpu.memory_space<vmem>>, vector<1x16xf32>,
          %parallel_loop3A_239 = arith.index_cast %squeeze3A_167 : i32 to index
          %parallel_loop3A_240 = arith.index_cast %parallel_loop3A_194 : i32 to index
          %parallel_loop3A_241 = tpu.vector_load %arg6[%parallel_loop3A_239, %parallel_loop3A_240] {strides = array<i32>} : memref<24x1280xf32, #tpu.memory_space<vmem>>, vector<1x16xf32>,
          %parallel_loop3A_242 = vector.shape_cast %parallel_loop3A_241 : vector<1x16xf32> to vector<16xf32>
          %parallel_loop3A_243 = arith.constant 4 : i32
          %parallel_loop3A_244 = arith.addi %mul3A_159, %parallel_loop3A_243 : i32
          %parallel_loop3A_245 = arith.index_cast %parallel_loop3A_244 : i32 to index
          %parallel_loop3A_246 = arith.index_cast %parallel_loop3A_194 : i32 to index
          %parallel_loop3A_247 = tpu.vector_load %arg8[%parallel_loop3A_245, %parallel_loop3A_246] {strides = array<i32>} : memref<32x1280xf32, #tpu.memory_space<vmem>>, vector<1x16xf32>,
          %parallel_loop3A_248 = vector.shape_cast %parallel_loop3A_247 : vector<1x16xf32> to vector<16xf32>
          %parallel_loop3A_249 = vector.shape_cast %parallel_loop3A_242 : vector<16xf32> to vector<1x16xf32>
          tpu.vector_store %arg8[%parallel_loop3A_245, %parallel_loop3A_246], %parallel_loop3A_249 {strides = array<i32>} : memref<32x1280xf32, #tpu.memory_space<vmem>>, vector<1x16xf32>,
          %parallel_loop3A_250 = arith.index_cast %squeeze3A_169 : i32 to index
          %parallel_loop3A_251 = arith.index_cast %parallel_loop3A_194 : i32 to index
          %parallel_loop3A_252 = tpu.vector_load %arg6[%parallel_loop3A_250, %parallel_loop3A_251] {strides = array<i32>} : memref<24x1280xf32, #tpu.memory_space<vmem>>, vector<1x16xf32>,
          %parallel_loop3A_253 = vector.shape_cast %parallel_loop3A_252 : vector<1x16xf32> to vector<16xf32>
          %parallel_loop3A_254 = arith.constant 5 : i32
          %parallel_loop3A_255 = arith.addi %mul3A_159, %parallel_loop3A_254 : i32
          %parallel_loop3A_256 = arith.index_cast %parallel_loop3A_255 : i32 to index
          %parallel_loop3A_257 = arith.index_cast %parallel_loop3A_194 : i32 to index
          %parallel_loop3A_258 = tpu.vector_load %arg8[%parallel_loop3A_256, %parallel_loop3A_257] {strides = array<i32>} : memref<32x1280xf32, #tpu.memory_space<vmem>>, vector<1x16xf32>,
          %parallel_loop3A_259 = vector.shape_cast %parallel_loop3A_258 : vector<1x16xf32> to vector<16xf32>
          %parallel_loop3A_260 = vector.shape_cast %parallel_loop3A_253 : vector<16xf32> to vector<1x16xf32>
          tpu.vector_store %arg8[%parallel_loop3A_256, %parallel_loop3A_257], %parallel_loop3A_260 {strides = array<i32>} : memref<32x1280xf32, #tpu.memory_space<vmem>>, vector<1x16xf32>,
          %parallel_loop3A_261 = arith.index_cast %squeeze3A_171 : i32 to index
          %parallel_loop3A_262 = arith.index_cast %parallel_loop3A_194 : i32 to index
          %parallel_loop3A_263 = tpu.vector_load %arg6[%parallel_loop3A_261, %parallel_loop3A_262] {strides = array<i32>} : memref<24x1280xf32, #tpu.memory_space<vmem>>, vector<1x16xf32>,
          %parallel_loop3A_264 = vector.shape_cast %parallel_loop3A_263 : vector<1x16xf32> to vector<16xf32>
          %parallel_loop3A_265 = arith.constant 6 : i32
          %parallel_loop3A_266 = arith.addi %mul3A_159, %parallel_loop3A_265 : i32
          %parallel_loop3A_267 = arith.index_cast %parallel_loop3A_266 : i32 to index
          %parallel_loop3A_268 = arith.index_cast %parallel_loop3A_194 : i32 to index
          %parallel_loop3A_269 = tpu.vector_load %arg8[%parallel_loop3A_267, %parallel_loop3A_268] {strides = array<i32>} : memref<32x1280xf32, #tpu.memory_space<vmem>>, vector<1x16xf32>,
          %parallel_loop3A_270 = vector.shape_cast %parallel_loop3A_269 : vector<1x16xf32> to vector<16xf32>
          %parallel_loop3A_271 = vector.shape_cast %parallel_loop3A_264 : vector<16xf32> to vector<1x16xf32>
          tpu.vector_store %arg8[%parallel_loop3A_267, %parallel_loop3A_268], %parallel_loop3A_271 {strides = array<i32>} : memref<32x1280xf32, #tpu.memory_space<vmem>>, vector<1x16xf32>,
          %parallel_loop3A_272 = arith.index_cast %squeeze3A_173 : i32 to index
          %parallel_loop3A_273 = arith.index_cast %parallel_loop3A_194 : i32 to index
          %parallel_loop3A_274 = tpu.vector_load %arg6[%parallel_loop3A_272, %parallel_loop3A_273] {strides = array<i32>} : memref<24x1280xf32, #tpu.memory_space<vmem>>, vector<1x16xf32>,
          %parallel_loop3A_275 = vector.shape_cast %parallel_loop3A_274 : vector<1x16xf32> to vector<16xf32>
          %parallel_loop3A_276 = arith.constant 7 : i32
          %parallel_loop3A_277 = arith.addi %mul3A_159, %parallel_loop3A_276 : i32
          %parallel_loop3A_278 = arith.index_cast %parallel_loop3A_277 : i32 to index
          %parallel_loop3A_279 = arith.index_cast %parallel_loop3A_194 : i32 to index
          %parallel_loop3A_280 = tpu.vector_load %arg8[%parallel_loop3A_278, %parallel_loop3A_279] {strides = array<i32>} : memref<32x1280xf32, #tpu.memory_space<vmem>>, vector<1x16xf32>,
          %parallel_loop3A_281 = vector.shape_cast %parallel_loop3A_280 : vector<1x16xf32> to vector<16xf32>
          %parallel_loop3A_282 = vector.shape_cast %parallel_loop3A_275 : vector<16xf32> to vector<1x16xf32>
          tpu.vector_store %arg8[%parallel_loop3A_278, %parallel_loop3A_279], %parallel_loop3A_282 {strides = array<i32>} : memref<32x1280xf32, #tpu.memory_space<vmem>>, vector<1x16xf32>,
          %parallel_loop3A_283 = arith.index_cast %squeeze3A_175 : i32 to index
          %parallel_loop3A_284 = arith.index_cast %parallel_loop3A_194 : i32 to index
          %parallel_loop3A_285 = tpu.vector_load %arg6[%parallel_loop3A_283, %parallel_loop3A_284] {strides = array<i32>} : memref<24x1280xf32, #tpu.memory_space<vmem>>, vector<1x16xf32>,
          %parallel_loop3A_286 = vector.shape_cast %parallel_loop3A_285 : vector<1x16xf32> to vector<16xf32>
          %parallel_loop3A_287 = arith.constant 8 : i32
          %parallel_loop3A_288 = arith.addi %mul3A_159, %parallel_loop3A_287 : i32
          %parallel_loop3A_289 = arith.index_cast %parallel_loop3A_288 : i32 to index
          %parallel_loop3A_290 = arith.index_cast %parallel_loop3A_194 : i32 to index
          %parallel_loop3A_291 = tpu.vector_load %arg8[%parallel_loop3A_289, %parallel_loop3A_290] {strides = array<i32>} : memref<32x1280xf32, #tpu.memory_space<vmem>>, vector<1x16xf32>,
          %parallel_loop3A_292 = vector.shape_cast %parallel_loop3A_291 : vector<1x16xf32> to vector<16xf32>
          %parallel_loop3A_293 = vector.shape_cast %parallel_loop3A_286 : vector<16xf32> to vector<1x16xf32>
          tpu.vector_store %arg8[%parallel_loop3A_289, %parallel_loop3A_290], %parallel_loop3A_293 {strides = array<i32>} : memref<32x1280xf32, #tpu.memory_space<vmem>>, vector<1x16xf32>,
          %parallel_loop3A_294 = arith.index_cast %squeeze3A_177 : i32 to index
          %parallel_loop3A_295 = arith.index_cast %parallel_loop3A_194 : i32 to index
          %parallel_loop3A_296 = tpu.vector_load %arg6[%parallel_loop3A_294, %parallel_loop3A_295] {strides = array<i32>} : memref<24x1280xf32, #tpu.memory_space<vmem>>, vector<1x16xf32>,
          %parallel_loop3A_297 = vector.shape_cast %parallel_loop3A_296 : vector<1x16xf32> to vector<16xf32>
          %parallel_loop3A_298 = arith.constant 9 : i32
          %parallel_loop3A_299 = arith.addi %mul3A_159, %parallel_loop3A_298 : i32
          %parallel_loop3A_300 = arith.index_cast %parallel_loop3A_299 : i32 to index
          %parallel_loop3A_301 = arith.index_cast %parallel_loop3A_194 : i32 to index
          %parallel_loop3A_302 = tpu.vector_load %arg8[%parallel_loop3A_300, %parallel_loop3A_301] {strides = array<i32>} : memref<32x1280xf32, #tpu.memory_space<vmem>>, vector<1x16xf32>,
          %parallel_loop3A_303 = vector.shape_cast %parallel_loop3A_302 : vector<1x16xf32> to vector<16xf32>
          %parallel_loop3A_304 = vector.shape_cast %parallel_loop3A_297 : vector<16xf32> to vector<1x16xf32>
          tpu.vector_store %arg8[%parallel_loop3A_300, %parallel_loop3A_301], %parallel_loop3A_304 {strides = array<i32>} : memref<32x1280xf32, #tpu.memory_space<vmem>>, vector<1x16xf32>,
          %parallel_loop3A_305 = arith.index_cast %squeeze3A_179 : i32 to index
          %parallel_loop3A_306 = arith.index_cast %parallel_loop3A_194 : i32 to index
          %parallel_loop3A_307 = tpu.vector_load %arg6[%parallel_loop3A_305, %parallel_loop3A_306] {strides = array<i32>} : memref<24x1280xf32, #tpu.memory_space<vmem>>, vector<1x16xf32>,
          %parallel_loop3A_308 = vector.shape_cast %parallel_loop3A_307 : vector<1x16xf32> to vector<16xf32>
          %parallel_loop3A_309 = arith.constant 10 : i32
          %parallel_loop3A_310 = arith.addi %mul3A_159, %parallel_loop3A_309 : i32
          %parallel_loop3A_311 = arith.index_cast %parallel_loop3A_310 : i32 to index
          %parallel_loop3A_312 = arith.index_cast %parallel_loop3A_194 : i32 to index
          %parallel_loop3A_313 = tpu.vector_load %arg8[%parallel_loop3A_311, %parallel_loop3A_312] {strides = array<i32>} : memref<32x1280xf32, #tpu.memory_space<vmem>>, vector<1x16xf32>,
          %parallel_loop3A_314 = vector.shape_cast %parallel_loop3A_313 : vector<1x16xf32> to vector<16xf32>
          %parallel_loop3A_315 = vector.shape_cast %parallel_loop3A_308 : vector<16xf32> to vector<1x16xf32>
          tpu.vector_store %arg8[%parallel_loop3A_311, %parallel_loop3A_312], %parallel_loop3A_315 {strides = array<i32>} : memref<32x1280xf32, #tpu.memory_space<vmem>>, vector<1x16xf32>,
          %parallel_loop3A_316 = arith.index_cast %squeeze3A_181 : i32 to index
          %parallel_loop3A_317 = arith.index_cast %parallel_loop3A_194 : i32 to index
          %parallel_loop3A_318 = tpu.vector_load %arg6[%parallel_loop3A_316, %parallel_loop3A_317] {strides = array<i32>} : memref<24x1280xf32, #tpu.memory_space<vmem>>, vector<1x16xf32>,
          %parallel_loop3A_319 = vector.shape_cast %parallel_loop3A_318 : vector<1x16xf32> to vector<16xf32>
          %parallel_loop3A_320 = arith.constant 11 : i32
          %parallel_loop3A_321 = arith.addi %mul3A_159, %parallel_loop3A_320 : i32
          %parallel_loop3A_322 = arith.index_cast %parallel_loop3A_321 : i32 to index
          %parallel_loop3A_323 = arith.index_cast %parallel_loop3A_194 : i32 to index
          %parallel_loop3A_324 = tpu.vector_load %arg8[%parallel_loop3A_322, %parallel_loop3A_323] {strides = array<i32>} : memref<32x1280xf32, #tpu.memory_space<vmem>>, vector<1x16xf32>,
          %parallel_loop3A_325 = vector.shape_cast %parallel_loop3A_324 : vector<1x16xf32> to vector<16xf32>
          %parallel_loop3A_326 = vector.shape_cast %parallel_loop3A_319 : vector<16xf32> to vector<1x16xf32>
          tpu.vector_store %arg8[%parallel_loop3A_322, %parallel_loop3A_323], %parallel_loop3A_326 {strides = array<i32>} : memref<32x1280xf32, #tpu.memory_space<vmem>>, vector<1x16xf32>,
          %parallel_loop3A_327 = arith.index_cast %squeeze3A_183 : i32 to index
          %parallel_loop3A_328 = arith.index_cast %parallel_loop3A_194 : i32 to index
          %parallel_loop3A_329 = tpu.vector_load %arg6[%parallel_loop3A_327, %parallel_loop3A_328] {strides = array<i32>} : memref<24x1280xf32, #tpu.memory_space<vmem>>, vector<1x16xf32>,
          %parallel_loop3A_330 = vector.shape_cast %parallel_loop3A_329 : vector<1x16xf32> to vector<16xf32>
          %parallel_loop3A_331 = arith.constant 12 : i32
          %parallel_loop3A_332 = arith.addi %mul3A_159, %parallel_loop3A_331 : i32
          %parallel_loop3A_333 = arith.index_cast %parallel_loop3A_332 : i32 to index
          %parallel_loop3A_334 = arith.index_cast %parallel_loop3A_194 : i32 to index
          %parallel_loop3A_335 = tpu.vector_load %arg8[%parallel_loop3A_333, %parallel_loop3A_334] {strides = array<i32>} : memref<32x1280xf32, #tpu.memory_space<vmem>>, vector<1x16xf32>,
          %parallel_loop3A_336 = vector.shape_cast %parallel_loop3A_335 : vector<1x16xf32> to vector<16xf32>
          %parallel_loop3A_337 = vector.shape_cast %parallel_loop3A_330 : vector<16xf32> to vector<1x16xf32>
          tpu.vector_store %arg8[%parallel_loop3A_333, %parallel_loop3A_334], %parallel_loop3A_337 {strides = array<i32>} : memref<32x1280xf32, #tpu.memory_space<vmem>>, vector<1x16xf32>,
          %parallel_loop3A_338 = arith.index_cast %squeeze3A_185 : i32 to index
          %parallel_loop3A_339 = arith.index_cast %parallel_loop3A_194 : i32 to index
          %parallel_loop3A_340 = tpu.vector_load %arg6[%parallel_loop3A_338, %parallel_loop3A_339] {strides = array<i32>} : memref<24x1280xf32, #tpu.memory_space<vmem>>, vector<1x16xf32>,
          %parallel_loop3A_341 = vector.shape_cast %parallel_loop3A_340 : vector<1x16xf32> to vector<16xf32>
          %parallel_loop3A_342 = arith.constant 13 : i32
          %parallel_loop3A_343 = arith.addi %mul3A_159, %parallel_loop3A_342 : i32
          %parallel_loop3A_344 = arith.index_cast %parallel_loop3A_343 : i32 to index
          %parallel_loop3A_345 = arith.index_cast %parallel_loop3A_194 : i32 to index
          %parallel_loop3A_346 = tpu.vector_load %arg8[%parallel_loop3A_344, %parallel_loop3A_345] {strides = array<i32>} : memref<32x1280xf32, #tpu.memory_space<vmem>>, vector<1x16xf32>,
          %parallel_loop3A_347 = vector.shape_cast %parallel_loop3A_346 : vector<1x16xf32> to vector<16xf32>
          %parallel_loop3A_348 = vector.shape_cast %parallel_loop3A_341 : vector<16xf32> to vector<1x16xf32>
          tpu.vector_store %arg8[%parallel_loop3A_344, %parallel_loop3A_345], %parallel_loop3A_348 {strides = array<i32>} : memref<32x1280xf32, #tpu.memory_space<vmem>>, vector<1x16xf32>,
          %parallel_loop3A_349 = arith.index_cast %squeeze3A_187 : i32 to index
          %parallel_loop3A_350 = arith.index_cast %parallel_loop3A_194 : i32 to index
          %parallel_loop3A_351 = tpu.vector_load %arg6[%parallel_loop3A_349, %parallel_loop3A_350] {strides = array<i32>} : memref<24x1280xf32, #tpu.memory_space<vmem>>, vector<1x16xf32>,
          %parallel_loop3A_352 = vector.shape_cast %parallel_loop3A_351 : vector<1x16xf32> to vector<16xf32>
          %parallel_loop3A_353 = arith.constant 14 : i32
          %parallel_loop3A_354 = arith.addi %mul3A_159, %parallel_loop3A_353 : i32
          %parallel_loop3A_355 = arith.index_cast %parallel_loop3A_354 : i32 to index
          %parallel_loop3A_356 = arith.index_cast %parallel_loop3A_194 : i32 to index
          %parallel_loop3A_357 = tpu.vector_load %arg8[%parallel_loop3A_355, %parallel_loop3A_356] {strides = array<i32>} : memref<32x1280xf32, #tpu.memory_space<vmem>>, vector<1x16xf32>,
          %parallel_loop3A_358 = vector.shape_cast %parallel_loop3A_357 : vector<1x16xf32> to vector<16xf32>
          %parallel_loop3A_359 = vector.shape_cast %parallel_loop3A_352 : vector<16xf32> to vector<1x16xf32>
          tpu.vector_store %arg8[%parallel_loop3A_355, %parallel_loop3A_356], %parallel_loop3A_359 {strides = array<i32>} : memref<32x1280xf32, #tpu.memory_space<vmem>>, vector<1x16xf32>,
          %parallel_loop3A_360 = arith.index_cast %squeeze3A_189 : i32 to index
          %parallel_loop3A_361 = arith.index_cast %parallel_loop3A_194 : i32 to index
          %parallel_loop3A_362 = tpu.vector_load %arg6[%parallel_loop3A_360, %parallel_loop3A_361] {strides = array<i32>} : memref<24x1280xf32, #tpu.memory_space<vmem>>, vector<1x16xf32>,
          %parallel_loop3A_363 = vector.shape_cast %parallel_loop3A_362 : vector<1x16xf32> to vector<16xf32>
          %parallel_loop3A_364 = arith.constant 15 : i32
          %parallel_loop3A_365 = arith.addi %mul3A_159, %parallel_loop3A_364 : i32
          %parallel_loop3A_366 = arith.index_cast %parallel_loop3A_365 : i32 to index
          %parallel_loop3A_367 = arith.index_cast %parallel_loop3A_194 : i32 to index
          %parallel_loop3A_368 = tpu.vector_load %arg8[%parallel_loop3A_366, %parallel_loop3A_367] {strides = array<i32>} : memref<32x1280xf32, #tpu.memory_space<vmem>>, vector<1x16xf32>,
          %parallel_loop3A_369 = vector.shape_cast %parallel_loop3A_368 : vector<1x16xf32> to vector<16xf32>
          %parallel_loop3A_370 = vector.shape_cast %parallel_loop3A_363 : vector<16xf32> to vector<1x16xf32>
          tpu.vector_store %arg8[%parallel_loop3A_366, %parallel_loop3A_367], %parallel_loop3A_370 {strides = array<i32>} : memref<32x1280xf32, #tpu.memory_space<vmem>>, vector<1x16xf32>,
        } {sc.loop_unroll_factor = 8 : i64, sc.parallel_access}
      }
      %while3A_139 = arith.constant 1 : i32
      scf.for %while3A_147 = %while3A_137 to %while3A_133 step %while3A_139  : i32 {
        %shift_right_arithmetic3A = arith.constant 3 : i32
        %shift_right_arithmetic3A_148 = arith.shrsi %while3A_147, %shift_right_arithmetic3A : i32
        %and3A_149 = arith.constant 7 : i32
        %and3A_150 = arith.andi %while3A_147, %and3A_149 : i32
        %mul3A_151 = arith.constant 16 : i32
        %mul3A_152 = arith.muli %and3A_150, %mul3A_151 : i32
        %get3A = arith.index_cast %shift_right_arithmetic3A_148 : i32 to index
        %get3A_153 = arith.index_cast %mul3A_152 : i32 to index
        %get3A_154 = tpu.vector_load %arg5[%get3A, %get3A_153] {strides = array<i32>} : memref<8x128xi32, #tpu.memory_space<vmem>>, vector<1x16xi32>,
        %get3A_155 = vector.shape_cast %get3A_154 : vector<1x16xi32> to vector<16xi32>
        %and3A_156 = arith.constant 1 : i32
        %and3A_157 = arith.andi %while3A_147, %and3A_156 : i32
        %mul3A_158 = arith.constant 16 : i32
        %mul3A_159 = arith.muli %and3A_157, %mul3A_158 : i32
        %slice3A = vector.extract_strided_slice %get3A_155 {offsets = [0], sizes = [1], strides = [1]} : vector<16xi32> to vector<1xi32>
        %squeeze3A = vector.extract %slice3A[0] : i32 from vector<1xi32>
        %slice3A_160 = vector.extract_strided_slice %get3A_155 {offsets = [1], sizes = [1], strides = [1]} : vector<16xi32> to vector<1xi32>
        %squeeze3A_161 = vector.extract %slice3A_160[0] : i32 from vector<1xi32>
        %slice3A_162 = vector.extract_strided_slice %get3A_155 {offsets = [2], sizes = [1], strides = [1]} : vector<16xi32> to vector<1xi32>
        %squeeze3A_163 = vector.extract %slice3A_162[0] : i32 from vector<1xi32>
        %slice3A_164 = vector.extract_strided_slice %get3A_155 {offsets = [3], sizes = [1], strides = [1]} : vector<16xi32> to vector<1xi32>
        %squeeze3A_165 = vector.extract %slice3A_164[0] : i32 from vector<1xi32>
        %slice3A_166 = vector.extract_strided_slice %get3A_155 {offsets = [4], sizes = [1], strides = [1]} : vector<16xi32> to vector<1xi32>
        %squeeze3A_167 = vector.extract %slice3A_166[0] : i32 from vector<1xi32>
        %slice3A_168 = vector.extract_strided_slice %get3A_155 {offsets = [5], sizes = [1], strides = [1]} : vector<16xi32> to vector<1xi32>
        %squeeze3A_169 = vector.extract %slice3A_168[0] : i32 from vector<1xi32>
        %slice3A_170 = vector.extract_strided_slice %get3A_155 {offsets = [6], sizes = [1], strides = [1]} : vector<16xi32> to vector<1xi32>
        %squeeze3A_171 = vector.extract %slice3A_170[0] : i32 from vector<1xi32>
        %slice3A_172 = vector.extract_strided_slice %get3A_155 {offsets = [7], sizes = [1], strides = [1]} : vector<16xi32> to vector<1xi32>
        %squeeze3A_173 = vector.extract %slice3A_172[0] : i32 from vector<1xi32>
        %slice3A_174 = vector.extract_strided_slice %get3A_155 {offsets = [8], sizes = [1], strides = [1]} : vector<16xi32> to vector<1xi32>
        %squeeze3A_175 = vector.extract %slice3A_174[0] : i32 from vector<1xi32>
        %slice3A_176 = vector.extract_strided_slice %get3A_155 {offsets = [9], sizes = [1], strides = [1]} : vector<16xi32> to vector<1xi32>
        %squeeze3A_177 = vector.extract %slice3A_176[0] : i32 from vector<1xi32>
        %slice3A_178 = vector.extract_strided_slice %get3A_155 {offsets = [10], sizes = [1], strides = [1]} : vector<16xi32> to vector<1xi32>
        %squeeze3A_179 = vector.extract %slice3A_178[0] : i32 from vector<1xi32>
        %slice3A_180 = vector.extract_strided_slice %get3A_155 {offsets = [11], sizes = [1], strides = [1]} : vector<16xi32> to vector<1xi32>
        %squeeze3A_181 = vector.extract %slice3A_180[0] : i32 from vector<1xi32>
        %slice3A_182 = vector.extract_strided_slice %get3A_155 {offsets = [12], sizes = [1], strides = [1]} : vector<16xi32> to vector<1xi32>
        %squeeze3A_183 = vector.extract %slice3A_182[0] : i32 from vector<1xi32>
        %slice3A_184 = vector.extract_strided_slice %get3A_155 {offsets = [13], sizes = [1], strides = [1]} : vector<16xi32> to vector<1xi32>
        %squeeze3A_185 = vector.extract %slice3A_184[0] : i32 from vector<1xi32>
        %slice3A_186 = vector.extract_strided_slice %get3A_155 {offsets = [14], sizes = [1], strides = [1]} : vector<16xi32> to vector<1xi32>
        %squeeze3A_187 = vector.extract %slice3A_186[0] : i32 from vector<1xi32>
        %slice3A_188 = vector.extract_strided_slice %get3A_155 {offsets = [15], sizes = [1], strides = [1]} : vector<16xi32> to vector<1xi32>
        %squeeze3A_189 = vector.extract %slice3A_188[0] : i32 from vector<1xi32>
        %parallel_loop3A = arith.constant 0 : i32
        %parallel_loop3A_190 = arith.constant 80 : i32
        %parallel_loop3A_191 = arith.constant 1 : i32
        scf.for %parallel_loop3A_192 = %parallel_loop3A to %parallel_loop3A_190 step %parallel_loop3A_191  : i32 {
          %parallel_loop3A_193 = arith.constant 16 : i32
          %parallel_loop3A_194 = arith.muli %parallel_loop3A_192, %parallel_loop3A_193 : i32
          %parallel_loop3A_195 = arith.index_cast %squeeze3A : i32 to index
          %parallel_loop3A_196 = arith.index_cast %parallel_loop3A_194 : i32 to index
          %parallel_loop3A_197 = tpu.vector_load %arg6[%parallel_loop3A_195, %parallel_loop3A_196] {strides = array<i32>} : memref<24x1280xf32, #tpu.memory_space<vmem>>, vector<1x16xf32>,
          %parallel_loop3A_198 = vector.shape_cast %parallel_loop3A_197 : vector<1x16xf32> to vector<16xf32>
          %parallel_loop3A_199 = arith.constant 0 : i32
          %parallel_loop3A_200 = arith.addi %mul3A_159, %parallel_loop3A_199 : i32
          %parallel_loop3A_201 = arith.index_cast %parallel_loop3A_200 : i32 to index
          %parallel_loop3A_202 = arith.index_cast %parallel_loop3A_194 : i32 to index
          %parallel_loop3A_203 = tpu.vector_load %arg8[%parallel_loop3A_201, %parallel_loop3A_202] {strides = array<i32>} : memref<32x1280xf32, #tpu.memory_space<vmem>>, vector<1x16xf32>,
          %parallel_loop3A_204 = vector.shape_cast %parallel_loop3A_203 : vector<1x16xf32> to vector<16xf32>
          %parallel_loop3A_205 = vector.shape_cast %parallel_loop3A_198 : vector<16xf32> to vector<1x16xf32>
          tpu.vector_store %arg8[%parallel_loop3A_201, %parallel_loop3A_202], %parallel_loop3A_205 {strides = array<i32>} : memref<32x1280xf32, #tpu.memory_space<vmem>>, vector<1x16xf32>,
          %parallel_loop3A_206 = arith.index_cast %squeeze3A_161 : i32 to index
          %parallel_loop3A_207 = arith.index_cast %parallel_loop3A_194 : i32 to index
          %parallel_loop3A_208 = tpu.vector_load %arg6[%parallel_loop3A_206, %parallel_loop3A_207] {strides = array<i32>} : memref<24x1280xf32, #tpu.memory_space<vmem>>, vector<1x16xf32>,
          %parallel_loop3A_209 = vector.shape_cast %parallel_loop3A_208 : vector<1x16xf32> to vector<16xf32>
          %parallel_loop3A_210 = arith.constant 1 : i32
          %parallel_loop3A_211 = arith.addi %mul3A_159, %parallel_loop3A_210 : i32
          %parallel_loop3A_212 = arith.index_cast %parallel_loop3A_211 : i32 to index
          %parallel_loop3A_213 = arith.index_cast %parallel_loop3A_194 : i32 to index
          %parallel_loop3A_214 = tpu.vector_load %arg8[%parallel_loop3A_212, %parallel_loop3A_213] {strides = array<i32>} : memref<32x1280xf32, #tpu.memory_space<vmem>>, vector<1x16xf32>,
          %parallel_loop3A_215 = vector.shape_cast %parallel_loop3A_214 : vector<1x16xf32> to vector<16xf32>
          %parallel_loop3A_216 = vector.shape_cast %parallel_loop3A_209 : vector<16xf32> to vector<1x16xf32>
          tpu.vector_store %arg8[%parallel_loop3A_212, %parallel_loop3A_213], %parallel_loop3A_216 {strides = array<i32>} : memref<32x1280xf32, #tpu.memory_space<vmem>>, vector<1x16xf32>,
          %parallel_loop3A_217 = arith.index_cast %squeeze3A_163 : i32 to index
          %parallel_loop3A_218 = arith.index_cast %parallel_loop3A_194 : i32 to index
          %parallel_loop3A_219 = tpu.vector_load %arg6[%parallel_loop3A_217, %parallel_loop3A_218] {strides = array<i32>} : memref<24x1280xf32, #tpu.memory_space<vmem>>, vector<1x16xf32>,
          %parallel_loop3A_220 = vector.shape_cast %parallel_loop3A_219 : vector<1x16xf32> to vector<16xf32>
          %parallel_loop3A_221 = arith.constant 2 : i32
          %parallel_loop3A_222 = arith.addi %mul3A_159, %parallel_loop3A_221 : i32
          %parallel_loop3A_223 = arith.index_cast %parallel_loop3A_222 : i32 to index
          %parallel_loop3A_224 = arith.index_cast %parallel_loop3A_194 : i32 to index
          %parallel_loop3A_225 = tpu.vector_load %arg8[%parallel_loop3A_223, %parallel_loop3A_224] {strides = array<i32>} : memref<32x1280xf32, #tpu.memory_space<vmem>>, vector<1x16xf32>,
          %parallel_loop3A_226 = vector.shape_cast %parallel_loop3A_225 : vector<1x16xf32> to vector<16xf32>
          %parallel_loop3A_227 = vector.shape_cast %parallel_loop3A_220 : vector<16xf32> to vector<1x16xf32>
          tpu.vector_store %arg8[%parallel_loop3A_223, %parallel_loop3A_224], %parallel_loop3A_227 {strides = array<i32>} : memref<32x1280xf32, #tpu.memory_space<vmem>>, vector<1x16xf32>,
          %parallel_loop3A_228 = arith.index_cast %squeeze3A_165 : i32 to index
          %parallel_loop3A_229 = arith.index_cast %parallel_loop3A_194 : i32 to index
          %parallel_loop3A_230 = tpu.vector_load %arg6[%parallel_loop3A_228, %parallel_loop3A_229] {strides = array<i32>} : memref<24x1280xf32, #tpu.memory_space<vmem>>, vector<1x16xf32>,
          %parallel_loop3A_231 = vector.shape_cast %parallel_loop3A_230 : vector<1x16xf32> to vector<16xf32>
          %parallel_loop3A_232 = arith.constant 3 : i32
          %parallel_loop3A_233 = arith.addi %mul3A_159, %parallel_loop3A_232 : i32
          %parallel_loop3A_234 = arith.index_cast %parallel_loop3A_233 : i32 to index
          %parallel_loop3A_235 = arith.index_cast %parallel_loop3A_194 : i32 to index
          %parallel_loop3A_236 = tpu.vector_load %arg8[%parallel_loop3A_234, %parallel_loop3A_235] {strides = array<i32>} : memref<32x1280xf32, #tpu.memory_space<vmem>>, vector<1x16xf32>,
          %parallel_loop3A_237 = vector.shape_cast %parallel_loop3A_236 : vector<1x16xf32> to vector<16xf32>
          %parallel_loop3A_238 = vector.shape_cast %parallel_loop3A_231 : vector<16xf32> to vector<1x16xf32>
          tpu.vector_store %arg8[%parallel_loop3A_234, %parallel_loop3A_235], %parallel_loop3A_238 {strides = array<i32>} : memref<32x1280xf32, #tpu.memory_space<vmem>>, vector<1x16xf32>,
          %parallel_loop3A_239 = arith.index_cast %squeeze3A_167 : i32 to index
          %parallel_loop3A_240 = arith.index_cast %parallel_loop3A_194 : i32 to index
          %parallel_loop3A_241 = tpu.vector_load %arg6[%parallel_loop3A_239, %parallel_loop3A_240] {strides = array<i32>} : memref<24x1280xf32, #tpu.memory_space<vmem>>, vector<1x16xf32>,
          %parallel_loop3A_242 = vector.shape_cast %parallel_loop3A_241 : vector<1x16xf32> to vector<16xf32>
          %parallel_loop3A_243 = arith.constant 4 : i32
          %parallel_loop3A_244 = arith.addi %mul3A_159, %parallel_loop3A_243 : i32
          %parallel_loop3A_245 = arith.index_cast %parallel_loop3A_244 : i32 to index
          %parallel_loop3A_246 = arith.index_cast %parallel_loop3A_194 : i32 to index
          %parallel_loop3A_247 = tpu.vector_load %arg8[%parallel_loop3A_245, %parallel_loop3A_246] {strides = array<i32>} : memref<32x1280xf32, #tpu.memory_space<vmem>>, vector<1x16xf32>,
          %parallel_loop3A_248 = vector.shape_cast %parallel_loop3A_247 : vector<1x16xf32> to vector<16xf32>
          %parallel_loop3A_249 = vector.shape_cast %parallel_loop3A_242 : vector<16xf32> to vector<1x16xf32>
          tpu.vector_store %arg8[%parallel_loop3A_245, %parallel_loop3A_246], %parallel_loop3A_249 {strides = array<i32>} : memref<32x1280xf32, #tpu.memory_space<vmem>>, vector<1x16xf32>,
          %parallel_loop3A_250 = arith.index_cast %squeeze3A_169 : i32 to index
          %parallel_loop3A_251 = arith.index_cast %parallel_loop3A_194 : i32 to index
          %parallel_loop3A_252 = tpu.vector_load %arg6[%parallel_loop3A_250, %parallel_loop3A_251] {strides = array<i32>} : memref<24x1280xf32, #tpu.memory_space<vmem>>, vector<1x16xf32>,
          %parallel_loop3A_253 = vector.shape_cast %parallel_loop3A_252 : vector<1x16xf32> to vector<16xf32>
          %parallel_loop3A_254 = arith.constant 5 : i32
          %parallel_loop3A_255 = arith.addi %mul3A_159, %parallel_loop3A_254 : i32
          %parallel_loop3A_256 = arith.index_cast %parallel_loop3A_255 : i32 to index
          %parallel_loop3A_257 = arith.index_cast %parallel_loop3A_194 : i32 to index
          %parallel_loop3A_258 = tpu.vector_load %arg8[%parallel_loop3A_256, %parallel_loop3A_257] {strides = array<i32>} : memref<32x1280xf32, #tpu.memory_space<vmem>>, vector<1x16xf32>,
          %parallel_loop3A_259 = vector.shape_cast %parallel_loop3A_258 : vector<1x16xf32> to vector<16xf32>
          %parallel_loop3A_260 = vector.shape_cast %parallel_loop3A_253 : vector<16xf32> to vector<1x16xf32>
          tpu.vector_store %arg8[%parallel_loop3A_256, %parallel_loop3A_257], %parallel_loop3A_260 {strides = array<i32>} : memref<32x1280xf32, #tpu.memory_space<vmem>>, vector<1x16xf32>,
          %parallel_loop3A_261 = arith.index_cast %squeeze3A_171 : i32 to index
          %parallel_loop3A_262 = arith.index_cast %parallel_loop3A_194 : i32 to index
          %parallel_loop3A_263 = tpu.vector_load %arg6[%parallel_loop3A_261, %parallel_loop3A_262] {strides = array<i32>} : memref<24x1280xf32, #tpu.memory_space<vmem>>, vector<1x16xf32>,
          %parallel_loop3A_264 = vector.shape_cast %parallel_loop3A_263 : vector<1x16xf32> to vector<16xf32>
          %parallel_loop3A_265 = arith.constant 6 : i32
          %parallel_loop3A_266 = arith.addi %mul3A_159, %parallel_loop3A_265 : i32
          %parallel_loop3A_267 = arith.index_cast %parallel_loop3A_266 : i32 to index
          %parallel_loop3A_268 = arith.index_cast %parallel_loop3A_194 : i32 to index
          %parallel_loop3A_269 = tpu.vector_load %arg8[%parallel_loop3A_267, %parallel_loop3A_268] {strides = array<i32>} : memref<32x1280xf32, #tpu.memory_space<vmem>>, vector<1x16xf32>,
          %parallel_loop3A_270 = vector.shape_cast %parallel_loop3A_269 : vector<1x16xf32> to vector<16xf32>
          %parallel_loop3A_271 = vector.shape_cast %parallel_loop3A_264 : vector<16xf32> to vector<1x16xf32>
          tpu.vector_store %arg8[%parallel_loop3A_267, %parallel_loop3A_268], %parallel_loop3A_271 {strides = array<i32>} : memref<32x1280xf32, #tpu.memory_space<vmem>>, vector<1x16xf32>,
          %parallel_loop3A_272 = arith.index_cast %squeeze3A_173 : i32 to index
          %parallel_loop3A_273 = arith.index_cast %parallel_loop3A_194 : i32 to index
          %parallel_loop3A_274 = tpu.vector_load %arg6[%parallel_loop3A_272, %parallel_loop3A_273] {strides = array<i32>} : memref<24x1280xf32, #tpu.memory_space<vmem>>, vector<1x16xf32>,
          %parallel_loop3A_275 = vector.shape_cast %parallel_loop3A_274 : vector<1x16xf32> to vector<16xf32>
          %parallel_loop3A_276 = arith.constant 7 : i32
          %parallel_loop3A_277 = arith.addi %mul3A_159, %parallel_loop3A_276 : i32
          %parallel_loop3A_278 = arith.index_cast %parallel_loop3A_277 : i32 to index
          %parallel_loop3A_279 = arith.index_cast %parallel_loop3A_194 : i32 to index
          %parallel_loop3A_280 = tpu.vector_load %arg8[%parallel_loop3A_278, %parallel_loop3A_279] {strides = array<i32>} : memref<32x1280xf32, #tpu.memory_space<vmem>>, vector<1x16xf32>,
          %parallel_loop3A_281 = vector.shape_cast %parallel_loop3A_280 : vector<1x16xf32> to vector<16xf32>
          %parallel_loop3A_282 = vector.shape_cast %parallel_loop3A_275 : vector<16xf32> to vector<1x16xf32>
          tpu.vector_store %arg8[%parallel_loop3A_278, %parallel_loop3A_279], %parallel_loop3A_282 {strides = array<i32>} : memref<32x1280xf32, #tpu.memory_space<vmem>>, vector<1x16xf32>,
          %parallel_loop3A_283 = arith.index_cast %squeeze3A_175 : i32 to index
          %parallel_loop3A_284 = arith.index_cast %parallel_loop3A_194 : i32 to index
          %parallel_loop3A_285 = tpu.vector_load %arg6[%parallel_loop3A_283, %parallel_loop3A_284] {strides = array<i32>} : memref<24x1280xf32, #tpu.memory_space<vmem>>, vector<1x16xf32>,
          %parallel_loop3A_286 = vector.shape_cast %parallel_loop3A_285 : vector<1x16xf32> to vector<16xf32>
          %parallel_loop3A_287 = arith.constant 8 : i32
          %parallel_loop3A_288 = arith.addi %mul3A_159, %parallel_loop3A_287 : i32
          %parallel_loop3A_289 = arith.index_cast %parallel_loop3A_288 : i32 to index
          %parallel_loop3A_290 = arith.index_cast %parallel_loop3A_194 : i32 to index
          %parallel_loop3A_291 = tpu.vector_load %arg8[%parallel_loop3A_289, %parallel_loop3A_290] {strides = array<i32>} : memref<32x1280xf32, #tpu.memory_space<vmem>>, vector<1x16xf32>,
          %parallel_loop3A_292 = vector.shape_cast %parallel_loop3A_291 : vector<1x16xf32> to vector<16xf32>
          %parallel_loop3A_293 = vector.shape_cast %parallel_loop3A_286 : vector<16xf32> to vector<1x16xf32>
          tpu.vector_store %arg8[%parallel_loop3A_289, %parallel_loop3A_290], %parallel_loop3A_293 {strides = array<i32>} : memref<32x1280xf32, #tpu.memory_space<vmem>>, vector<1x16xf32>,
          %parallel_loop3A_294 = arith.index_cast %squeeze3A_177 : i32 to index
          %parallel_loop3A_295 = arith.index_cast %parallel_loop3A_194 : i32 to index
          %parallel_loop3A_296 = tpu.vector_load %arg6[%parallel_loop3A_294, %parallel_loop3A_295] {strides = array<i32>} : memref<24x1280xf32, #tpu.memory_space<vmem>>, vector<1x16xf32>,
          %parallel_loop3A_297 = vector.shape_cast %parallel_loop3A_296 : vector<1x16xf32> to vector<16xf32>
          %parallel_loop3A_298 = arith.constant 9 : i32
          %parallel_loop3A_299 = arith.addi %mul3A_159, %parallel_loop3A_298 : i32
          %parallel_loop3A_300 = arith.index_cast %parallel_loop3A_299 : i32 to index
          %parallel_loop3A_301 = arith.index_cast %parallel_loop3A_194 : i32 to index
          %parallel_loop3A_302 = tpu.vector_load %arg8[%parallel_loop3A_300, %parallel_loop3A_301] {strides = array<i32>} : memref<32x1280xf32, #tpu.memory_space<vmem>>, vector<1x16xf32>,
          %parallel_loop3A_303 = vector.shape_cast %parallel_loop3A_302 : vector<1x16xf32> to vector<16xf32>
          %parallel_loop3A_304 = vector.shape_cast %parallel_loop3A_297 : vector<16xf32> to vector<1x16xf32>
          tpu.vector_store %arg8[%parallel_loop3A_300, %parallel_loop3A_301], %parallel_loop3A_304 {strides = array<i32>} : memref<32x1280xf32, #tpu.memory_space<vmem>>, vector<1x16xf32>,
          %parallel_loop3A_305 = arith.index_cast %squeeze3A_179 : i32 to index
          %parallel_loop3A_306 = arith.index_cast %parallel_loop3A_194 : i32 to index
          %parallel_loop3A_307 = tpu.vector_load %arg6[%parallel_loop3A_305, %parallel_loop3A_306] {strides = array<i32>} : memref<24x1280xf32, #tpu.memory_space<vmem>>, vector<1x16xf32>,
          %parallel_loop3A_308 = vector.shape_cast %parallel_loop3A_307 : vector<1x16xf32> to vector<16xf32>
          %parallel_loop3A_309 = arith.constant 10 : i32
          %parallel_loop3A_310 = arith.addi %mul3A_159, %parallel_loop3A_309 : i32
          %parallel_loop3A_311 = arith.index_cast %parallel_loop3A_310 : i32 to index
          %parallel_loop3A_312 = arith.index_cast %parallel_loop3A_194 : i32 to index
          %parallel_loop3A_313 = tpu.vector_load %arg8[%parallel_loop3A_311, %parallel_loop3A_312] {strides = array<i32>} : memref<32x1280xf32, #tpu.memory_space<vmem>>, vector<1x16xf32>,
          %parallel_loop3A_314 = vector.shape_cast %parallel_loop3A_313 : vector<1x16xf32> to vector<16xf32>
          %parallel_loop3A_315 = vector.shape_cast %parallel_loop3A_308 : vector<16xf32> to vector<1x16xf32>
          tpu.vector_store %arg8[%parallel_loop3A_311, %parallel_loop3A_312], %parallel_loop3A_315 {strides = array<i32>} : memref<32x1280xf32, #tpu.memory_space<vmem>>, vector<1x16xf32>,
          %parallel_loop3A_316 = arith.index_cast %squeeze3A_181 : i32 to index
          %parallel_loop3A_317 = arith.index_cast %parallel_loop3A_194 : i32 to index
          %parallel_loop3A_318 = tpu.vector_load %arg6[%parallel_loop3A_316, %parallel_loop3A_317] {strides = array<i32>} : memref<24x1280xf32, #tpu.memory_space<vmem>>, vector<1x16xf32>,
          %parallel_loop3A_319 = vector.shape_cast %parallel_loop3A_318 : vector<1x16xf32> to vector<16xf32>
          %parallel_loop3A_320 = arith.constant 11 : i32
          %parallel_loop3A_321 = arith.addi %mul3A_159, %parallel_loop3A_320 : i32
          %parallel_loop3A_322 = arith.index_cast %parallel_loop3A_321 : i32 to index
          %parallel_loop3A_323 = arith.index_cast %parallel_loop3A_194 : i32 to index
          %parallel_loop3A_324 = tpu.vector_load %arg8[%parallel_loop3A_322, %parallel_loop3A_323] {strides = array<i32>} : memref<32x1280xf32, #tpu.memory_space<vmem>>, vector<1x16xf32>,
          %parallel_loop3A_325 = vector.shape_cast %parallel_loop3A_324 : vector<1x16xf32> to vector<16xf32>
          %parallel_loop3A_326 = vector.shape_cast %parallel_loop3A_319 : vector<16xf32> to vector<1x16xf32>
          tpu.vector_store %arg8[%parallel_loop3A_322, %parallel_loop3A_323], %parallel_loop3A_326 {strides = array<i32>} : memref<32x1280xf32, #tpu.memory_space<vmem>>, vector<1x16xf32>,
          %parallel_loop3A_327 = arith.index_cast %squeeze3A_183 : i32 to index
          %parallel_loop3A_328 = arith.index_cast %parallel_loop3A_194 : i32 to index
          %parallel_loop3A_329 = tpu.vector_load %arg6[%parallel_loop3A_327, %parallel_loop3A_328] {strides = array<i32>} : memref<24x1280xf32, #tpu.memory_space<vmem>>, vector<1x16xf32>,
          %parallel_loop3A_330 = vector.shape_cast %parallel_loop3A_329 : vector<1x16xf32> to vector<16xf32>
          %parallel_loop3A_331 = arith.constant 12 : i32
          %parallel_loop3A_332 = arith.addi %mul3A_159, %parallel_loop3A_331 : i32
          %parallel_loop3A_333 = arith.index_cast %parallel_loop3A_332 : i32 to index
          %parallel_loop3A_334 = arith.index_cast %parallel_loop3A_194 : i32 to index
          %parallel_loop3A_335 = tpu.vector_load %arg8[%parallel_loop3A_333, %parallel_loop3A_334] {strides = array<i32>} : memref<32x1280xf32, #tpu.memory_space<vmem>>, vector<1x16xf32>,
          %parallel_loop3A_336 = vector.shape_cast %parallel_loop3A_335 : vector<1x16xf32> to vector<16xf32>
          %parallel_loop3A_337 = vector.shape_cast %parallel_loop3A_330 : vector<16xf32> to vector<1x16xf32>
          tpu.vector_store %arg8[%parallel_loop3A_333, %parallel_loop3A_334], %parallel_loop3A_337 {strides = array<i32>} : memref<32x1280xf32, #tpu.memory_space<vmem>>, vector<1x16xf32>,
          %parallel_loop3A_338 = arith.index_cast %squeeze3A_185 : i32 to index
          %parallel_loop3A_339 = arith.index_cast %parallel_loop3A_194 : i32 to index
          %parallel_loop3A_340 = tpu.vector_load %arg6[%parallel_loop3A_338, %parallel_loop3A_339] {strides = array<i32>} : memref<24x1280xf32, #tpu.memory_space<vmem>>, vector<1x16xf32>,
          %parallel_loop3A_341 = vector.shape_cast %parallel_loop3A_340 : vector<1x16xf32> to vector<16xf32>
          %parallel_loop3A_342 = arith.constant 13 : i32
          %parallel_loop3A_343 = arith.addi %mul3A_159, %parallel_loop3A_342 : i32
          %parallel_loop3A_344 = arith.index_cast %parallel_loop3A_343 : i32 to index
          %parallel_loop3A_345 = arith.index_cast %parallel_loop3A_194 : i32 to index
          %parallel_loop3A_346 = tpu.vector_load %arg8[%parallel_loop3A_344, %parallel_loop3A_345] {strides = array<i32>} : memref<32x1280xf32, #tpu.memory_space<vmem>>, vector<1x16xf32>,
          %parallel_loop3A_347 = vector.shape_cast %parallel_loop3A_346 : vector<1x16xf32> to vector<16xf32>
          %parallel_loop3A_348 = vector.shape_cast %parallel_loop3A_341 : vector<16xf32> to vector<1x16xf32>
          tpu.vector_store %arg8[%parallel_loop3A_344, %parallel_loop3A_345], %parallel_loop3A_348 {strides = array<i32>} : memref<32x1280xf32, #tpu.memory_space<vmem>>, vector<1x16xf32>,
          %parallel_loop3A_349 = arith.index_cast %squeeze3A_187 : i32 to index
          %parallel_loop3A_350 = arith.index_cast %parallel_loop3A_194 : i32 to index
          %parallel_loop3A_351 = tpu.vector_load %arg6[%parallel_loop3A_349, %parallel_loop3A_350] {strides = array<i32>} : memref<24x1280xf32, #tpu.memory_space<vmem>>, vector<1x16xf32>,
          %parallel_loop3A_352 = vector.shape_cast %parallel_loop3A_351 : vector<1x16xf32> to vector<16xf32>
          %parallel_loop3A_353 = arith.constant 14 : i32
          %parallel_loop3A_354 = arith.addi %mul3A_159, %parallel_loop3A_353 : i32
          %parallel_loop3A_355 = arith.index_cast %parallel_loop3A_354 : i32 to index
          %parallel_loop3A_356 = arith.index_cast %parallel_loop3A_194 : i32 to index
          %parallel_loop3A_357 = tpu.vector_load %arg8[%parallel_loop3A_355, %parallel_loop3A_356] {strides = array<i32>} : memref<32x1280xf32, #tpu.memory_space<vmem>>, vector<1x16xf32>,
          %parallel_loop3A_358 = vector.shape_cast %parallel_loop3A_357 : vector<1x16xf32> to vector<16xf32>
          %parallel_loop3A_359 = vector.shape_cast %parallel_loop3A_352 : vector<16xf32> to vector<1x16xf32>
          tpu.vector_store %arg8[%parallel_loop3A_355, %parallel_loop3A_356], %parallel_loop3A_359 {strides = array<i32>} : memref<32x1280xf32, #tpu.memory_space<vmem>>, vector<1x16xf32>,
          %parallel_loop3A_360 = arith.index_cast %squeeze3A_189 : i32 to index
          %parallel_loop3A_361 = arith.index_cast %parallel_loop3A_194 : i32 to index
          %parallel_loop3A_362 = tpu.vector_load %arg6[%parallel_loop3A_360, %parallel_loop3A_361] {strides = array<i32>} : memref<24x1280xf32, #tpu.memory_space<vmem>>, vector<1x16xf32>,
          %parallel_loop3A_363 = vector.shape_cast %parallel_loop3A_362 : vector<1x16xf32> to vector<16xf32>
          %parallel_loop3A_364 = arith.constant 15 : i32
          %parallel_loop3A_365 = arith.addi %mul3A_159, %parallel_loop3A_364 : i32
          %parallel_loop3A_366 = arith.index_cast %parallel_loop3A_365 : i32 to index
          %parallel_loop3A_367 = arith.index_cast %parallel_loop3A_194 : i32 to index
          %parallel_loop3A_368 = tpu.vector_load %arg8[%parallel_loop3A_366, %parallel_loop3A_367] {strides = array<i32>} : memref<32x1280xf32, #tpu.memory_space<vmem>>, vector<1x16xf32>,
          %parallel_loop3A_369 = vector.shape_cast %parallel_loop3A_368 : vector<1x16xf32> to vector<16xf32>
          %parallel_loop3A_370 = vector.shape_cast %parallel_loop3A_363 : vector<16xf32> to vector<1x16xf32>
          tpu.vector_store %arg8[%parallel_loop3A_366, %parallel_loop3A_367], %parallel_loop3A_370 {strides = array<i32>} : memref<32x1280xf32, #tpu.memory_space<vmem>>, vector<1x16xf32>,
        } {sc.loop_unroll_factor = 8 : i64, sc.parallel_access}
      }
      %mul3A_140 = arith.constant 32 : i32
      %mul3A_141 = arith.muli %add3A_120, %mul3A_140 : i32
      %add3A_142 = arith.addi %mul3A_2, %mul3A_141 : i32
      %dma_start3A_143 = arith.constant 0 : i32
      %dma_start3A_144 = tpu.memref_slice %arg4[%add3A_142, %dma_start3A_143] : memref<32768x1280xf32, #tpu.memory_space<hbm>> -> memref<32x1280xf32, #tpu.memory_space<hbm>>
      %dma_start3A_145 = arith.constant 0 : i32
      %dma_start3A_146 = tpu.memref_slice %arg4[%add3A_142, %dma_start3A_145] : memref<32768x1280xf32, #tpu.memory_space<hbm>> -> memref<32x1280xf32, #tpu.memory_space<hbm>>
      tpu.enqueue_dma source(%arg8 : memref<32x1280xf32, #tpu.memory_space<vmem>>) target(%dma_start3A_146 : memref<32x1280xf32, #tpu.memory_space<hbm>>) target_semaphore(%arg10 : memref<!tpu.dma_semaphore, #tpu.memory_space<semaphore_mem>>)
    }
    %scan3A_77 = arith.constant 16 : i32
    %add3A_78 = arith.constant 960 : i32
    %add3A_79 = arith.addi %mul3A_2, %add3A_78 : i32
    %dma_wait3A_80 = arith.constant 0 : i32
    %dma_wait3A_81 = tpu.memref_slice %arg4[%add3A_79, %dma_wait3A_80] : memref<32768x1280xf32, #tpu.memory_space<hbm>> -> memref<32x1280xf32, #tpu.memory_space<hbm>>
    %dma_wait3A_82 = arith.constant 0 : i32
    %dma_wait3A_83 = tpu.memref_slice %arg4[%add3A_79, %dma_wait3A_82] : memref<32768x1280xf32, #tpu.memory_space<hbm>> -> memref<32x1280xf32, #tpu.memory_space<hbm>>
    tpu.wait_dma2 semaphore(%arg9 : memref<!tpu.dma_semaphore, #tpu.memory_space<semaphore_mem>>) src(%arg7 : memref<32x1280xf32, #tpu.memory_space<vmem>>) dst(%dma_wait3A_83 : memref<32x1280xf32, #tpu.memory_space<hbm>>)
    %add3A_84 = arith.constant 992 : i32
    %add3A_85 = arith.addi %mul3A_2, %add3A_84 : i32
    %dma_wait3A_86 = arith.constant 0 : i32
    %dma_wait3A_87 = tpu.memref_slice %arg4[%add3A_85, %dma_wait3A_86] : memref<32768x1280xf32, #tpu.memory_space<hbm>> -> memref<32x1280xf32, #tpu.memory_space<hbm>>
    %dma_wait3A_88 = arith.constant 0 : i32
    %dma_wait3A_89 = tpu.memref_slice %arg4[%add3A_85, %dma_wait3A_88] : memref<32768x1280xf32, #tpu.memory_space<hbm>> -> memref<32x1280xf32, #tpu.memory_space<hbm>>
    tpu.wait_dma2 semaphore(%arg10 : memref<!tpu.dma_semaphore, #tpu.memory_space<semaphore_mem>>) src(%arg8 : memref<32x1280xf32, #tpu.memory_space<vmem>>) dst(%dma_wait3A_89 : memref<32x1280xf32, #tpu.memory_space<hbm>>)
    return
  }
}

</mosaic_0001>

<sc_bundles>
// kernel: kernel.3.cloned.1.call-start
scs
__scs_entry_jumppad:
0x0: {  	(pc) =	sbr.rel $0x88, $3  }
0x1: {  	(tag) =	ssettag $0x0;
	lr =	simm.s32 $0x1  }
0x2: {  	[smem:$0x3F9F] =	sst lr;
	_ =	strace $0xD0000000  }
0x3: {  	_ = 	snop  }
0x4: {  	_ = 	snop  }
0x5: {  	_ = 	snop  }
0x6: {  	_ = 	snop  }
0x7: {  	_ = 	snop  }
__scs_overlays_trampoline_lowered:
0x8: {  	[smem:$0x3FAE] =	sst s0  }
0x9: {  	[smem:$0x3FAF] =	sst s1  }
0xa: {  	[smem:$0x3FB0] =	sst s2  }
0xb: {  	[smem:$0x3FB1] =	sst s3  }
0xc: {  	[smem:$0x3FB2] =	sst s4  }
0xd: {  	[smem:$0x3FB3] =	sst s5  }
0xe: {  	[smem:$0x3FB4] =	sst s6  }
0xf: {  	[smem:$0x3FB5] =	sst s7  }
0x10: {  	[smem:$0x3FB6] =	sst s8  }
0x11: {  	[smem:$0x3FB7] =	sst s9;
	s0 =	simm.s32 @!p0 $0x0  }
0x12: {  	s1 =	sld [smem:$0x3F9D];
	s0 =	simm.s32 @p0 $0x1  }
0x13: {  	[smem:$0x3FB8] =	sst s0;
	s0 =	simm.s32 @!p1 $0x0  }
0x14: {  	s2 =	sld [smem:$0x3F9C];
	s0 =	simm.s32 @p1 $0x1  }
0x15: {  	[smem:$0x3FB9] =	sst s0;
	s0 =	simm.s32 @!p2 $0x0  }
0x16: {  	s3 =	sld [smem:$0x3FDB];
	s0 =	simm.s32 @p2 $0x1  }
0x17: {  	s4 =	simm.s32 $0x1BF5;
	[smem:$0x3FBB] =	sst s0  }
0x18: {  	s0 =	sld [smem:$0x3F9E];
	_ =	swait.ge [sflag:s4], $0x0  }
0x19: {  	s7 =	sld [smem:$0x3F9F]  }
0x1a: {  	s8 =	sadd.s32 $0xFFFFE003, lr  }
0x1b: {  	s9 =	sadd.s32 $0xFFFFFEF7, lr;
	s5 =	simm.s32 $0xFFFFFFFF;
	p2 =	slt.u32 s8, $0xFFFFF086  }
0x1c: {  	p1 =	slt.u32 s9, $0xF7A;
	s5 =	simm.s32 @!p2 $0x0  }
0x1d: {  	s5 =	simm.s32 @p1 $0x1;
	p0 =	seq.s32 s7, s2  }
0x1e: {  	s7 =	smul.u32 @!p0 $0xF7A, s2;
	p2 =	seq.s32 @!p0 s5, $0x0  }
0x1f: {  	s9 =	smul.u32 $0xF7A, s1;
	s8 =	simm.s32 @!p0 $0x1BF5;
	p2 =	por !p2, p0  }
0x20: {  	[sflag:s8] =	ssyncset.s32 @!p0 $0xFFFFF086;
	s6 =	sadd.s32 @!p0 s3, s7;
	s7 =	simm.s32 @!p0 $0x108  }
0x21: {  	s3 =	sadd.s32 s3, s9;
	s6 =	sadd.s32 @!p0 $0x88, s6;
	s7 =	simm.s32 @p2 $0x1082  }
0x22: {  	[simem:s7], [sflag:s8] =	dma.local @!p0 [hbm:s6], $0xF7A  }
0x23: {  	s9 =	sor.u32 $0xD0000000, s2;
	s6 =	simm.s32 $0x108;
	_ =	swait.ge @!p0 [sflag:s8], $0x0  }
0x24: {  	s3 =	sadd.s32 $0x88, s3;
	s6 =	simm.s32 @!p1 $0x1082;
	[sflag:s4] =	ssyncset.s32 $0xFFFFF086  }
0x25: {  	[simem:s6], [sflag:s4] =	dma.local [hbm:s3], $0xF7A  }
0x26: {  	[smem:$0x3F9F] =	sst s1;
	(tag) =	ssettag s2;
	_ =	strace s9  }
0x27: {  	s1 =	sld [smem:$0x3FAF]  }
0x28: {  	s2 =	sld [smem:$0x3FB0]  }
0x29: {  	s4 =	sld [smem:$0x3FB2]  }
0x2a: {  	p0 =	seq.s32 s5, $0x0;
	s5 =	sld [smem:$0x3FB3]  }
0x2b: {  	s6 =	sld [smem:$0x3FB4]  }
0x2c: {  	s7 =	sld [smem:$0x3FB5]  }
0x2d: {  	s3 =	simm.s32 $0x108;
	s8 =	sld [smem:$0x3FB6]  }
0x2e: {  	s3 =	simm.s32 @!p0 $0x1082;
	s9 =	sld [smem:$0x3FB7]  }
0x2f: {  	lr =	sadd.s32 s0, s3;
	s0 =	sld [smem:$0x3FAE]  }
0x30: {  	s3 =	sld [smem:$0x3FB1]  }
0x31: {  	[smem:$0x3FBA] =	sst s10  }
0x32: {  	s10 =	sld [smem:$0x3FB8];
	_ =	sdelay $0x3  }
0x33: {  	p0 =	seq.s32 s10, $0x1;
	s10 =	sld [smem:$0x3FBA];
	_ =	sdelay $0x3  }
0x34: {  	[smem:$0x3FBA] =	sst s10  }
0x35: {  	s10 =	sld [smem:$0x3FB9];
	_ =	sdelay $0x3  }
0x36: {  	p1 =	seq.s32 s10, $0x1;
	s10 =	sld [smem:$0x3FBA];
	_ =	sdelay $0x3  }
0x37: {  	[smem:$0x3FBA] =	sst s10  }
0x38: {  	s10 =	sld [smem:$0x3FBB]  }
0x39: {  	_ = 	snop;
	(pc) =	sbr.ind lr, $3  }
0x3a: {  	_ = 	snop  }
0x3b: {  	_ = 	snop  }
0x3c: {  	p2 =	seq.s32 s10, $0x1;
	s10 =	sld [smem:$0x3FBA]  }
0x3d: {  	_ =	shalt  }
0x3e: {  	_ =	shalt  }
0x3f: {  	_ =	shalt  }
0x40: {  	_ =	shalt  }
0x41: {  	_ =	shalt  }
0x42: {  	_ =	shalt  }
0x43: {  	_ =	shalt  }
0x44: {  	_ =	shalt  }
0x45: {  	_ =	shalt  }
0x46: {  	_ =	shalt  }
0x47: {  	_ =	shalt  }
0x48: {  	_ =	shalt  }
0x49: {  	_ =	shalt  }
0x4a: {  	_ =	shalt  }
0x4b: {  	_ =	shalt  }
0x4c: {  	_ =	shalt  }
0x4d: {  	_ =	shalt  }
0x4e: {  	_ =	shalt  }
0x4f: {  	_ =	shalt  }
0x50: {  	_ =	shalt  }
0x51: {  	_ =	shalt  }
0x52: {  	_ =	shalt  }
0x53: {  	_ =	shalt  }
0x54: {  	_ =	shalt  }
0x55: {  	_ =	shalt  }
0x56: {  	_ =	shalt  }
0x57: {  	_ =	shalt  }
0x58: {  	_ =	shalt  }
0x59: {  	_ =	shalt  }
0x5a: {  	_ =	shalt  }
0x5b: {  	_ =	shalt  }
0x5c: {  	_ =	shalt  }
0x5d: {  	_ =	shalt  }
0x5e: {  	_ =	shalt  }
0x5f: {  	_ =	shalt  }
0x60: {  	_ =	shalt  }
0x61: {  	_ =	shalt  }
0x62: {  	_ =	shalt  }
0x63: {  	_ =	shalt  }
0x64: {  	_ =	shalt  }
0x65: {  	_ =	shalt  }
0x66: {  	_ =	shalt  }
0x67: {  	_ =	shalt  }
0x68: {  	_ =	shalt  }
0x69: {  	_ =	shalt  }
0x6a: {  	_ =	shalt  }
0x6b: {  	_ =	shalt  }
0x6c: {  	_ =	shalt  }
0x6d: {  	_ =	shalt  }
0x6e: {  	_ =	shalt  }
0x6f: {  	_ =	shalt  }
0x70: {  	_ =	shalt  }
0x71: {  	_ =	shalt  }
0x72: {  	_ =	shalt  }
0x73: {  	_ =	shalt  }
0x74: {  	_ =	shalt  }
0x75: {  	_ =	shalt  }
0x76: {  	_ =	shalt  }
0x77: {  	_ =	shalt  }
0x78: {  	_ =	shalt  }
0x79: {  	_ =	shalt  }
0x7a: {  	_ =	shalt  }
0x7b: {  	_ =	shalt  }
0x7c: {  	_ =	shalt  }
0x7d: {  	_ =	shalt  }
0x7e: {  	_ =	shalt  }
0x7f: {  	_ =	shalt  }
0x80: {  	_ =	shalt  }
0x81: {  	_ =	shalt  }
0x82: {  	_ =	shalt  }
0x83: {  	_ =	shalt  }
0x84: {  	_ =	shalt  }
0x85: {  	_ =	shalt  }
0x86: {  	_ =	shalt  }
0x87: {  	_ =	shalt  }
.Lfunc_end0:
.L_simem_size_0:
called_computation_lowered:
.L_overlay_start_0:
0x88: {  	s2 =	sld [smem:$0x3FD9]  }
0x89: {  	s3 =	sld [smem:$0x3FFE];
	_ =	sdelay $0x1  }
0x8a: {  	s1 =	srdreg.scid  }
0x8b: {  	s0 =	sand.u32 $0x1, s1  }
0x8c: {  	s17 =	sshll.u32 s0, $0xA;
	s2 =	sadd.s32 s3, s2  }
0x8d: {  	s2 =	sadd.s32 s2, s17  }
0x8e: {  	[smem:$0x3FC6] =	sst s2  }
0x8f: {  	_ = 	snop  }
0x90: {  	s2 =	sld [smem:$0x3FD0];
	(tm) =	ssettm $0x1  }
0x91: {  	s18 =	sld [smem:$0x3FFB];
	_ =	sdelay $0x3  }
0x92: {  	_ =	strace s18  }
0x93: {  	s3 =	sld [smem:$0x3FFC];
	_ =	sdelay $0x3  }
0x94: {  	_ =	strace s3  }
0x95: {  	s3 =	sld [smem:$0x3FFD];
	_ =	sdelay $0x3  }
0x96: {  	_ =	strace s3  }
0x97: {  	_ =	strace $0x8FFFFFFF  }
0x98: {  	s19 =	sld [smem:$0x3FDB];
	_ =	sdelay $0x1  }
0x99: {  	s4 =	simm.s32 $_scs_section_size  }
0x9a: {  	s5 =	simm.s32 $_size__tile_overlayer_lowered;
	s6 =	simm.s32 $_tile_overlayer_lowered  }
0x9b: {  	s22 =	simm.s32 $0x1BFF;
	s21 =	sshll.u32 s6, $0x1;
	s3 =	sadd.s32 s4, s19  }
0x9c: {  	s7 =	simm.s32 $0x0;
	s20 =	sshll.u32 s5, $0x1;
	s5 =	sadd.s32 s21, s3  }
0x9d: {  	[timem:s7], [sflag:s22] =	dma.local [hbm:s5], s20  }
0x9e: {  	_ =	swait.ge [sflag:s22], s20  }
0x9f: {  	s4 =	ssub.s32 $0x0, s20;
	[sflag:s22] =	ssyncset.done $0x0  }
0xa0: {  	[sflag:s22] =	ssyncadd.s32 s4;
	_ =	sdelay $0x1  }
0xa1: {  	s23 =	simm.s32 $0x1B8B  }
0xa2: {  	_ =	swait.ge [sflag:s23], $0x1  }
0xa3: {  	[sflag:s23] =	ssyncset.done $0x0  }
0xa4: {  	s25 =	simm.s32 $0x1B8E;
	s24 =	sld [smem:$0x3FFE];
	[sflag:s23] =	ssyncadd.s32 $0xFFFFFFFF  }
0xa5: {  	s26 =	simm.s32 $execute0_lowered;
	[smem:$0x3FD2] =	sst s25  }
0xa6: {  	s5 =	sshll.u32 s26, $0x1;
	_ =	strace $0x80000046;
	[dreg:$0x1] =	wrdreg $0xFFFFFFFF  }
0xa7: {  	s28 =	simm.s32 $_size_execute0_lowered;
	s3 =	sadd.s32 s3, s5;
	[dreg:$0x0] =	wrdreg $0x0  }
0xa8: {  	s5 =	sshll.u32 s28, $0x1;
	[dreg:$0x2] =	wrdreg s3  }
0xa9: {  	[dreg:$0x3] =	wrdreg s5  }
0xaa: {  	[dreg:$0x4] =	wrdreg $0xC0  }
0xab: {  	_ =	task [dreg:s7], $0x5FFFF  }
0xac: {  	[dreg:$0x1] =	wrdreg $0xFFFFFFFF  }
0xad: {  	[dreg:$0x0] =	wrdreg $0x60  }
0xae: {  	[dreg:$0x2] =	wrdreg s24  }
0xaf: {  	[dreg:$0x3] =	wrdreg s2  }
0xb0: {  	[dreg:$0x4] =	wrdreg $0x9  }
0xb1: {  	_ =	task.clear_ibuf [dreg:s7], $0x5FFFF;
	_ =	strace $0x90000046  }
0xb2: {  	s29 =	simm.s32 $0x9;
	_ =	strace $0x80000048  }
0xb3: {  	_ =	swait.ge [sflag:s29], $0x1  }
0xb4: {  	[sflag:s29] =	ssyncadd.s32 $0xFFFFFFFF  }
0xb5: {  	_ =	strace $0x90000048  }
0xb6: {  	_ =	sfence  }
0xb7: {  	s30 =	sld [smem:$0x0];
	_ =	sdelay $0x2  }
0xb8: {  	s31 =	sshll.u32 s1, $0xD;
	s1 =	sshrl.u32 s1, $0x2  }
0xb9: {  	s3 =	sand.u32 $0x4000, s31;
	s1 =	sadd.s32 s1, s30  }
0xba: {  	s0 =	sor.u32 s3, s0;
	s1 =	sshll.u32 s1, $0x11  }
0xbb: {  	s0 =	sor.u32 s1, s0  }
0xbc: {  	s0 =	sadd.s32 $0x8F2B, s0  }
0xbd: {  	[sflag:s0] =	ssyncadd.remote.s32 $0x1  }
0xbe: {  	_ =	sfence.sel $0xFFFF  }
0xbf: {  	[dreg:$0x0] =	wrdreg $0xFFFFFFFF;
	(pc) =	sbr.abs _section_cstart, $3  }
0xc0: {  	[dreg:$0x1] =	wrdreg $0xFFFFFFFF  }
0xc1: {  	_ =	task.clear_ibuf [dreg:s7], $0x2FFFF;
	_ =	strace $0x9FFFFFFF  }
0xc2: {  	(tm) =	ssettm $0x7FFFFFFF  }
0xc3: {  	_ =	shalt  }
tec
execute0_lowered:
.L_overlay_start_1:
0x0: {  	(tag) =	ssettag $0x1  }
0x1: {  	s1 =	srdreg.scid;
	s7 =	rddreg [dreg:$0x0]  }
0x2: {  	s0 =	stileid.u32;
	s2 =	rddreg [dreg:$0x1]  }
0x3: {  	s3 =	simm.s32 $0x0;
	s11 =	simm.s32 $0x11C00;
	s12 =	simm.s32 $0x2  }
0x4: {  	s13 =	simm.s32 $0x5400;
	s14 =	simm.s32 $0x400;
	s15 =	simm.s32 $0x0  }
0x5: {  	s8 =	sand.u32 $0x1, s1;
	s4 =	sshll.u32 s0, $0xB;
	s1 =	rddreg [dreg:$0x2]  }
0x6: {  	[smem:$0x7FF] =	sst s3;
	s5 =	sshll.u32 s8, $0xA;
	s6 =	ssub.s32 $0x2, s8  }
0x7: {  	_ =	strace $0x80000047;
	p0 =	seq.s32 s8, $0x1;
	s4 =	sor.u32 s5, s4  }
0x8: {  	s10 =	sshrl.u32 s6, $0x1;
	p1 =	seq.s32 @!p0 s8, $0x0;
	s5 =	sshrl.u32 s4, $0x3  }
0x9: {  	s10 =	ssub.s32 s6, s10;
	p1 =	por p0, !p1;
	s9 =	sadd.s32 s5, s7  }
0xa: {  	s5 =	sadd.s32 $0x1400, s7;
	s7 =	sadd.s32 $0x1E00, s7;
	s8 =	smax.u32 s10, $0x1  }
0xb: {  	s10 =	simm.s32 $0x7C00;
	s6 =	sadd.s32 $0x400, s9;
	s9 =	simm.s32 $0x1  }
.LBB2_1:
0xc: {  	[tilespmem:s3], [sflag:$0x1] =	stream.linear.gather [hbm4b:s6+s3], $0x400, $0x38;
	[tilespmem:$0x1BC00] =	vst v63  }
0xd: {  	s16 =	simm.s32 @!p0 $0x0;
	s17 =	simm.s32 @!p0 $0x400  }
0xe: {  	[tilespmem:s17], [sflag:$0x2] =	stream.linear.gather @!p0 [hbm4b:s5+s16], $0x5000, $0x38;
	[tilespmem:$0x1BC00] =	vst v63  }
0xf: {  	s17 =	simm.s32 @!p0 $0x5400  }
0x10: {  	[tilespmem:s17], [sflag:$0x2] =	stream.linear.gather @!p0 [hbm4b:s7+s16], $0x2800, $0x38;
	[tilespmem:$0x1BC00] =	vst v63  }
0x11: {  	_ = 	snop  }
0x12: {  	[tilespmem:s13], [sflag:$0x2] =	stream.linear.gather @p1 [hbm4b:s7+s3], $0x2800, $0x38;
	[tilespmem:$0x1BC00] =	vst v63  }
0x13: {  	_ = 	snop  }
0x14: {  	[tilespmem:s14], [sflag:$0x2] =	stream.linear.gather @p1 [hbm4b:s5+s3], $0x5000, $0x38;
	[tilespmem:$0x1BC00] =	vst v63  }
0x15: {  	_ =	swait.ge [sflag:s9], $0x400  }
0x16: {  	[sflag:s9] =	ssyncset.done $0x0  }
0x17: {  	s16 =	simm.s32 $0x2;
	[sflag:s9] =	ssyncadd.s32 $0xFFFFFC00  }
0x18: {  	_ =	swait.ge [sflag:s16], $0x5000  }
0x19: {  	[sflag:s16] =	ssyncset.done $0x0  }
0x1a: {  	[sflag:s16] =	ssyncadd.s32 $0xFFFFB000  }
0x1b: {  	_ =	swait.ge [sflag:s16], $0x2800  }
0x1c: {  	[sflag:s16] =	ssyncset.done $0x0  }
0x1d: {  	s18 =	simm.s32 $0x4;
	s17 =	simm.s32 $0x0;
	[sflag:s16] =	ssyncadd.s32 $0xFFFFD800  }
.LBB2_2:
0x1e: {  	p2 =	seq.s32 s17, $0x0  }
0x1f: {  	s20 =	simm.s32 @!p2 $0x1  }
0x20: {  	_ =	swait.ge @!p2 [sflag:s20], $0xA000  }
0x21: {  	[sflag:s20] =	ssyncset.done @!p2 $0x0  }
0x22: {  	s19 =	sshll.u32 s17, $0x1;
	[sflag:s20] =	ssyncadd.s32 @!p2 $0xFFFF6000;
	s20 =	sshll.u32 s17, $0x2  }
.LBB2_3:
0x23: {  	s21 =	sshll.u32 s20, $0x4  }
0x24: {  	v14 =	vld [tilespmem:s21+$0x0];
	_ =	sdelay $0x4  }
0x25: {  	(v2sf) =	vpush v14, $0x0;
	_ =	sdelay $0x7  }
0x26: {  	(v2sf) =	vpush v14, $0x1;
	_ =	sdelay $0x6  }
0x27: {  	s23 =	spop (v2sf)  }
0x28: {  	(v2sf) =	vpush v14, $0x2;
	s22 =	sshrl.u32 s23, $0x3  }
0x29: {  	s22 =	smul.u32 $0xA000, s22  }
0x2a: {  	s21 =	sshll.u32 s23, $0x7  }
0x2b: {  	s21 =	sand.u32 $0x380, s21;
	s22 =	sshra.s32 s22, $0x2  }
0x2c: {  	s21 =	sor.u32 s21, s22  }
0x2d: {  	s24 =	sshll.u32 s20, $0x1;
	s21 =	sor.u32 $0x400, s21  }
0x2e: {  	s22 =	sand.u32 $0x2, s24;
	v0 =	vmov s21  }
0x2f: {  	s23 =	spop (v2sf);
	s25 =	smul.u32 $0xA000, s22  }
0x30: {  	(v2sf) =	vpush v14, $0x3;
	s26 =	sshrl.u32 s23, $0x3  }
0x31: {  	s24 =	smul.u32 $0xA000, s26;
	s22 =	sshrl.u32 s25, $0x2  }
0x32: {  	s28 =	sshll.u32 s23, $0x7;
	s21 =	simm.s32 $0x0;
	s25 =	sadd.s32 $0x7C00, s22  }
0x33: {  	s23 =	sand.u32 $0x380, s28;
	s24 =	sshra.s32 s24, $0x2;
	v1 =	vmov s25;
	v3 =	vld.idx.msk [tilespmem:v0+s21+$0x70 ss:$0x1], $0xffff  }
0x34: {  	s23 =	sor.u32 s23, s24;
	v4 =	vld.idx.msk [tilespmem:v0+s21+$0x0 ss:$0x1], $0xffff  }
0x35: {  	s23 =	sor.u32 $0x400, s23;
	v5 =	vld.idx.msk [tilespmem:v0+s21+$0x10 ss:$0x1], $0xffff  }
0x36: {  	v2 =	vmov s23;
	v6 =	vld.idx.msk [tilespmem:v0+s21+$0x20 ss:$0x1], $0xffff  }
0x37: {  	s29 =	spop (v2sf);
	v7 =	vld.idx.msk [tilespmem:v0+s21+$0x30 ss:$0x1], $0xffff  }
0x38: {  	(v2sf) =	vpush v14, $0x4;
	s30 =	sshrl.u32 s29, $0x3;
	v8 =	vld.idx.msk [tilespmem:v0+s21+$0x40 ss:$0x1], $0xffff;
	[tilespmem:v1+s21+$0x70 ss:$0x1] =	vst.idx.msk $0xffff, v3  }
0x39: {  	s23 =	smul.u32 $0xA000, s30;
	v9 =	vld.idx.msk [tilespmem:v0+s21+$0x50 ss:$0x1], $0xffff;
	[tilespmem:v1+s21+$0x0 ss:$0x1] =	vst.idx.msk $0xffff, v4  }
0x3a: {  	s24 =	sshll.u32 s29, $0x7;
	[tilespmem:v1+s21+$0x10 ss:$0x1] =	vst.idx.msk $0xffff, v5;
	v5 =	vld.idx.msk [tilespmem:v0+s21+$0x60 ss:$0x1], $0xffff  }
0x3b: {  	s24 =	sand.u32 $0x380, s24;
	s23 =	sshra.s32 s23, $0x2;
	[tilespmem:v1+s21+$0x20 ss:$0x1] =	vst.idx.msk $0xffff, v6;
	v4 =	vld.idx.msk [tilespmem:v2+s21+$0x70 ss:$0x1], $0xffff  }
0x3c: {  	s23 =	sor.u32 s24, s23;
	[tilespmem:v1+s21+$0x30 ss:$0x1] =	vst.idx.msk $0xffff, v7;
	v10 =	vld.idx.msk [tilespmem:v2+s21+$0x0 ss:$0x1], $0xffff  }
0x3d: {  	s23 =	sor.u32 $0x400, s23;
	[tilespmem:v1+s21+$0x40 ss:$0x1] =	vst.idx.msk $0xffff, v8;
	v6 =	vld.idx.msk [tilespmem:v2+s21+$0x10 ss:$0x1], $0xffff  }
0x3e: {  	v3 =	vmov s23;
	[tilespmem:v1+s21+$0x50 ss:$0x1] =	vst.idx.msk $0xffff, v9;
	v7 =	vld.idx.msk [tilespmem:v2+s21+$0x20 ss:$0x1], $0xffff  }
0x3f: {  	s31 =	spop (v2sf);
	v8 =	vld.idx.msk [tilespmem:v2+s21+$0x30 ss:$0x1], $0xffff;
	[tilespmem:v1+s21+$0x60 ss:$0x1] =	vst.idx.msk $0xffff, v5  }
0x40: {  	(v2sf) =	vpush v14, $0x5;
	s25 =	sshrl.u32 s31, $0x3;
	v9 =	vld.idx.msk [tilespmem:v2+s21+$0x40 ss:$0x1], $0xffff;
	[tilespmem:v1+s21+$0xF0 ss:$0x1] =	vst.idx.msk $0xffff, v4  }
0x41: {  	s23 =	smul.u32 $0xA000, s25;
	[tilespmem:v1+s21+$0x80 ss:$0x1] =	vst.idx.msk $0xffff, v10;
	v10 =	vld.idx.msk [tilespmem:v2+s21+$0x50 ss:$0x1], $0xffff  }
0x42: {  	s24 =	sshll.u32 s31, $0x7;
	[tilespmem:v1+s21+$0x90 ss:$0x1] =	vst.idx.msk $0xffff, v6;
	v6 =	vld.idx.msk [tilespmem:v2+s21+$0x60 ss:$0x1], $0xffff  }
0x43: {  	s24 =	sand.u32 $0x380, s24;
	s23 =	sshra.s32 s23, $0x2;
	[tilespmem:v1+s21+$0xA0 ss:$0x1] =	vst.idx.msk $0xffff, v7;
	v5 =	vld.idx.msk [tilespmem:v3+s21+$0x70 ss:$0x1], $0xffff  }
0x44: {  	s23 =	sor.u32 s24, s23;
	[tilespmem:v1+s21+$0xB0 ss:$0x1] =	vst.idx.msk $0xffff, v8;
	v11 =	vld.idx.msk [tilespmem:v3+s21+$0x0 ss:$0x1], $0xffff  }
0x45: {  	s23 =	sor.u32 $0x400, s23;
	[tilespmem:v1+s21+$0xC0 ss:$0x1] =	vst.idx.msk $0xffff, v9;
	v7 =	vld.idx.msk [tilespmem:v3+s21+$0x10 ss:$0x1], $0xffff  }
0x46: {  	v4 =	vmov s23;
	v8 =	vld.idx.msk [tilespmem:v3+s21+$0x20 ss:$0x1], $0xffff;
	[tilespmem:v1+s21+$0xD0 ss:$0x1] =	vst.idx.msk $0xffff, v10  }
0x47: {  	s26 =	spop (v2sf);
	v9 =	vld.idx.msk [tilespmem:v3+s21+$0x30 ss:$0x1], $0xffff;
	[tilespmem:v1+s21+$0xE0 ss:$0x1] =	vst.idx.msk $0xffff, v6  }
0x48: {  	(v2sf) =	vpush v14, $0x6;
	s28 =	sshrl.u32 s26, $0x3;
	v12 =	vld.idx.msk [tilespmem:v3+s21+$0x40 ss:$0x1], $0xffff;
	[tilespmem:v1+s21+$0x170 ss:$0x1] =	vst.idx.msk $0xffff, v5  }
0x49: {  	s23 =	smul.u32 $0xA000, s28;
	[tilespmem:v1+s21+$0x100 ss:$0x1] =	vst.idx.msk $0xffff, v11;
	v6 =	vld.idx.msk [tilespmem:v3+s21+$0x50 ss:$0x1], $0xffff  }
0x4a: {  	s24 =	sshll.u32 s26, $0x7;
	[tilespmem:v1+s21+$0x110 ss:$0x1] =	vst.idx.msk $0xffff, v7;
	v7 =	vld.idx.msk [tilespmem:v3+s21+$0x60 ss:$0x1], $0xffff  }
0x4b: {  	s24 =	sand.u32 $0x380, s24;
	s23 =	sshra.s32 s23, $0x2;
	[tilespmem:v1+s21+$0x120 ss:$0x1] =	vst.idx.msk $0xffff, v8;
	v10 =	vld.idx.msk [tilespmem:v4+s21+$0x70 ss:$0x1], $0xffff  }
0x4c: {  	s23 =	sor.u32 s24, s23;
	[tilespmem:v1+s21+$0x130 ss:$0x1] =	vst.idx.msk $0xffff, v9;
	v11 =	vld.idx.msk [tilespmem:v4+s21+$0x0 ss:$0x1], $0xffff  }
0x4d: {  	s23 =	sor.u32 $0x400, s23;
	[tilespmem:v1+s21+$0x140 ss:$0x1] =	vst.idx.msk $0xffff, v12;
	v8 =	vld.idx.msk [tilespmem:v4+s21+$0x10 ss:$0x1], $0xffff  }
0x4e: {  	v5 =	vmov s23;
	v9 =	vld.idx.msk [tilespmem:v4+s21+$0x20 ss:$0x1], $0xffff;
	[tilespmem:v1+s21+$0x150 ss:$0x1] =	vst.idx.msk $0xffff, v6  }
0x4f: {  	s29 =	spop (v2sf);
	v12 =	vld.idx.msk [tilespmem:v4+s21+$0x30 ss:$0x1], $0xffff;
	[tilespmem:v1+s21+$0x160 ss:$0x1] =	vst.idx.msk $0xffff, v7  }
0x50: {  	(v2sf) =	vpush v14, $0x7;
	s30 =	sshrl.u32 s29, $0x3;
	v13 =	vld.idx.msk [tilespmem:v4+s21+$0x40 ss:$0x1], $0xffff;
	[tilespmem:v1+s21+$0x1F0 ss:$0x1] =	vst.idx.msk $0xffff, v10  }
0x51: {  	s23 =	smul.u32 $0xA000, s30;
	[tilespmem:v1+s21+$0x180 ss:$0x1] =	vst.idx.msk $0xffff, v11;
	v11 =	vld.idx.msk [tilespmem:v4+s21+$0x50 ss:$0x1], $0xffff  }
0x52: {  	s24 =	sshll.u32 s29, $0x7;
	[tilespmem:v1+s21+$0x190 ss:$0x1] =	vst.idx.msk $0xffff, v8;
	v8 =	vld.idx.msk [tilespmem:v4+s21+$0x60 ss:$0x1], $0xffff  }
0x53: {  	s24 =	sand.u32 $0x380, s24;
	s23 =	sshra.s32 s23, $0x2;
	[tilespmem:v1+s21+$0x1A0 ss:$0x1] =	vst.idx.msk $0xffff, v9;
	v10 =	vld.idx.msk [tilespmem:v5+s21+$0x70 ss:$0x1], $0xffff  }
0x54: {  	s23 =	sor.u32 s24, s23;
	[tilespmem:v1+s21+$0x1B0 ss:$0x1] =	vst.idx.msk $0xffff, v12;
	v15 =	vld.idx.msk [tilespmem:v5+s21+$0x0 ss:$0x1], $0xffff  }
0x55: {  	s23 =	sor.u32 $0x400, s23;
	[tilespmem:v1+s21+$0x1C0 ss:$0x1] =	vst.idx.msk $0xffff, v13;
	v9 =	vld.idx.msk [tilespmem:v5+s21+$0x10 ss:$0x1], $0xffff  }
0x56: {  	v6 =	vmov s23;
	v12 =	vld.idx.msk [tilespmem:v5+s21+$0x20 ss:$0x1], $0xffff;
	[tilespmem:v1+s21+$0x1D0 ss:$0x1] =	vst.idx.msk $0xffff, v11  }
0x57: {  	s31 =	spop (v2sf);
	v13 =	vld.idx.msk [tilespmem:v5+s21+$0x30 ss:$0x1], $0xffff;
	[tilespmem:v1+s21+$0x1E0 ss:$0x1] =	vst.idx.msk $0xffff, v8  }
0x58: {  	(v2sf) =	vpush v14, $0x8;
	s25 =	sshrl.u32 s31, $0x3;
	v11 =	vld.idx.msk [tilespmem:v5+s21+$0x40 ss:$0x1], $0xffff;
	[tilespmem:v1+s21+$0x270 ss:$0x1] =	vst.idx.msk $0xffff, v10  }
0x59: {  	s23 =	smul.u32 $0xA000, s25;
	[tilespmem:v1+s21+$0x200 ss:$0x1] =	vst.idx.msk $0xffff, v15;
	v15 =	vld.idx.msk [tilespmem:v5+s21+$0x50 ss:$0x1], $0xffff  }
0x5a: {  	s24 =	sshll.u32 s31, $0x7;
	[tilespmem:v1+s21+$0x210 ss:$0x1] =	vst.idx.msk $0xffff, v9;
	v9 =	vld.idx.msk [tilespmem:v5+s21+$0x60 ss:$0x1], $0xffff  }
0x5b: {  	s24 =	sand.u32 $0x380, s24;
	s23 =	sshra.s32 s23, $0x2;
	[tilespmem:v1+s21+$0x220 ss:$0x1] =	vst.idx.msk $0xffff, v12;
	v10 =	vld.idx.msk [tilespmem:v6+s21+$0x70 ss:$0x1], $0xffff  }
0x5c: {  	s23 =	sor.u32 s24, s23;
	[tilespmem:v1+s21+$0x230 ss:$0x1] =	vst.idx.msk $0xffff, v13;
	v16 =	vld.idx.msk [tilespmem:v6+s21+$0x0 ss:$0x1], $0xffff  }
0x5d: {  	s23 =	sor.u32 $0x400, s23;
	v12 =	vld.idx.msk [tilespmem:v6+s21+$0x10 ss:$0x1], $0xffff;
	[tilespmem:v1+s21+$0x240 ss:$0x1] =	vst.idx.msk $0xffff, v11  }
0x5e: {  	v7 =	vmov s23;
	v13 =	vld.idx.msk [tilespmem:v6+s21+$0x20 ss:$0x1], $0xffff;
	[tilespmem:v1+s21+$0x250 ss:$0x1] =	vst.idx.msk $0xffff, v15  }
0x5f: {  	(v2sf) =	vpush v14, $0x9;
	s26 =	spop (v2sf);
	v11 =	vld.idx.msk [tilespmem:v6+s21+$0x30 ss:$0x1], $0xffff;
	[tilespmem:v1+s21+$0x260 ss:$0x1] =	vst.idx.msk $0xffff, v9  }
0x60: {  	s28 =	sshrl.u32 s26, $0x3;
	v15 =	vld.idx.msk [tilespmem:v6+s21+$0x40 ss:$0x1], $0xffff;
	[tilespmem:v1+s21+$0x2F0 ss:$0x1] =	vst.idx.msk $0xffff, v10  }
0x61: {  	s23 =	smul.u32 $0xA000, s28;
	[tilespmem:v1+s21+$0x280 ss:$0x1] =	vst.idx.msk $0xffff, v16;
	v16 =	vld.idx.msk [tilespmem:v6+s21+$0x50 ss:$0x1], $0xffff  }
0x62: {  	s24 =	sshll.u32 s26, $0x7;
	v17 =	vld.idx.msk [tilespmem:v6+s21+$0x60 ss:$0x1], $0xffff;
	[tilespmem:v1+s21+$0x290 ss:$0x1] =	vst.idx.msk $0xffff, v12  }
0x63: {  	s24 =	sand.u32 $0x380, s24;
	s23 =	sshra.s32 s23, $0x2;
	[tilespmem:v1+s21+$0x2A0 ss:$0x1] =	vst.idx.msk $0xffff, v13;
	v10 =	vld.idx.msk [tilespmem:v7+s21+$0x70 ss:$0x1], $0xffff  }
0x64: {  	s23 =	sor.u32 s24, s23;
	v12 =	vld.idx.msk [tilespmem:v7+s21+$0x0 ss:$0x1], $0xffff;
	[tilespmem:v1+s21+$0x2B0 ss:$0x1] =	vst.idx.msk $0xffff, v11  }
0x65: {  	s23 =	sor.u32 $0x400, s23;
	v13 =	vld.idx.msk [tilespmem:v7+s21+$0x10 ss:$0x1], $0xffff;
	[tilespmem:v1+s21+$0x2C0 ss:$0x1] =	vst.idx.msk $0xffff, v15  }
0x66: {  	v8 =	vmov s23;
	v18 =	vld.idx.msk [tilespmem:v7+s21+$0x20 ss:$0x1], $0xffff;
	[tilespmem:v1+s21+$0x2D0 ss:$0x1] =	vst.idx.msk $0xffff, v16  }
0x67: {  	(v2sf) =	vpush v14, $0xA;
	s29 =	spop (v2sf);
	v15 =	vld.idx.msk [tilespmem:v7+s21+$0x30 ss:$0x1], $0xffff;
	[tilespmem:v1+s21+$0x2E0 ss:$0x1] =	vst.idx.msk $0xffff, v17  }
0x68: {  	s30 =	sshrl.u32 s29, $0x3;
	v16 =	vld.idx.msk [tilespmem:v7+s21+$0x40 ss:$0x1], $0xffff;
	[tilespmem:v1+s21+$0x370 ss:$0x1] =	vst.idx.msk $0xffff, v10  }
0x69: {  	s23 =	smul.u32 $0xA000, s30;
	v17 =	vld.idx.msk [tilespmem:v7+s21+$0x50 ss:$0x1], $0xffff;
	[tilespmem:v1+s21+$0x300 ss:$0x1] =	vst.idx.msk $0xffff, v12  }
0x6a: {  	s24 =	sshll.u32 s29, $0x7;
	[tilespmem:v1+s21+$0x310 ss:$0x1] =	vst.idx.msk $0xffff, v13;
	v13 =	vld.idx.msk [tilespmem:v7+s21+$0x60 ss:$0x1], $0xffff  }
0x6b: {  	s24 =	sand.u32 $0x380, s24;
	s23 =	sshra.s32 s23, $0x2;
	[tilespmem:v1+s21+$0x320 ss:$0x1] =	vst.idx.msk $0xffff, v18;
	v10 =	vld.idx.msk [tilespmem:v8+s21+$0x70 ss:$0x1], $0xffff  }
0x6c: {  	s23 =	sor.u32 s24, s23;
	v19 =	vld.idx.msk [tilespmem:v8+s21+$0x0 ss:$0x1], $0xffff;
	[tilespmem:v1+s21+$0x330 ss:$0x1] =	vst.idx.msk $0xffff, v15  }
0x6d: {  	(v2sf) =	vpush v14, $0xB;
	s23 =	sor.u32 $0x400, s23;
	v18 =	vld.idx.msk [tilespmem:v8+s21+$0x10 ss:$0x1], $0xffff;
	[tilespmem:v1+s21+$0x340 ss:$0x1] =	vst.idx.msk $0xffff, v16  }
0x6e: {  	s31 =	spop (v2sf);
	v9 =	vmov s23;
	v15 =	vld.idx.msk [tilespmem:v8+s21+$0x20 ss:$0x1], $0xffff;
	[tilespmem:v1+s21+$0x350 ss:$0x1] =	vst.idx.msk $0xffff, v17  }
0x6f: {  	s25 =	sshrl.u32 s31, $0x3;
	v16 =	vld.idx.msk [tilespmem:v8+s21+$0x30 ss:$0x1], $0xffff;
	[tilespmem:v1+s21+$0x360 ss:$0x1] =	vst.idx.msk $0xffff, v13  }
0x70: {  	s23 =	smul.u32 $0xA000, s25;
	v17 =	vld.idx.msk [tilespmem:v8+s21+$0x40 ss:$0x1], $0xffff;
	[tilespmem:v1+s21+$0x3F0 ss:$0x1] =	vst.idx.msk $0xffff, v10  }
0x71: {  	s24 =	sshll.u32 s31, $0x7;
	[tilespmem:v1+s21+$0x380 ss:$0x1] =	vst.idx.msk $0xffff, v19;
	v19 =	vld.idx.msk [tilespmem:v8+s21+$0x50 ss:$0x1], $0xffff  }
0x72: {  	s24 =	sand.u32 $0x380, s24;
	s23 =	sshra.s32 s23, $0x2;
	[tilespmem:v1+s21+$0x390 ss:$0x1] =	vst.idx.msk $0xffff, v18;
	v18 =	vld.idx.msk [tilespmem:v8+s21+$0x60 ss:$0x1], $0xffff  }
0x73: {  	s22 =	sadd.s32 $0xA400, s22;
	(v2sf) =	vpush v14, $0xC;
	s23 =	sor.u32 s24, s23;
	v12 =	vld.idx.msk [tilespmem:v9+s21+$0x70 ss:$0x1], $0xffff  }
0x74: {  	s23 =	sor.u32 $0x400, s23;
	v10 =	vmov s22;
	v20 =	vld.idx.msk [tilespmem:v9+s21+$0x0 ss:$0x1], $0xffff;
	[tilespmem:v1+s21+$0x3A0 ss:$0x1] =	vst.idx.msk $0xffff, v15  }
0x75: {  	v11 =	vmov s23;
	v15 =	vld.idx.msk [tilespmem:v9+s21+$0x10 ss:$0x1], $0xffff;
	[tilespmem:v1+s21+$0x3B0 ss:$0x1] =	vst.idx.msk $0xffff, v16  }
0x76: {  	s26 =	spop (v2sf);
	v16 =	vld.idx.msk [tilespmem:v9+s21+$0x20 ss:$0x1], $0xffff;
	[tilespmem:v1+s21+$0x3C0 ss:$0x1] =	vst.idx.msk $0xffff, v17  }
0x77: {  	s28 =	sshrl.u32 s26, $0x3;
	v17 =	vld.idx.msk [tilespmem:v9+s21+$0x30 ss:$0x1], $0xffff;
	[tilespmem:v1+s21+$0x3D0 ss:$0x1] =	vst.idx.msk $0xffff, v19  }
0x78: {  	s23 =	smul.u32 $0xA000, s28;
	v21 =	vld.idx.msk [tilespmem:v9+s21+$0x40 ss:$0x1], $0xffff;
	[tilespmem:v1+s21+$0x3E0 ss:$0x1] =	vst.idx.msk $0xffff, v18  }
0x79: {  	(v2sf) =	vpush v14, $0xD;
	s22 =	sshll.u32 s26, $0x7;
	[tilespmem:v10+s21+$0x70 ss:$0x1] =	vst.idx.msk $0xffff, v12;
	v18 =	vld.idx.msk [tilespmem:v9+s21+$0x50 ss:$0x1], $0xffff  }
0x7a: {  	s23 =	sshra.s32 s23, $0x2;
	s22 =	sand.u32 $0x380, s22;
	[tilespmem:v10+s21+$0x0 ss:$0x1] =	vst.idx.msk $0xffff, v20;
	v13 =	vld.idx.msk [tilespmem:v11+s21+$0x70 ss:$0x1], $0xffff  }
0x7b: {  	s22 =	sor.u32 s22, s23;
	[tilespmem:v10+s21+$0x10 ss:$0x1] =	vst.idx.msk $0xffff, v15;
	v15 =	vld.idx.msk [tilespmem:v9+s21+$0x60 ss:$0x1], $0xffff  }
0x7c: {  	s29 =	spop (v2sf);
	s22 =	sor.u32 $0x400, s22;
	v20 =	vld.idx.msk [tilespmem:v11+s21+$0x0 ss:$0x1], $0xffff;
	[tilespmem:v10+s21+$0x20 ss:$0x1] =	vst.idx.msk $0xffff, v16  }
0x7d: {  	s30 =	sshrl.u32 s29, $0x3;
	v12 =	vmov s22;
	v16 =	vld.idx.msk [tilespmem:v11+s21+$0x10 ss:$0x1], $0xffff;
	[tilespmem:v10+s21+$0x30 ss:$0x1] =	vst.idx.msk $0xffff, v17  }
0x7e: {  	s22 =	smul.u32 $0xA000, s30;
	v17 =	vld.idx.msk [tilespmem:v11+s21+$0x20 ss:$0x1], $0xffff;
	[tilespmem:v10+s21+$0x40 ss:$0x1] =	vst.idx.msk $0xffff, v21  }
0x7f: {  	(v2sf) =	vpush v14, $0xE;
	s23 =	sshll.u32 s29, $0x7;
	v21 =	vld.idx.msk [tilespmem:v11+s21+$0x30 ss:$0x1], $0xffff;
	[tilespmem:v10+s21+$0x50 ss:$0x1] =	vst.idx.msk $0xffff, v18  }
0x80: {  	s23 =	sand.u32 $0x380, s23;
	s22 =	sshra.s32 s22, $0x2;
	v18 =	vld.idx.msk [tilespmem:v11+s21+$0x40 ss:$0x1], $0xffff;
	[tilespmem:v10+s21+$0xF0 ss:$0x1] =	vst.idx.msk $0xffff, v13  }
0x81: {  	s22 =	sor.u32 s23, s22;
	[tilespmem:v10+s21+$0x80 ss:$0x1] =	vst.idx.msk $0xffff, v20;
	v20 =	vld.idx.msk [tilespmem:v11+s21+$0x50 ss:$0x1], $0xffff  }
0x82: {  	s31 =	spop (v2sf);
	s22 =	sor.u32 $0x400, s22;
	[tilespmem:v10+s21+$0x60 ss:$0x1] =	vst.idx.msk $0xffff, v15;
	v19 =	vld.idx.msk [tilespmem:v12+s21+$0x70 ss:$0x1], $0xffff  }
0x83: {  	s24 =	sshrl.u32 s31, $0x3;
	v13 =	vmov s22;
	[tilespmem:v10+s21+$0x90 ss:$0x1] =	vst.idx.msk $0xffff, v16;
	v16 =	vld.idx.msk [tilespmem:v11+s21+$0x60 ss:$0x1], $0xffff  }
0x84: {  	s22 =	smul.u32 $0xA000, s24;
	v22 =	vld.idx.msk [tilespmem:v12+s21+$0x0 ss:$0x1], $0xffff;
	[tilespmem:v10+s21+$0xA0 ss:$0x1] =	vst.idx.msk $0xffff, v17  }
0x85: {  	(v2sf) =	vpush v14, $0xF;
	s23 =	sshll.u32 s31, $0x7;
	v17 =	vld.idx.msk [tilespmem:v12+s21+$0x10 ss:$0x1], $0xffff;
	[tilespmem:v10+s21+$0xB0 ss:$0x1] =	vst.idx.msk $0xffff, v21  }
0x86: {  	s23 =	sand.u32 $0x380, s23;
	s22 =	sshra.s32 s22, $0x2;
	v21 =	vld.idx.msk [tilespmem:v12+s21+$0x20 ss:$0x1], $0xffff;
	[tilespmem:v10+s21+$0xC0 ss:$0x1] =	vst.idx.msk $0xffff, v18  }
0x87: {  	s22 =	sor.u32 s23, s22;
	v18 =	vld.idx.msk [tilespmem:v12+s21+$0x30 ss:$0x1], $0xffff;
	[tilespmem:v10+s21+$0x170 ss:$0x1] =	vst.idx.msk $0xffff, v19  }
0x88: {  	s25 =	spop (v2sf);
	s22 =	sor.u32 $0x400, s22;
	[tilespmem:v10+s21+$0xD0 ss:$0x1] =	vst.idx.msk $0xffff, v20;
	v19 =	vld.idx.msk [tilespmem:v13+s21+$0x70 ss:$0x1], $0xffff  }
0x89: {  	s26 =	sshrl.u32 s25, $0x3;
	v14 =	vmov s22;
	v20 =	vld.idx.msk [tilespmem:v12+s21+$0x40 ss:$0x1], $0xffff;
	[tilespmem:v10+s21+$0xE0 ss:$0x1] =	vst.idx.msk $0xffff, v16  }
0x8a: {  	s22 =	smul.u32 $0xA000, s26;
	[tilespmem:v10+s21+$0x100 ss:$0x1] =	vst.idx.msk $0xffff, v22;
	v22 =	vld.idx.msk [tilespmem:v12+s21+$0x50 ss:$0x1], $0xffff  }
0x8b: {  	s23 =	sshll.u32 s25, $0x7;
	[tilespmem:v10+s21+$0x110 ss:$0x1] =	vst.idx.msk $0xffff, v17;
	v17 =	vld.idx.msk [tilespmem:v12+s21+$0x60 ss:$0x1], $0xffff  }
0x8c: {  	s23 =	sand.u32 $0x380, s23;
	s22 =	sshra.s32 s22, $0x2;
	v23 =	vld.idx.msk [tilespmem:v13+s21+$0x0 ss:$0x1], $0xffff;
	[tilespmem:v10+s21+$0x120 ss:$0x1] =	vst.idx.msk $0xffff, v21  }
0x8d: {  	s22 =	sor.u32 s23, s22;
	v21 =	vld.idx.msk [tilespmem:v13+s21+$0x10 ss:$0x1], $0xffff;
	[tilespmem:v10+s21+$0x1F0 ss:$0x1] =	vst.idx.msk $0xffff, v19  }
0x8e: {  	s28 =	spop (v2sf);
	s22 =	sor.u32 $0x400, s22;
	[tilespmem:v10+s21+$0x130 ss:$0x1] =	vst.idx.msk $0xffff, v18;
	v19 =	vld.idx.msk [tilespmem:v14+s21+$0x70 ss:$0x1], $0xffff  }
0x8f: {  	s29 =	sshrl.u32 s28, $0x3;
	v18 =	vld.idx.msk [tilespmem:v13+s21+$0x20 ss:$0x1], $0xffff;
	v15 =	vmov s22;
	[tilespmem:v10+s21+$0x140 ss:$0x1] =	vst.idx.msk $0xffff, v20  }
0x90: {  	s22 =	smul.u32 $0xA000, s29;
	v20 =	vld.idx.msk [tilespmem:v13+s21+$0x30 ss:$0x1], $0xffff;
	[tilespmem:v10+s21+$0x150 ss:$0x1] =	vst.idx.msk $0xffff, v22  }
0x91: {  	s23 =	sshll.u32 s28, $0x7;
	v22 =	vld.idx.msk [tilespmem:v13+s21+$0x40 ss:$0x1], $0xffff;
	[tilespmem:v10+s21+$0x160 ss:$0x1] =	vst.idx.msk $0xffff, v17  }
0x92: {  	s23 =	sand.u32 $0x380, s23;
	s22 =	sshra.s32 s22, $0x2;
	[tilespmem:v10+s21+$0x180 ss:$0x1] =	vst.idx.msk $0xffff, v23;
	v23 =	vld.idx.msk [tilespmem:v13+s21+$0x50 ss:$0x1], $0xffff  }
0x93: {  	s22 =	sor.u32 s23, s22;
	v24 =	vld.idx.msk [tilespmem:v13+s21+$0x60 ss:$0x1], $0xffff;
	[tilespmem:v10+s21+$0x270 ss:$0x1] =	vst.idx.msk $0xffff, v19  }
0x94: {  	s30 =	spop (v2sf);
	[tilespmem:v10+s21+$0x190 ss:$0x1] =	vst.idx.msk $0xffff, v21;
	s22 =	sor.u32 $0x400, s22;
	v19 =	vld.idx.msk [tilespmem:v15+s21+$0x70 ss:$0x1], $0xffff  }
0x95: {  	s31 =	sshrl.u32 s30, $0x3;
	v21 =	vld.idx.msk [tilespmem:v14+s21+$0x0 ss:$0x1], $0xffff;
	[tilespmem:v10+s21+$0x1A0 ss:$0x1] =	vst.idx.msk $0xffff, v18;
	v16 =	vmov s22  }
0x96: {  	v18 =	vld.idx.msk [tilespmem:v14+s21+$0x10 ss:$0x1], $0xffff;
	s22 =	smul.u32 $0xA000, s31;
	[tilespmem:v10+s21+$0x1B0 ss:$0x1] =	vst.idx.msk $0xffff, v20  }
0x97: {  	s23 =	sshll.u32 s30, $0x7;
	v20 =	vld.idx.msk [tilespmem:v14+s21+$0x20 ss:$0x1], $0xffff;
	[tilespmem:v10+s21+$0x1C0 ss:$0x1] =	vst.idx.msk $0xffff, v22  }
0x98: {  	s23 =	sand.u32 $0x380, s23;
	v22 =	vld.idx.msk [tilespmem:v14+s21+$0x30 ss:$0x1], $0xffff;
	s22 =	sshra.s32 s22, $0x2;
	[tilespmem:v10+s21+$0x1D0 ss:$0x1] =	vst.idx.msk $0xffff, v23  }
0x99: {  	v23 =	vld.idx.msk [tilespmem:v14+s21+$0x40 ss:$0x1], $0xffff;
	s22 =	sor.u32 s23, s22;
	[tilespmem:v10+s21+$0x2F0 ss:$0x1] =	vst.idx.msk $0xffff, v19  }
0x9a: {  	[tilespmem:v10+s21+$0x1E0 ss:$0x1] =	vst.idx.msk $0xffff, v24;
	s22 =	sor.u32 $0x400, s22;
	v19 =	vld.idx.msk [tilespmem:v16+s21+$0x70 ss:$0x1], $0xffff  }
0x9b: {  	v62 =	vld.idx.msk [tilespmem:v14+s21+$0x50 ss:$0x1], $0xffff;
	[tilespmem:v10+s21+$0x200 ss:$0x1] =	vst.idx.msk $0xffff, v21;
	v17 =	vmov s22  }
0x9c: {  	[tilespmem:v10+s21+$0x210 ss:$0x1] =	vst.idx.msk $0xffff, v18;
	v18 =	vld.idx.msk [tilespmem:v14+s21+$0x60 ss:$0x1], $0xffff  }
0x9d: {  	v21 =	vld.idx.msk [tilespmem:v15+s21+$0x0 ss:$0x1], $0xffff;
	[tilespmem:v10+s21+$0x220 ss:$0x1] =	vst.idx.msk $0xffff, v20  }
0x9e: {  	v20 =	vld.idx.msk [tilespmem:v15+s21+$0x10 ss:$0x1], $0xffff;
	[tilespmem:v10+s21+$0x230 ss:$0x1] =	vst.idx.msk $0xffff, v22  }
0x9f: {  	v22 =	vld.idx.msk [tilespmem:v15+s21+$0x20 ss:$0x1], $0xffff;
	[tilespmem:v10+s21+$0x370 ss:$0x1] =	vst.idx.msk $0xffff, v19  }
0xa0: {  	[tilespmem:v10+s21+$0x240 ss:$0x1] =	vst.idx.msk $0xffff, v23;
	v19 =	vld.idx.msk [tilespmem:v17+s21+$0x70 ss:$0x1], $0xffff  }
0xa1: {  	v23 =	vld.idx.msk [tilespmem:v15+s21+$0x30 ss:$0x1], $0xffff;
	[tilespmem:v10+s21+$0x250 ss:$0x1] =	vst.idx.msk $0xffff, v62  }
0xa2: {  	v63 =	vld.idx.msk [tilespmem:v15+s21+$0x40 ss:$0x1], $0xffff;
	[tilespmem:v10+s21+$0x260 ss:$0x1] =	vst.idx.msk $0xffff, v18  }
0xa3: {  	[tilespmem:v10+s21+$0x280 ss:$0x1] =	vst.idx.msk $0xffff, v21;
	v18 =	vld.idx.msk [tilespmem:v15+s21+$0x60 ss:$0x1], $0xffff  }
0xa4: {  	v21 =	vld.idx.msk [tilespmem:v16+s21+$0x0 ss:$0x1], $0xffff;
	[tilespmem:v10+s21+$0x290 ss:$0x1] =	vst.idx.msk $0xffff, v20  }
0xa5: {  	[tilespmem:v10+s21+$0x3F0 ss:$0x1] =	vst.idx.msk $0xffff, v19;
	v19 =	vld.idx.msk [tilespmem:v15+s21+$0x50 ss:$0x1], $0xffff  }
0xa6: {  	v20 =	vld.idx.msk [tilespmem:v16+s21+$0x10 ss:$0x1], $0xffff;
	[tilespmem:v10+s21+$0x2A0 ss:$0x1] =	vst.idx.msk $0xffff, v22  }
0xa7: {  	v22 =	vld.idx.msk [tilespmem:v16+s21+$0x20 ss:$0x1], $0xffff;
	[tilespmem:v10+s21+$0x2B0 ss:$0x1] =	vst.idx.msk $0xffff, v23  }
0xa8: {  	v23 =	vld.idx.msk [tilespmem:v16+s21+$0x30 ss:$0x1], $0xffff;
	[tilespmem:v10+s21+$0x2C0 ss:$0x1] =	vst.idx.msk $0xffff, v63  }
0xa9: {  	v24 =	vld.idx.msk [tilespmem:v16+s21+$0x40 ss:$0x1], $0xffff;
	[tilespmem:v10+s21+$0x2E0 ss:$0x1] =	vst.idx.msk $0xffff, v18  }
0xaa: {  	v26 =	vld.idx.msk [tilespmem:v16+s21+$0x60 ss:$0x1], $0xffff;
	[tilespmem:v10+s21+$0x2D0 ss:$0x1] =	vst.idx.msk $0xffff, v19  }
0xab: {  	[tilespmem:v10+s21+$0x310 ss:$0x1] =	vst.idx.msk $0xffff, v20;
	v25 =	vld.idx.msk [tilespmem:v16+s21+$0x50 ss:$0x1], $0xffff  }
0xac: {  	[tilespmem:v10+s21+$0x300 ss:$0x1] =	vst.idx.msk $0xffff, v21;
	v18 =	vld.idx.msk [tilespmem:v17+s21+$0x10 ss:$0x1], $0xffff  }
0xad: {  	[tilespmem:v10+s21+$0x320 ss:$0x1] =	vst.idx.msk $0xffff, v22;
	v19 =	vld.idx.msk [tilespmem:v17+s21+$0x0 ss:$0x1], $0xffff  }
0xae: {  	v20 =	vld.idx.msk [tilespmem:v17+s21+$0x20 ss:$0x1], $0xffff;
	[tilespmem:v10+s21+$0x330 ss:$0x1] =	vst.idx.msk $0xffff, v23  }
0xaf: {  	v21 =	vld.idx.msk [tilespmem:v17+s21+$0x30 ss:$0x1], $0xffff;
	[tilespmem:v10+s21+$0x340 ss:$0x1] =	vst.idx.msk $0xffff, v24  }
0xb0: {  	v22 =	vld.idx.msk [tilespmem:v17+s21+$0x40 ss:$0x1], $0xffff;
	[tilespmem:v10+s21+$0x350 ss:$0x1] =	vst.idx.msk $0xffff, v25  }
0xb1: {  	s22 =	simm.s32 $0x8;
	[tilespmem:v10+s21+$0x360 ss:$0x1] =	vst.idx.msk $0xffff, v26;
	v23 =	vld.idx.msk [tilespmem:v17+s21+$0x50 ss:$0x1], $0xffff  }
.LBB2_4:
0xb2: {  	s23 =	sshll.u32 s22, $0x7;
	p3 =	slt.u32 s22, $0x48;
	[tilespmem:v10+s21+$0x380 ss:$0x1] =	vst.idx.msk $0xffff, v19;
	v19 =	vld.idx.msk [tilespmem:v17+s21+$0x60 ss:$0x1], $0xffff  }
0xb3: {  	v24 =	vld.idx.msk [tilespmem:v0+s23+$0x70 ss:$0x1], $0xffff;
	[tilespmem:v10+s21+$0x390 ss:$0x1] =	vst.idx.msk $0xffff, v18  }
0xb4: {  	v18 =	vld.idx.msk [tilespmem:v0+s23+$0x0 ss:$0x1], $0xffff;
	[tilespmem:v10+s21+$0x3A0 ss:$0x1] =	vst.idx.msk $0xffff, v20  }
0xb5: {  	v20 =	vld.idx.msk [tilespmem:v0+s23+$0x10 ss:$0x1], $0xffff;
	[tilespmem:v10+s21+$0x3B0 ss:$0x1] =	vst.idx.msk $0xffff, v21  }
0xb6: {  	v21 =	vld.idx.msk [tilespmem:v0+s23+$0x20 ss:$0x1], $0xffff;
	[tilespmem:v10+s21+$0x3C0 ss:$0x1] =	vst.idx.msk $0xffff, v22  }
0xb7: {  	v22 =	vld.idx.msk [tilespmem:v0+s23+$0x30 ss:$0x1], $0xffff;
	[tilespmem:v10+s21+$0x3D0 ss:$0x1] =	vst.idx.msk $0xffff, v23  }
0xb8: {  	v23 =	vld.idx.msk [tilespmem:v0+s23+$0x40 ss:$0x1], $0xffff;
	[tilespmem:v10+s21+$0x3E0 ss:$0x1] =	vst.idx.msk $0xffff, v19;
	s21 =	smov.u32 s23  }
0xb9: {  	v19 =	vld.idx.msk [tilespmem:v0+s21+$0x50 ss:$0x1], $0xffff;
	[tilespmem:v1+s21+$0x70 ss:$0x1] =	vst.idx.msk $0xffff, v24  }
0xba: {  	[tilespmem:v1+s21+$0x0 ss:$0x1] =	vst.idx.msk $0xffff, v18;
	v18 =	vld.idx.msk [tilespmem:v2+s21+$0x70 ss:$0x1], $0xffff  }
0xbb: {  	[tilespmem:v1+s21+$0x10 ss:$0x1] =	vst.idx.msk $0xffff, v20;
	v20 =	vld.idx.msk [tilespmem:v0+s21+$0x60 ss:$0x1], $0xffff  }
0xbc: {  	v24 =	vld.idx.msk [tilespmem:v2+s21+$0x0 ss:$0x1], $0xffff;
	[tilespmem:v1+s21+$0x20 ss:$0x1] =	vst.idx.msk $0xffff, v21  }
0xbd: {  	v21 =	vld.idx.msk [tilespmem:v2+s21+$0x10 ss:$0x1], $0xffff;
	[tilespmem:v1+s21+$0x30 ss:$0x1] =	vst.idx.msk $0xffff, v22  }
0xbe: {  	v22 =	vld.idx.msk [tilespmem:v2+s21+$0x20 ss:$0x1], $0xffff;
	[tilespmem:v1+s21+$0x40 ss:$0x1] =	vst.idx.msk $0xffff, v23  }
0xbf: {  	v23 =	vld.idx.msk [tilespmem:v2+s21+$0x30 ss:$0x1], $0xffff;
	[tilespmem:v1+s21+$0x50 ss:$0x1] =	vst.idx.msk $0xffff, v19  }
0xc0: {  	v19 =	vld.idx.msk [tilespmem:v2+s21+$0x40 ss:$0x1], $0xffff;
	[tilespmem:v1+s21+$0xF0 ss:$0x1] =	vst.idx.msk $0xffff, v18  }
0xc1: {  	[tilespmem:v1+s21+$0x60 ss:$0x1] =	vst.idx.msk $0xffff, v20;
	v18 =	vld.idx.msk [tilespmem:v3+s21+$0x70 ss:$0x1], $0xffff  }
0xc2: {  	[tilespmem:v1+s21+$0x80 ss:$0x1] =	vst.idx.msk $0xffff, v24;
	v20 =	vld.idx.msk [tilespmem:v2+s21+$0x50 ss:$0x1], $0xffff  }
0xc3: {  	[tilespmem:v1+s21+$0x90 ss:$0x1] =	vst.idx.msk $0xffff, v21;
	v21 =	vld.idx.msk [tilespmem:v2+s21+$0x60 ss:$0x1], $0xffff  }
0xc4: {  	v24 =	vld.idx.msk [tilespmem:v3+s21+$0x0 ss:$0x1], $0xffff;
	[tilespmem:v1+s21+$0xA0 ss:$0x1] =	vst.idx.msk $0xffff, v22  }
0xc5: {  	v22 =	vld.idx.msk [tilespmem:v3+s21+$0x10 ss:$0x1], $0xffff;
	[tilespmem:v1+s21+$0xB0 ss:$0x1] =	vst.idx.msk $0xffff, v23  }
0xc6: {  	v23 =	vld.idx.msk [tilespmem:v3+s21+$0x20 ss:$0x1], $0xffff;
	[tilespmem:v1+s21+$0xC0 ss:$0x1] =	vst.idx.msk $0xffff, v19  }
0xc7: {  	v19 =	vld.idx.msk [tilespmem:v3+s21+$0x30 ss:$0x1], $0xffff;
	[tilespmem:v1+s21+$0x170 ss:$0x1] =	vst.idx.msk $0xffff, v18  }
0xc8: {  	[tilespmem:v1+s21+$0xD0 ss:$0x1] =	vst.idx.msk $0xffff, v20;
	v18 =	vld.idx.msk [tilespmem:v4+s21+$0x70 ss:$0x1], $0xffff  }
0xc9: {  	v20 =	vld.idx.msk [tilespmem:v3+s21+$0x40 ss:$0x1], $0xffff;
	[tilespmem:v1+s21+$0xE0 ss:$0x1] =	vst.idx.msk $0xffff, v21  }
0xca: {  	[tilespmem:v1+s21+$0x100 ss:$0x1] =	vst.idx.msk $0xffff, v24;
	v21 =	vld.idx.msk [tilespmem:v3+s21+$0x50 ss:$0x1], $0xffff  }
0xcb: {  	[tilespmem:v1+s21+$0x110 ss:$0x1] =	vst.idx.msk $0xffff, v22;
	v22 =	vld.idx.msk [tilespmem:v3+s21+$0x60 ss:$0x1], $0xffff  }
0xcc: {  	v24 =	vld.idx.msk [tilespmem:v4+s21+$0x0 ss:$0x1], $0xffff;
	[tilespmem:v1+s21+$0x120 ss:$0x1] =	vst.idx.msk $0xffff, v23  }
0xcd: {  	v23 =	vld.idx.msk [tilespmem:v4+s21+$0x10 ss:$0x1], $0xffff;
	[tilespmem:v1+s21+$0x130 ss:$0x1] =	vst.idx.msk $0xffff, v19  }
0xce: {  	v19 =	vld.idx.msk [tilespmem:v4+s21+$0x20 ss:$0x1], $0xffff;
	[tilespmem:v1+s21+$0x1F0 ss:$0x1] =	vst.idx.msk $0xffff, v18  }
0xcf: {  	[tilespmem:v1+s21+$0x140 ss:$0x1] =	vst.idx.msk $0xffff, v20;
	v18 =	vld.idx.msk [tilespmem:v5+s21+$0x70 ss:$0x1], $0xffff  }
0xd0: {  	v20 =	vld.idx.msk [tilespmem:v4+s21+$0x30 ss:$0x1], $0xffff;
	[tilespmem:v1+s21+$0x150 ss:$0x1] =	vst.idx.msk $0xffff, v21  }
0xd1: {  	v21 =	vld.idx.msk [tilespmem:v4+s21+$0x40 ss:$0x1], $0xffff;
	[tilespmem:v1+s21+$0x160 ss:$0x1] =	vst.idx.msk $0xffff, v22  }
0xd2: {  	[tilespmem:v1+s21+$0x180 ss:$0x1] =	vst.idx.msk $0xffff, v24;
	v22 =	vld.idx.msk [tilespmem:v4+s21+$0x50 ss:$0x1], $0xffff  }
0xd3: {  	[tilespmem:v1+s21+$0x190 ss:$0x1] =	vst.idx.msk $0xffff, v23;
	v23 =	vld.idx.msk [tilespmem:v4+s21+$0x60 ss:$0x1], $0xffff  }
0xd4: {  	v24 =	vld.idx.msk [tilespmem:v5+s21+$0x0 ss:$0x1], $0xffff;
	[tilespmem:v1+s21+$0x1A0 ss:$0x1] =	vst.idx.msk $0xffff, v19  }
0xd5: {  	v19 =	vld.idx.msk [tilespmem:v5+s21+$0x10 ss:$0x1], $0xffff;
	[tilespmem:v1+s21+$0x270 ss:$0x1] =	vst.idx.msk $0xffff, v18  }
0xd6: {  	[tilespmem:v1+s21+$0x1B0 ss:$0x1] =	vst.idx.msk $0xffff, v20;
	v18 =	vld.idx.msk [tilespmem:v6+s21+$0x70 ss:$0x1], $0xffff  }
0xd7: {  	v20 =	vld.idx.msk [tilespmem:v5+s21+$0x20 ss:$0x1], $0xffff;
	[tilespmem:v1+s21+$0x1C0 ss:$0x1] =	vst.idx.msk $0xffff, v21  }
0xd8: {  	v21 =	vld.idx.msk [tilespmem:v5+s21+$0x30 ss:$0x1], $0xffff;
	[tilespmem:v1+s21+$0x1D0 ss:$0x1] =	vst.idx.msk $0xffff, v22  }
0xd9: {  	v22 =	vld.idx.msk [tilespmem:v5+s21+$0x40 ss:$0x1], $0xffff;
	[tilespmem:v1+s21+$0x1E0 ss:$0x1] =	vst.idx.msk $0xffff, v23  }
0xda: {  	[tilespmem:v1+s21+$0x200 ss:$0x1] =	vst.idx.msk $0xffff, v24;
	v23 =	vld.idx.msk [tilespmem:v5+s21+$0x50 ss:$0x1], $0xffff  }
0xdb: {  	[tilespmem:v1+s21+$0x210 ss:$0x1] =	vst.idx.msk $0xffff, v19;
	v19 =	vld.idx.msk [tilespmem:v5+s21+$0x60 ss:$0x1], $0xffff  }
0xdc: {  	v24 =	vld.idx.msk [tilespmem:v6+s21+$0x0 ss:$0x1], $0xffff;
	[tilespmem:v1+s21+$0x2F0 ss:$0x1] =	vst.idx.msk $0xffff, v18  }
0xdd: {  	[tilespmem:v1+s21+$0x220 ss:$0x1] =	vst.idx.msk $0xffff, v20;
	v18 =	vld.idx.msk [tilespmem:v7+s21+$0x70 ss:$0x1], $0xffff  }
0xde: {  	v20 =	vld.idx.msk [tilespmem:v6+s21+$0x10 ss:$0x1], $0xffff;
	[tilespmem:v1+s21+$0x230 ss:$0x1] =	vst.idx.msk $0xffff, v21  }
0xdf: {  	v21 =	vld.idx.msk [tilespmem:v6+s21+$0x20 ss:$0x1], $0xffff;
	[tilespmem:v1+s21+$0x240 ss:$0x1] =	vst.idx.msk $0xffff, v22  }
0xe0: {  	v22 =	vld.idx.msk [tilespmem:v6+s21+$0x30 ss:$0x1], $0xffff;
	[tilespmem:v1+s21+$0x250 ss:$0x1] =	vst.idx.msk $0xffff, v23  }
0xe1: {  	v23 =	vld.idx.msk [tilespmem:v6+s21+$0x40 ss:$0x1], $0xffff;
	[tilespmem:v1+s21+$0x260 ss:$0x1] =	vst.idx.msk $0xffff, v19  }
0xe2: {  	[tilespmem:v1+s21+$0x280 ss:$0x1] =	vst.idx.msk $0xffff, v24;
	v19 =	vld.idx.msk [tilespmem:v6+s21+$0x50 ss:$0x1], $0xffff  }
0xe3: {  	v24 =	vld.idx.msk [tilespmem:v6+s21+$0x60 ss:$0x1], $0xffff;
	[tilespmem:v1+s21+$0x370 ss:$0x1] =	vst.idx.msk $0xffff, v18  }
0xe4: {  	[tilespmem:v1+s21+$0x290 ss:$0x1] =	vst.idx.msk $0xffff, v20;
	v18 =	vld.idx.msk [tilespmem:v8+s21+$0x70 ss:$0x1], $0xffff  }
0xe5: {  	v20 =	vld.idx.msk [tilespmem:v7+s21+$0x0 ss:$0x1], $0xffff;
	[tilespmem:v1+s21+$0x2A0 ss:$0x1] =	vst.idx.msk $0xffff, v21  }
0xe6: {  	v21 =	vld.idx.msk [tilespmem:v7+s21+$0x10 ss:$0x1], $0xffff;
	[tilespmem:v1+s21+$0x2B0 ss:$0x1] =	vst.idx.msk $0xffff, v22  }
0xe7: {  	v22 =	vld.idx.msk [tilespmem:v7+s21+$0x20 ss:$0x1], $0xffff;
	[tilespmem:v1+s21+$0x2C0 ss:$0x1] =	vst.idx.msk $0xffff, v23  }
0xe8: {  	v23 =	vld.idx.msk [tilespmem:v7+s21+$0x30 ss:$0x1], $0xffff;
	[tilespmem:v1+s21+$0x2D0 ss:$0x1] =	vst.idx.msk $0xffff, v19  }
0xe9: {  	v19 =	vld.idx.msk [tilespmem:v7+s21+$0x40 ss:$0x1], $0xffff;
	[tilespmem:v1+s21+$0x2E0 ss:$0x1] =	vst.idx.msk $0xffff, v24  }
0xea: {  	v24 =	vld.idx.msk [tilespmem:v7+s21+$0x50 ss:$0x1], $0xffff;
	[tilespmem:v1+s21+$0x3F0 ss:$0x1] =	vst.idx.msk $0xffff, v18  }
0xeb: {  	[tilespmem:v1+s21+$0x300 ss:$0x1] =	vst.idx.msk $0xffff, v20;
	v18 =	vld.idx.msk [tilespmem:v9+s21+$0x70 ss:$0x1], $0xffff  }
0xec: {  	[tilespmem:v1+s21+$0x310 ss:$0x1] =	vst.idx.msk $0xffff, v21;
	v20 =	vld.idx.msk [tilespmem:v7+s21+$0x60 ss:$0x1], $0xffff  }
0xed: {  	v21 =	vld.idx.msk [tilespmem:v8+s21+$0x0 ss:$0x1], $0xffff;
	[tilespmem:v1+s21+$0x320 ss:$0x1] =	vst.idx.msk $0xffff, v22  }
0xee: {  	v22 =	vld.idx.msk [tilespmem:v8+s21+$0x10 ss:$0x1], $0xffff;
	[tilespmem:v1+s21+$0x330 ss:$0x1] =	vst.idx.msk $0xffff, v23  }
0xef: {  	v23 =	vld.idx.msk [tilespmem:v8+s21+$0x20 ss:$0x1], $0xffff;
	[tilespmem:v1+s21+$0x340 ss:$0x1] =	vst.idx.msk $0xffff, v19  }
0xf0: {  	v19 =	vld.idx.msk [tilespmem:v8+s21+$0x30 ss:$0x1], $0xffff;
	[tilespmem:v1+s21+$0x350 ss:$0x1] =	vst.idx.msk $0xffff, v24  }
0xf1: {  	v24 =	vld.idx.msk [tilespmem:v8+s21+$0x40 ss:$0x1], $0xffff;
	[tilespmem:v10+s21+$0x70 ss:$0x1] =	vst.idx.msk $0xffff, v18  }
0xf2: {  	[tilespmem:v1+s21+$0x360 ss:$0x1] =	vst.idx.msk $0xffff, v20;
	v18 =	vld.idx.msk [tilespmem:v11+s21+$0x70 ss:$0x1], $0xffff  }
0xf3: {  	[tilespmem:v1+s21+$0x380 ss:$0x1] =	vst.idx.msk $0xffff, v21;
	v20 =	vld.idx.msk [tilespmem:v8+s21+$0x50 ss:$0x1], $0xffff  }
0xf4: {  	[tilespmem:v1+s21+$0x390 ss:$0x1] =	vst.idx.msk $0xffff, v22;
	v21 =	vld.idx.msk [tilespmem:v8+s21+$0x60 ss:$0x1], $0xffff  }
0xf5: {  	v22 =	vld.idx.msk [tilespmem:v9+s21+$0x0 ss:$0x1], $0xffff;
	[tilespmem:v1+s21+$0x3A0 ss:$0x1] =	vst.idx.msk $0xffff, v23  }
0xf6: {  	v23 =	vld.idx.msk [tilespmem:v9+s21+$0x10 ss:$0x1], $0xffff;
	[tilespmem:v1+s21+$0x3B0 ss:$0x1] =	vst.idx.msk $0xffff, v19  }
0xf7: {  	v19 =	vld.idx.msk [tilespmem:v9+s21+$0x20 ss:$0x1], $0xffff;
	[tilespmem:v1+s21+$0x3C0 ss:$0x1] =	vst.idx.msk $0xffff, v24  }
0xf8: {  	v24 =	vld.idx.msk [tilespmem:v9+s21+$0x30 ss:$0x1], $0xffff;
	[tilespmem:v10+s21+$0xF0 ss:$0x1] =	vst.idx.msk $0xffff, v18  }
0xf9: {  	[tilespmem:v1+s21+$0x3D0 ss:$0x1] =	vst.idx.msk $0xffff, v20;
	v18 =	vld.idx.msk [tilespmem:v12+s21+$0x70 ss:$0x1], $0xffff  }
0xfa: {  	v20 =	vld.idx.msk [tilespmem:v9+s21+$0x40 ss:$0x1], $0xffff;
	[tilespmem:v1+s21+$0x3E0 ss:$0x1] =	vst.idx.msk $0xffff, v21  }
0xfb: {  	[tilespmem:v10+s21+$0x0 ss:$0x1] =	vst.idx.msk $0xffff, v22;
	v21 =	vld.idx.msk [tilespmem:v9+s21+$0x50 ss:$0x1], $0xffff  }
0xfc: {  	[tilespmem:v10+s21+$0x10 ss:$0x1] =	vst.idx.msk $0xffff, v23;
	v22 =	vld.idx.msk [tilespmem:v9+s21+$0x60 ss:$0x1], $0xffff  }
0xfd: {  	v23 =	vld.idx.msk [tilespmem:v11+s21+$0x0 ss:$0x1], $0xffff;
	[tilespmem:v10+s21+$0x20 ss:$0x1] =	vst.idx.msk $0xffff, v19  }
0xfe: {  	v19 =	vld.idx.msk [tilespmem:v11+s21+$0x10 ss:$0x1], $0xffff;
	[tilespmem:v10+s21+$0x30 ss:$0x1] =	vst.idx.msk $0xffff, v24  }
0xff: {  	v24 =	vld.idx.msk [tilespmem:v11+s21+$0x20 ss:$0x1], $0xffff;
	[tilespmem:v10+s21+$0x170 ss:$0x1] =	vst.idx.msk $0xffff, v18  }
0x100: {  	[tilespmem:v10+s21+$0x40 ss:$0x1] =	vst.idx.msk $0xffff, v20;
	v18 =	vld.idx.msk [tilespmem:v13+s21+$0x70 ss:$0x1], $0xffff  }
0x101: {  	v20 =	vld.idx.msk [tilespmem:v11+s21+$0x30 ss:$0x1], $0xffff;
	[tilespmem:v10+s21+$0x50 ss:$0x1] =	vst.idx.msk $0xffff, v21  }
0x102: {  	v21 =	vld.idx.msk [tilespmem:v11+s21+$0x40 ss:$0x1], $0xffff;
	[tilespmem:v10+s21+$0x60 ss:$0x1] =	vst.idx.msk $0xffff, v22  }
0x103: {  	[tilespmem:v10+s21+$0x80 ss:$0x1] =	vst.idx.msk $0xffff, v23;
	v22 =	vld.idx.msk [tilespmem:v11+s21+$0x50 ss:$0x1], $0xffff  }
0x104: {  	[tilespmem:v10+s21+$0x90 ss:$0x1] =	vst.idx.msk $0xffff, v19;
	v19 =	vld.idx.msk [tilespmem:v11+s21+$0x60 ss:$0x1], $0xffff  }
0x105: {  	v23 =	vld.idx.msk [tilespmem:v12+s21+$0x0 ss:$0x1], $0xffff;
	[tilespmem:v10+s21+$0xA0 ss:$0x1] =	vst.idx.msk $0xffff, v24  }
0x106: {  	v24 =	vld.idx.msk [tilespmem:v12+s21+$0x10 ss:$0x1], $0xffff;
	[tilespmem:v10+s21+$0x1F0 ss:$0x1] =	vst.idx.msk $0xffff, v18  }
0x107: {  	[tilespmem:v10+s21+$0xB0 ss:$0x1] =	vst.idx.msk $0xffff, v20;
	v18 =	vld.idx.msk [tilespmem:v14+s21+$0x70 ss:$0x1], $0xffff  }
0x108: {  	v20 =	vld.idx.msk [tilespmem:v12+s21+$0x20 ss:$0x1], $0xffff;
	[tilespmem:v10+s21+$0xC0 ss:$0x1] =	vst.idx.msk $0xffff, v21  }
0x109: {  	v21 =	vld.idx.msk [tilespmem:v12+s21+$0x30 ss:$0x1], $0xffff;
	[tilespmem:v10+s21+$0xD0 ss:$0x1] =	vst.idx.msk $0xffff, v22  }
0x10a: {  	v22 =	vld.idx.msk [tilespmem:v12+s21+$0x40 ss:$0x1], $0xffff;
	[tilespmem:v10+s21+$0xE0 ss:$0x1] =	vst.idx.msk $0xffff, v19  }
0x10b: {  	[tilespmem:v10+s21+$0x100 ss:$0x1] =	vst.idx.msk $0xffff, v23;
	v19 =	vld.idx.msk [tilespmem:v12+s21+$0x50 ss:$0x1], $0xffff  }
0x10c: {  	[tilespmem:v10+s21+$0x110 ss:$0x1] =	vst.idx.msk $0xffff, v24;
	v23 =	vld.idx.msk [tilespmem:v12+s21+$0x60 ss:$0x1], $0xffff  }
0x10d: {  	v24 =	vld.idx.msk [tilespmem:v13+s21+$0x0 ss:$0x1], $0xffff;
	[tilespmem:v10+s21+$0x270 ss:$0x1] =	vst.idx.msk $0xffff, v18  }
0x10e: {  	[tilespmem:v10+s21+$0x120 ss:$0x1] =	vst.idx.msk $0xffff, v20;
	v18 =	vld.idx.msk [tilespmem:v15+s21+$0x70 ss:$0x1], $0xffff  }
0x10f: {  	v20 =	vld.idx.msk [tilespmem:v13+s21+$0x10 ss:$0x1], $0xffff;
	[tilespmem:v10+s21+$0x130 ss:$0x1] =	vst.idx.msk $0xffff, v21  }
0x110: {  	v21 =	vld.idx.msk [tilespmem:v13+s21+$0x20 ss:$0x1], $0xffff;
	[tilespmem:v10+s21+$0x140 ss:$0x1] =	vst.idx.msk $0xffff, v22  }
0x111: {  	v22 =	vld.idx.msk [tilespmem:v13+s21+$0x30 ss:$0x1], $0xffff;
	[tilespmem:v10+s21+$0x150 ss:$0x1] =	vst.idx.msk $0xffff, v19  }
0x112: {  	v19 =	vld.idx.msk [tilespmem:v13+s21+$0x40 ss:$0x1], $0xffff;
	[tilespmem:v10+s21+$0x160 ss:$0x1] =	vst.idx.msk $0xffff, v23  }
0x113: {  	[tilespmem:v10+s21+$0x180 ss:$0x1] =	vst.idx.msk $0xffff, v24;
	v23 =	vld.idx.msk [tilespmem:v13+s21+$0x50 ss:$0x1], $0xffff  }
0x114: {  	v24 =	vld.idx.msk [tilespmem:v13+s21+$0x60 ss:$0x1], $0xffff;
	[tilespmem:v10+s21+$0x2F0 ss:$0x1] =	vst.idx.msk $0xffff, v18  }
0x115: {  	[tilespmem:v10+s21+$0x190 ss:$0x1] =	vst.idx.msk $0xffff, v20;
	v18 =	vld.idx.msk [tilespmem:v16+s21+$0x70 ss:$0x1], $0xffff  }
0x116: {  	v20 =	vld.idx.msk [tilespmem:v14+s21+$0x0 ss:$0x1], $0xffff;
	[tilespmem:v10+s21+$0x1A0 ss:$0x1] =	vst.idx.msk $0xffff, v21  }
0x117: {  	v21 =	vld.idx.msk [tilespmem:v14+s21+$0x10 ss:$0x1], $0xffff;
	[tilespmem:v10+s21+$0x1B0 ss:$0x1] =	vst.idx.msk $0xffff, v22  }
0x118: {  	v22 =	vld.idx.msk [tilespmem:v14+s21+$0x20 ss:$0x1], $0xffff;
	[tilespmem:v10+s21+$0x1C0 ss:$0x1] =	vst.idx.msk $0xffff, v19  }
0x119: {  	v19 =	vld.idx.msk [tilespmem:v14+s21+$0x30 ss:$0x1], $0xffff;
	[tilespmem:v10+s21+$0x1D0 ss:$0x1] =	vst.idx.msk $0xffff, v23  }
0x11a: {  	v23 =	vld.idx.msk [tilespmem:v14+s21+$0x40 ss:$0x1], $0xffff;
	[tilespmem:v10+s21+$0x1E0 ss:$0x1] =	vst.idx.msk $0xffff, v24  }
0x11b: {  	v24 =	vld.idx.msk [tilespmem:v14+s21+$0x50 ss:$0x1], $0xffff;
	[tilespmem:v10+s21+$0x370 ss:$0x1] =	vst.idx.msk $0xffff, v18  }
0x11c: {  	[tilespmem:v10+s21+$0x200 ss:$0x1] =	vst.idx.msk $0xffff, v20;
	v18 =	vld.idx.msk [tilespmem:v17+s21+$0x70 ss:$0x1], $0xffff  }
0x11d: {  	[tilespmem:v10+s21+$0x210 ss:$0x1] =	vst.idx.msk $0xffff, v21;
	v20 =	vld.idx.msk [tilespmem:v14+s21+$0x60 ss:$0x1], $0xffff  }
0x11e: {  	v21 =	vld.idx.msk [tilespmem:v15+s21+$0x0 ss:$0x1], $0xffff;
	[tilespmem:v10+s21+$0x220 ss:$0x1] =	vst.idx.msk $0xffff, v22  }
0x11f: {  	v22 =	vld.idx.msk [tilespmem:v15+s21+$0x10 ss:$0x1], $0xffff;
	[tilespmem:v10+s21+$0x230 ss:$0x1] =	vst.idx.msk $0xffff, v19  }
0x120: {  	v19 =	vld.idx.msk [tilespmem:v15+s21+$0x20 ss:$0x1], $0xffff;
	[tilespmem:v10+s21+$0x240 ss:$0x1] =	vst.idx.msk $0xffff, v23  }
0x121: {  	v23 =	vld.idx.msk [tilespmem:v15+s21+$0x30 ss:$0x1], $0xffff;
	[tilespmem:v10+s21+$0x250 ss:$0x1] =	vst.idx.msk $0xffff, v24  }
0x122: {  	v24 =	vld.idx.msk [tilespmem:v15+s21+$0x40 ss:$0x1], $0xffff;
	[tilespmem:v10+s21+$0x3F0 ss:$0x1] =	vst.idx.msk $0xffff, v18  }
0x123: {  	v18 =	vld.idx.msk [tilespmem:v15+s21+$0x50 ss:$0x1], $0xffff;
	[tilespmem:v10+s21+$0x260 ss:$0x1] =	vst.idx.msk $0xffff, v20  }
0x124: {  	[tilespmem:v10+s21+$0x280 ss:$0x1] =	vst.idx.msk $0xffff, v21;
	v20 =	vld.idx.msk [tilespmem:v15+s21+$0x60 ss:$0x1], $0xffff  }
0x125: {  	v21 =	vld.idx.msk [tilespmem:v16+s21+$0x0 ss:$0x1], $0xffff;
	[tilespmem:v10+s21+$0x290 ss:$0x1] =	vst.idx.msk $0xffff, v22  }
0x126: {  	v22 =	vld.idx.msk [tilespmem:v16+s21+$0x10 ss:$0x1], $0xffff;
	[tilespmem:v10+s21+$0x2A0 ss:$0x1] =	vst.idx.msk $0xffff, v19  }
0x127: {  	v25 =	vld.idx.msk [tilespmem:v16+s21+$0x20 ss:$0x1], $0xffff;
	[tilespmem:v10+s21+$0x2B0 ss:$0x1] =	vst.idx.msk $0xffff, v23  }
0x128: {  	v23 =	vld.idx.msk [tilespmem:v16+s21+$0x30 ss:$0x1], $0xffff;
	[tilespmem:v10+s21+$0x2C0 ss:$0x1] =	vst.idx.msk $0xffff, v24  }
0x129: {  	v24 =	vld.idx.msk [tilespmem:v16+s21+$0x40 ss:$0x1], $0xffff;
	[tilespmem:v10+s21+$0x2D0 ss:$0x1] =	vst.idx.msk $0xffff, v18  }
0x12a: {  	v26 =	vld.idx.msk [tilespmem:v16+s21+$0x50 ss:$0x1], $0xffff;
	[tilespmem:v10+s21+$0x2E0 ss:$0x1] =	vst.idx.msk $0xffff, v20  }
0x12b: {  	[tilespmem:v10+s21+$0x300 ss:$0x1] =	vst.idx.msk $0xffff, v21;
	v27 =	vld.idx.msk [tilespmem:v16+s21+$0x60 ss:$0x1], $0xffff  }
0x12c: {  	v19 =	vld.idx.msk [tilespmem:v17+s21+$0x0 ss:$0x1], $0xffff;
	[tilespmem:v10+s21+$0x310 ss:$0x1] =	vst.idx.msk $0xffff, v22  }
.Ltmp0:
0x12d: {  	v18 =	vld.idx.msk [tilespmem:v17+s21+$0x10 ss:$0x1], $0xffff;
	[tilespmem:v10+s21+$0x320 ss:$0x1] =	vst.idx.msk $0xffff, v25;
	(pc) =	sbr.rel @p3 .LBB2_4-.Ltmp0, $4  }
0x12e: {  	v20 =	vld.idx.msk [tilespmem:v17+s21+$0x20 ss:$0x1], $0xffff;
	[tilespmem:v10+s21+$0x330 ss:$0x1] =	vst.idx.msk $0xffff, v23  }
0x12f: {  	v21 =	vld.idx.msk [tilespmem:v17+s21+$0x30 ss:$0x1], $0xffff;
	[tilespmem:v10+s21+$0x340 ss:$0x1] =	vst.idx.msk $0xffff, v24  }
0x130: {  	v22 =	vld.idx.msk [tilespmem:v17+s21+$0x40 ss:$0x1], $0xffff;
	[tilespmem:v10+s21+$0x350 ss:$0x1] =	vst.idx.msk $0xffff, v26  }
0x131: {  	s22 =	sadd.s32 $0x8, s22;
	v23 =	vld.idx.msk [tilespmem:v17+s21+$0x50 ss:$0x1], $0xffff;
	[tilespmem:v10+s21+$0x360 ss:$0x1] =	vst.idx.msk $0xffff, v27  }
0x132: {  	_ =	sdelay $0x3  }
0x133: {  	[tilespmem:v10+s21+$0x380 ss:$0x1] =	vst.idx.msk $0xffff, v19;
	s20 =	sadd.s32 $0x1, s20  }
0x134: {  	v0 =	vld.idx.msk [tilespmem:v17+s21+$0x60 ss:$0x1], $0xffff;
	[tilespmem:v10+s21+$0x390 ss:$0x1] =	vst.idx.msk $0xffff, v18;
	p3 =	sne.s32 s20, s16  }
.Ltmp1:
0x135: {  	[tilespmem:v10+s21+$0x3A0 ss:$0x1] =	vst.idx.msk $0xffff, v20;
	(pc) =	sbr.rel @p3 .LBB2_3-.Ltmp1, $4  }
0x136: {  	[tilespmem:v10+s21+$0x3B0 ss:$0x1] =	vst.idx.msk $0xffff, v21  }
0x137: {  	[tilespmem:v10+s21+$0x3C0 ss:$0x1] =	vst.idx.msk $0xffff, v22  }
0x138: {  	[tilespmem:v10+s21+$0x3D0 ss:$0x1] =	vst.idx.msk $0xffff, v23  }
0x139: {  	[tilespmem:v10+s21+$0x3E0 ss:$0x1] =	vst.idx.msk $0xffff, v0  }
0x13a: {  	s20 =	sshll.u32 s17, $0x6  }
0x13b: {  	s20 =	sadd.s32 s4, s20  }
0x13c: {  	s20 =	sshrl.u32 s20, $0x3  }
0x13d: {  	s20 =	smul.u32 $0x500, s20;
	_ =	sdelay $0x1  }
0x13e: {  	s20 =	sadd.s32 s2, s20  }
0x13f: {  	[hbm4b:s20+s3] =	stream.linear.scatter [tilespmem:s10], [sflag:$0x1], $0xA000, $0x38;
	[tilespmem:$0x1BC00] =	vst v63  }
0x140: {  	s20 =	simm.s32 @!p2 $0x2  }
0x141: {  	_ =	swait.ge @!p2 [sflag:s20], $0xA000  }
0x142: {  	s19 =	sor.u32 $0x1, s19;
	[sflag:s20] =	ssyncset.done @!p2 $0x0  }
0x143: {  	[sflag:s20] =	ssyncadd.s32 @!p2 $0xFFFF6000;
	s20 =	sshll.u32 s19, $0x1  }
.LBB2_7:
0x144: {  	s21 =	sshll.u32 s20, $0x4  }
0x145: {  	v14 =	vld [tilespmem:s21+$0x0];
	_ =	sdelay $0x4  }
0x146: {  	(v2sf) =	vpush v14, $0x0;
	_ =	sdelay $0x7  }
0x147: {  	(v2sf) =	vpush v14, $0x1;
	_ =	sdelay $0x6  }
0x148: {  	s23 =	spop (v2sf)  }
0x149: {  	(v2sf) =	vpush v14, $0x2;
	s22 =	sshrl.u32 s23, $0x3  }
0x14a: {  	s22 =	smul.u32 $0xA000, s22  }
0x14b: {  	s21 =	sshll.u32 s23, $0x7  }
0x14c: {  	s21 =	sand.u32 $0x380, s21;
	s22 =	sshra.s32 s22, $0x2  }
0x14d: {  	s21 =	sor.u32 s21, s22  }
0x14e: {  	s24 =	sshll.u32 s20, $0x1;
	s21 =	sor.u32 $0x400, s21  }
0x14f: {  	s22 =	sand.u32 $0x2, s24;
	v0 =	vmov s21  }
0x150: {  	s23 =	spop (v2sf);
	s25 =	smul.u32 $0xA000, s22  }
0x151: {  	(v2sf) =	vpush v14, $0x3;
	s26 =	sshrl.u32 s23, $0x3  }
0x152: {  	s24 =	smul.u32 $0xA000, s26;
	s22 =	sshrl.u32 s25, $0x2  }
0x153: {  	s28 =	sshll.u32 s23, $0x7;
	s21 =	simm.s32 $0x0;
	s25 =	sadd.s32 $0x11C00, s22  }
0x154: {  	s23 =	sand.u32 $0x380, s28;
	s24 =	sshra.s32 s24, $0x2;
	v1 =	vmov s25;
	v3 =	vld.idx.msk [tilespmem:v0+s21+$0x70 ss:$0x1], $0xffff  }
0x155: {  	s23 =	sor.u32 s23, s24;
	v4 =	vld.idx.msk [tilespmem:v0+s21+$0x0 ss:$0x1], $0xffff  }
0x156: {  	s23 =	sor.u32 $0x400, s23;
	v5 =	vld.idx.msk [tilespmem:v0+s21+$0x10 ss:$0x1], $0xffff  }
0x157: {  	v2 =	vmov s23;
	v6 =	vld.idx.msk [tilespmem:v0+s21+$0x20 ss:$0x1], $0xffff  }
0x158: {  	s29 =	spop (v2sf);
	v7 =	vld.idx.msk [tilespmem:v0+s21+$0x30 ss:$0x1], $0xffff  }
0x159: {  	(v2sf) =	vpush v14, $0x4;
	s30 =	sshrl.u32 s29, $0x3;
	v8 =	vld.idx.msk [tilespmem:v0+s21+$0x40 ss:$0x1], $0xffff;
	[tilespmem:v1+s21+$0x70 ss:$0x1] =	vst.idx.msk $0xffff, v3  }
0x15a: {  	s23 =	smul.u32 $0xA000, s30;
	v9 =	vld.idx.msk [tilespmem:v0+s21+$0x50 ss:$0x1], $0xffff;
	[tilespmem:v1+s21+$0x0 ss:$0x1] =	vst.idx.msk $0xffff, v4  }
0x15b: {  	s24 =	sshll.u32 s29, $0x7;
	[tilespmem:v1+s21+$0x10 ss:$0x1] =	vst.idx.msk $0xffff, v5;
	v5 =	vld.idx.msk [tilespmem:v0+s21+$0x60 ss:$0x1], $0xffff  }
0x15c: {  	s24 =	sand.u32 $0x380, s24;
	s23 =	sshra.s32 s23, $0x2;
	[tilespmem:v1+s21+$0x20 ss:$0x1] =	vst.idx.msk $0xffff, v6;
	v4 =	vld.idx.msk [tilespmem:v2+s21+$0x70 ss:$0x1], $0xffff  }
0x15d: {  	s23 =	sor.u32 s24, s23;
	[tilespmem:v1+s21+$0x30 ss:$0x1] =	vst.idx.msk $0xffff, v7;
	v10 =	vld.idx.msk [tilespmem:v2+s21+$0x0 ss:$0x1], $0xffff  }
0x15e: {  	s23 =	sor.u32 $0x400, s23;
	[tilespmem:v1+s21+$0x40 ss:$0x1] =	vst.idx.msk $0xffff, v8;
	v6 =	vld.idx.msk [tilespmem:v2+s21+$0x10 ss:$0x1], $0xffff  }
0x15f: {  	v3 =	vmov s23;
	[tilespmem:v1+s21+$0x50 ss:$0x1] =	vst.idx.msk $0xffff, v9;
	v7 =	vld.idx.msk [tilespmem:v2+s21+$0x20 ss:$0x1], $0xffff  }
0x160: {  	s31 =	spop (v2sf);
	v8 =	vld.idx.msk [tilespmem:v2+s21+$0x30 ss:$0x1], $0xffff;
	[tilespmem:v1+s21+$0x60 ss:$0x1] =	vst.idx.msk $0xffff, v5  }
0x161: {  	(v2sf) =	vpush v14, $0x5;
	s25 =	sshrl.u32 s31, $0x3;
	v9 =	vld.idx.msk [tilespmem:v2+s21+$0x40 ss:$0x1], $0xffff;
	[tilespmem:v1+s21+$0xF0 ss:$0x1] =	vst.idx.msk $0xffff, v4  }
0x162: {  	s23 =	smul.u32 $0xA000, s25;
	[tilespmem:v1+s21+$0x80 ss:$0x1] =	vst.idx.msk $0xffff, v10;
	v10 =	vld.idx.msk [tilespmem:v2+s21+$0x50 ss:$0x1], $0xffff  }
0x163: {  	s24 =	sshll.u32 s31, $0x7;
	[tilespmem:v1+s21+$0x90 ss:$0x1] =	vst.idx.msk $0xffff, v6;
	v6 =	vld.idx.msk [tilespmem:v2+s21+$0x60 ss:$0x1], $0xffff  }
0x164: {  	s24 =	sand.u32 $0x380, s24;
	s23 =	sshra.s32 s23, $0x2;
	[tilespmem:v1+s21+$0xA0 ss:$0x1] =	vst.idx.msk $0xffff, v7;
	v5 =	vld.idx.msk [tilespmem:v3+s21+$0x70 ss:$0x1], $0xffff  }
0x165: {  	s23 =	sor.u32 s24, s23;
	[tilespmem:v1+s21+$0xB0 ss:$0x1] =	vst.idx.msk $0xffff, v8;
	v11 =	vld.idx.msk [tilespmem:v3+s21+$0x0 ss:$0x1], $0xffff  }
0x166: {  	s23 =	sor.u32 $0x400, s23;
	[tilespmem:v1+s21+$0xC0 ss:$0x1] =	vst.idx.msk $0xffff, v9;
	v7 =	vld.idx.msk [tilespmem:v3+s21+$0x10 ss:$0x1], $0xffff  }
0x167: {  	v4 =	vmov s23;
	v8 =	vld.idx.msk [tilespmem:v3+s21+$0x20 ss:$0x1], $0xffff;
	[tilespmem:v1+s21+$0xD0 ss:$0x1] =	vst.idx.msk $0xffff, v10  }
0x168: {  	s26 =	spop (v2sf);
	v9 =	vld.idx.msk [tilespmem:v3+s21+$0x30 ss:$0x1], $0xffff;
	[tilespmem:v1+s21+$0xE0 ss:$0x1] =	vst.idx.msk $0xffff, v6  }
0x169: {  	(v2sf) =	vpush v14, $0x6;
	s28 =	sshrl.u32 s26, $0x3;
	v12 =	vld.idx.msk [tilespmem:v3+s21+$0x40 ss:$0x1], $0xffff;
	[tilespmem:v1+s21+$0x170 ss:$0x1] =	vst.idx.msk $0xffff, v5  }
0x16a: {  	s23 =	smul.u32 $0xA000, s28;
	[tilespmem:v1+s21+$0x100 ss:$0x1] =	vst.idx.msk $0xffff, v11;
	v6 =	vld.idx.msk [tilespmem:v3+s21+$0x50 ss:$0x1], $0xffff  }
0x16b: {  	s24 =	sshll.u32 s26, $0x7;
	[tilespmem:v1+s21+$0x110 ss:$0x1] =	vst.idx.msk $0xffff, v7;
	v7 =	vld.idx.msk [tilespmem:v3+s21+$0x60 ss:$0x1], $0xffff  }
0x16c: {  	s24 =	sand.u32 $0x380, s24;
	s23 =	sshra.s32 s23, $0x2;
	[tilespmem:v1+s21+$0x120 ss:$0x1] =	vst.idx.msk $0xffff, v8;
	v10 =	vld.idx.msk [tilespmem:v4+s21+$0x70 ss:$0x1], $0xffff  }
0x16d: {  	s23 =	sor.u32 s24, s23;
	[tilespmem:v1+s21+$0x130 ss:$0x1] =	vst.idx.msk $0xffff, v9;
	v11 =	vld.idx.msk [tilespmem:v4+s21+$0x0 ss:$0x1], $0xffff  }
0x16e: {  	s23 =	sor.u32 $0x400, s23;
	[tilespmem:v1+s21+$0x140 ss:$0x1] =	vst.idx.msk $0xffff, v12;
	v8 =	vld.idx.msk [tilespmem:v4+s21+$0x10 ss:$0x1], $0xffff  }
0x16f: {  	v5 =	vmov s23;
	v9 =	vld.idx.msk [tilespmem:v4+s21+$0x20 ss:$0x1], $0xffff;
	[tilespmem:v1+s21+$0x150 ss:$0x1] =	vst.idx.msk $0xffff, v6  }
0x170: {  	s29 =	spop (v2sf);
	v12 =	vld.idx.msk [tilespmem:v4+s21+$0x30 ss:$0x1], $0xffff;
	[tilespmem:v1+s21+$0x160 ss:$0x1] =	vst.idx.msk $0xffff, v7  }
0x171: {  	(v2sf) =	vpush v14, $0x7;
	s30 =	sshrl.u32 s29, $0x3;
	v13 =	vld.idx.msk [tilespmem:v4+s21+$0x40 ss:$0x1], $0xffff;
	[tilespmem:v1+s21+$0x1F0 ss:$0x1] =	vst.idx.msk $0xffff, v10  }
0x172: {  	s23 =	smul.u32 $0xA000, s30;
	[tilespmem:v1+s21+$0x180 ss:$0x1] =	vst.idx.msk $0xffff, v11;
	v11 =	vld.idx.msk [tilespmem:v4+s21+$0x50 ss:$0x1], $0xffff  }
0x173: {  	s24 =	sshll.u32 s29, $0x7;
	[tilespmem:v1+s21+$0x190 ss:$0x1] =	vst.idx.msk $0xffff, v8;
	v8 =	vld.idx.msk [tilespmem:v4+s21+$0x60 ss:$0x1], $0xffff  }
0x174: {  	s24 =	sand.u32 $0x380, s24;
	s23 =	sshra.s32 s23, $0x2;
	[tilespmem:v1+s21+$0x1A0 ss:$0x1] =	vst.idx.msk $0xffff, v9;
	v10 =	vld.idx.msk [tilespmem:v5+s21+$0x70 ss:$0x1], $0xffff  }
0x175: {  	s23 =	sor.u32 s24, s23;
	[tilespmem:v1+s21+$0x1B0 ss:$0x1] =	vst.idx.msk $0xffff, v12;
	v15 =	vld.idx.msk [tilespmem:v5+s21+$0x0 ss:$0x1], $0xffff  }
0x176: {  	s23 =	sor.u32 $0x400, s23;
	[tilespmem:v1+s21+$0x1C0 ss:$0x1] =	vst.idx.msk $0xffff, v13;
	v9 =	vld.idx.msk [tilespmem:v5+s21+$0x10 ss:$0x1], $0xffff  }
0x177: {  	v6 =	vmov s23;
	v12 =	vld.idx.msk [tilespmem:v5+s21+$0x20 ss:$0x1], $0xffff;
	[tilespmem:v1+s21+$0x1D0 ss:$0x1] =	vst.idx.msk $0xffff, v11  }
0x178: {  	s31 =	spop (v2sf);
	v13 =	vld.idx.msk [tilespmem:v5+s21+$0x30 ss:$0x1], $0xffff;
	[tilespmem:v1+s21+$0x1E0 ss:$0x1] =	vst.idx.msk $0xffff, v8  }
0x179: {  	(v2sf) =	vpush v14, $0x8;
	s25 =	sshrl.u32 s31, $0x3;
	v11 =	vld.idx.msk [tilespmem:v5+s21+$0x40 ss:$0x1], $0xffff;
	[tilespmem:v1+s21+$0x270 ss:$0x1] =	vst.idx.msk $0xffff, v10  }
0x17a: {  	s23 =	smul.u32 $0xA000, s25;
	[tilespmem:v1+s21+$0x200 ss:$0x1] =	vst.idx.msk $0xffff, v15;
	v15 =	vld.idx.msk [tilespmem:v5+s21+$0x50 ss:$0x1], $0xffff  }
0x17b: {  	s24 =	sshll.u32 s31, $0x7;
	[tilespmem:v1+s21+$0x210 ss:$0x1] =	vst.idx.msk $0xffff, v9;
	v9 =	vld.idx.msk [tilespmem:v5+s21+$0x60 ss:$0x1], $0xffff  }
0x17c: {  	s24 =	sand.u32 $0x380, s24;
	s23 =	sshra.s32 s23, $0x2;
	[tilespmem:v1+s21+$0x220 ss:$0x1] =	vst.idx.msk $0xffff, v12;
	v10 =	vld.idx.msk [tilespmem:v6+s21+$0x70 ss:$0x1], $0xffff  }
0x17d: {  	s23 =	sor.u32 s24, s23;
	[tilespmem:v1+s21+$0x230 ss:$0x1] =	vst.idx.msk $0xffff, v13;
	v16 =	vld.idx.msk [tilespmem:v6+s21+$0x0 ss:$0x1], $0xffff  }
0x17e: {  	s23 =	sor.u32 $0x400, s23;
	v12 =	vld.idx.msk [tilespmem:v6+s21+$0x10 ss:$0x1], $0xffff;
	[tilespmem:v1+s21+$0x240 ss:$0x1] =	vst.idx.msk $0xffff, v11  }
0x17f: {  	v7 =	vmov s23;
	v13 =	vld.idx.msk [tilespmem:v6+s21+$0x20 ss:$0x1], $0xffff;
	[tilespmem:v1+s21+$0x250 ss:$0x1] =	vst.idx.msk $0xffff, v15  }
0x180: {  	(v2sf) =	vpush v14, $0x9;
	s26 =	spop (v2sf);
	v11 =	vld.idx.msk [tilespmem:v6+s21+$0x30 ss:$0x1], $0xffff;
	[tilespmem:v1+s21+$0x260 ss:$0x1] =	vst.idx.msk $0xffff, v9  }
0x181: {  	s28 =	sshrl.u32 s26, $0x3;
	v15 =	vld.idx.msk [tilespmem:v6+s21+$0x40 ss:$0x1], $0xffff;
	[tilespmem:v1+s21+$0x2F0 ss:$0x1] =	vst.idx.msk $0xffff, v10  }
0x182: {  	s23 =	smul.u32 $0xA000, s28;
	[tilespmem:v1+s21+$0x280 ss:$0x1] =	vst.idx.msk $0xffff, v16;
	v16 =	vld.idx.msk [tilespmem:v6+s21+$0x50 ss:$0x1], $0xffff  }
0x183: {  	s24 =	sshll.u32 s26, $0x7;
	v17 =	vld.idx.msk [tilespmem:v6+s21+$0x60 ss:$0x1], $0xffff;
	[tilespmem:v1+s21+$0x290 ss:$0x1] =	vst.idx.msk $0xffff, v12  }
0x184: {  	s24 =	sand.u32 $0x380, s24;
	s23 =	sshra.s32 s23, $0x2;
	[tilespmem:v1+s21+$0x2A0 ss:$0x1] =	vst.idx.msk $0xffff, v13;
	v10 =	vld.idx.msk [tilespmem:v7+s21+$0x70 ss:$0x1], $0xffff  }
0x185: {  	s23 =	sor.u32 s24, s23;
	v12 =	vld.idx.msk [tilespmem:v7+s21+$0x0 ss:$0x1], $0xffff;
	[tilespmem:v1+s21+$0x2B0 ss:$0x1] =	vst.idx.msk $0xffff, v11  }
0x186: {  	s23 =	sor.u32 $0x400, s23;
	v13 =	vld.idx.msk [tilespmem:v7+s21+$0x10 ss:$0x1], $0xffff;
	[tilespmem:v1+s21+$0x2C0 ss:$0x1] =	vst.idx.msk $0xffff, v15  }
0x187: {  	v8 =	vmov s23;
	v18 =	vld.idx.msk [tilespmem:v7+s21+$0x20 ss:$0x1], $0xffff;
	[tilespmem:v1+s21+$0x2D0 ss:$0x1] =	vst.idx.msk $0xffff, v16  }
0x188: {  	(v2sf) =	vpush v14, $0xA;
	s29 =	spop (v2sf);
	v15 =	vld.idx.msk [tilespmem:v7+s21+$0x30 ss:$0x1], $0xffff;
	[tilespmem:v1+s21+$0x2E0 ss:$0x1] =	vst.idx.msk $0xffff, v17  }
0x189: {  	s30 =	sshrl.u32 s29, $0x3;
	v16 =	vld.idx.msk [tilespmem:v7+s21+$0x40 ss:$0x1], $0xffff;
	[tilespmem:v1+s21+$0x370 ss:$0x1] =	vst.idx.msk $0xffff, v10  }
0x18a: {  	s23 =	smul.u32 $0xA000, s30;
	v17 =	vld.idx.msk [tilespmem:v7+s21+$0x50 ss:$0x1], $0xffff;
	[tilespmem:v1+s21+$0x300 ss:$0x1] =	vst.idx.msk $0xffff, v12  }
0x18b: {  	s24 =	sshll.u32 s29, $0x7;
	[tilespmem:v1+s21+$0x310 ss:$0x1] =	vst.idx.msk $0xffff, v13;
	v13 =	vld.idx.msk [tilespmem:v7+s21+$0x60 ss:$0x1], $0xffff  }
0x18c: {  	s24 =	sand.u32 $0x380, s24;
	s23 =	sshra.s32 s23, $0x2;
	[tilespmem:v1+s21+$0x320 ss:$0x1] =	vst.idx.msk $0xffff, v18;
	v10 =	vld.idx.msk [tilespmem:v8+s21+$0x70 ss:$0x1], $0xffff  }
0x18d: {  	s23 =	sor.u32 s24, s23;
	v19 =	vld.idx.msk [tilespmem:v8+s21+$0x0 ss:$0x1], $0xffff;
	[tilespmem:v1+s21+$0x330 ss:$0x1] =	vst.idx.msk $0xffff, v15  }
0x18e: {  	(v2sf) =	vpush v14, $0xB;
	s23 =	sor.u32 $0x400, s23;
	v18 =	vld.idx.msk [tilespmem:v8+s21+$0x10 ss:$0x1], $0xffff;
	[tilespmem:v1+s21+$0x340 ss:$0x1] =	vst.idx.msk $0xffff, v16  }
0x18f: {  	s31 =	spop (v2sf);
	v9 =	vmov s23;
	v15 =	vld.idx.msk [tilespmem:v8+s21+$0x20 ss:$0x1], $0xffff;
	[tilespmem:v1+s21+$0x350 ss:$0x1] =	vst.idx.msk $0xffff, v17  }
0x190: {  	s25 =	sshrl.u32 s31, $0x3;
	v16 =	vld.idx.msk [tilespmem:v8+s21+$0x30 ss:$0x1], $0xffff;
	[tilespmem:v1+s21+$0x360 ss:$0x1] =	vst.idx.msk $0xffff, v13  }
0x191: {  	s23 =	smul.u32 $0xA000, s25;
	v17 =	vld.idx.msk [tilespmem:v8+s21+$0x40 ss:$0x1], $0xffff;
	[tilespmem:v1+s21+$0x3F0 ss:$0x1] =	vst.idx.msk $0xffff, v10  }
0x192: {  	s24 =	sshll.u32 s31, $0x7;
	[tilespmem:v1+s21+$0x380 ss:$0x1] =	vst.idx.msk $0xffff, v19;
	v19 =	vld.idx.msk [tilespmem:v8+s21+$0x50 ss:$0x1], $0xffff  }
0x193: {  	s24 =	sand.u32 $0x380, s24;
	s23 =	sshra.s32 s23, $0x2;
	[tilespmem:v1+s21+$0x390 ss:$0x1] =	vst.idx.msk $0xffff, v18;
	v18 =	vld.idx.msk [tilespmem:v8+s21+$0x60 ss:$0x1], $0xffff  }
0x194: {  	s22 =	sadd.s32 $0x14400, s22;
	(v2sf) =	vpush v14, $0xC;
	s23 =	sor.u32 s24, s23;
	v12 =	vld.idx.msk [tilespmem:v9+s21+$0x70 ss:$0x1], $0xffff  }
0x195: {  	s23 =	sor.u32 $0x400, s23;
	v10 =	vmov s22;
	v20 =	vld.idx.msk [tilespmem:v9+s21+$0x0 ss:$0x1], $0xffff;
	[tilespmem:v1+s21+$0x3A0 ss:$0x1] =	vst.idx.msk $0xffff, v15  }
0x196: {  	v11 =	vmov s23;
	v15 =	vld.idx.msk [tilespmem:v9+s21+$0x10 ss:$0x1], $0xffff;
	[tilespmem:v1+s21+$0x3B0 ss:$0x1] =	vst.idx.msk $0xffff, v16  }
0x197: {  	s26 =	spop (v2sf);
	v16 =	vld.idx.msk [tilespmem:v9+s21+$0x20 ss:$0x1], $0xffff;
	[tilespmem:v1+s21+$0x3C0 ss:$0x1] =	vst.idx.msk $0xffff, v17  }
0x198: {  	s28 =	sshrl.u32 s26, $0x3;
	v17 =	vld.idx.msk [tilespmem:v9+s21+$0x30 ss:$0x1], $0xffff;
	[tilespmem:v1+s21+$0x3D0 ss:$0x1] =	vst.idx.msk $0xffff, v19  }
0x199: {  	s23 =	smul.u32 $0xA000, s28;
	v21 =	vld.idx.msk [tilespmem:v9+s21+$0x40 ss:$0x1], $0xffff;
	[tilespmem:v1+s21+$0x3E0 ss:$0x1] =	vst.idx.msk $0xffff, v18  }
0x19a: {  	(v2sf) =	vpush v14, $0xD;
	s22 =	sshll.u32 s26, $0x7;
	[tilespmem:v10+s21+$0x70 ss:$0x1] =	vst.idx.msk $0xffff, v12;
	v18 =	vld.idx.msk [tilespmem:v9+s21+$0x50 ss:$0x1], $0xffff  }
0x19b: {  	s23 =	sshra.s32 s23, $0x2;
	s22 =	sand.u32 $0x380, s22;
	[tilespmem:v10+s21+$0x0 ss:$0x1] =	vst.idx.msk $0xffff, v20;
	v13 =	vld.idx.msk [tilespmem:v11+s21+$0x70 ss:$0x1], $0xffff  }
0x19c: {  	s22 =	sor.u32 s22, s23;
	[tilespmem:v10+s21+$0x10 ss:$0x1] =	vst.idx.msk $0xffff, v15;
	v15 =	vld.idx.msk [tilespmem:v9+s21+$0x60 ss:$0x1], $0xffff  }
0x19d: {  	s29 =	spop (v2sf);
	s22 =	sor.u32 $0x400, s22;
	v20 =	vld.idx.msk [tilespmem:v11+s21+$0x0 ss:$0x1], $0xffff;
	[tilespmem:v10+s21+$0x20 ss:$0x1] =	vst.idx.msk $0xffff, v16  }
0x19e: {  	s30 =	sshrl.u32 s29, $0x3;
	v12 =	vmov s22;
	v16 =	vld.idx.msk [tilespmem:v11+s21+$0x10 ss:$0x1], $0xffff;
	[tilespmem:v10+s21+$0x30 ss:$0x1] =	vst.idx.msk $0xffff, v17  }
0x19f: {  	s22 =	smul.u32 $0xA000, s30;
	v17 =	vld.idx.msk [tilespmem:v11+s21+$0x20 ss:$0x1], $0xffff;
	[tilespmem:v10+s21+$0x40 ss:$0x1] =	vst.idx.msk $0xffff, v21  }
0x1a0: {  	(v2sf) =	vpush v14, $0xE;
	s23 =	sshll.u32 s29, $0x7;
	v21 =	vld.idx.msk [tilespmem:v11+s21+$0x30 ss:$0x1], $0xffff;
	[tilespmem:v10+s21+$0x50 ss:$0x1] =	vst.idx.msk $0xffff, v18  }
0x1a1: {  	s23 =	sand.u32 $0x380, s23;
	s22 =	sshra.s32 s22, $0x2;
	v18 =	vld.idx.msk [tilespmem:v11+s21+$0x40 ss:$0x1], $0xffff;
	[tilespmem:v10+s21+$0xF0 ss:$0x1] =	vst.idx.msk $0xffff, v13  }
0x1a2: {  	s22 =	sor.u32 s23, s22;
	[tilespmem:v10+s21+$0x80 ss:$0x1] =	vst.idx.msk $0xffff, v20;
	v20 =	vld.idx.msk [tilespmem:v11+s21+$0x50 ss:$0x1], $0xffff  }
0x1a3: {  	s31 =	spop (v2sf);
	s22 =	sor.u32 $0x400, s22;
	[tilespmem:v10+s21+$0x60 ss:$0x1] =	vst.idx.msk $0xffff, v15;
	v19 =	vld.idx.msk [tilespmem:v12+s21+$0x70 ss:$0x1], $0xffff  }
0x1a4: {  	s24 =	sshrl.u32 s31, $0x3;
	v13 =	vmov s22;
	[tilespmem:v10+s21+$0x90 ss:$0x1] =	vst.idx.msk $0xffff, v16;
	v16 =	vld.idx.msk [tilespmem:v11+s21+$0x60 ss:$0x1], $0xffff  }
0x1a5: {  	s22 =	smul.u32 $0xA000, s24;
	v22 =	vld.idx.msk [tilespmem:v12+s21+$0x0 ss:$0x1], $0xffff;
	[tilespmem:v10+s21+$0xA0 ss:$0x1] =	vst.idx.msk $0xffff, v17  }
0x1a6: {  	(v2sf) =	vpush v14, $0xF;
	s23 =	sshll.u32 s31, $0x7;
	v17 =	vld.idx.msk [tilespmem:v12+s21+$0x10 ss:$0x1], $0xffff;
	[tilespmem:v10+s21+$0xB0 ss:$0x1] =	vst.idx.msk $0xffff, v21  }
0x1a7: {  	s23 =	sand.u32 $0x380, s23;
	s22 =	sshra.s32 s22, $0x2;
	v21 =	vld.idx.msk [tilespmem:v12+s21+$0x20 ss:$0x1], $0xffff;
	[tilespmem:v10+s21+$0xC0 ss:$0x1] =	vst.idx.msk $0xffff, v18  }
0x1a8: {  	s22 =	sor.u32 s23, s22;
	v18 =	vld.idx.msk [tilespmem:v12+s21+$0x30 ss:$0x1], $0xffff;
	[tilespmem:v10+s21+$0x170 ss:$0x1] =	vst.idx.msk $0xffff, v19  }
0x1a9: {  	s25 =	spop (v2sf);
	s22 =	sor.u32 $0x400, s22;
	[tilespmem:v10+s21+$0xD0 ss:$0x1] =	vst.idx.msk $0xffff, v20;
	v19 =	vld.idx.msk [tilespmem:v13+s21+$0x70 ss:$0x1], $0xffff  }
0x1aa: {  	s26 =	sshrl.u32 s25, $0x3;
	v14 =	vmov s22;
	v20 =	vld.idx.msk [tilespmem:v12+s21+$0x40 ss:$0x1], $0xffff;
	[tilespmem:v10+s21+$0xE0 ss:$0x1] =	vst.idx.msk $0xffff, v16  }
0x1ab: {  	s22 =	smul.u32 $0xA000, s26;
	[tilespmem:v10+s21+$0x100 ss:$0x1] =	vst.idx.msk $0xffff, v22;
	v22 =	vld.idx.msk [tilespmem:v12+s21+$0x50 ss:$0x1], $0xffff  }
0x1ac: {  	s23 =	sshll.u32 s25, $0x7;
	[tilespmem:v10+s21+$0x110 ss:$0x1] =	vst.idx.msk $0xffff, v17;
	v17 =	vld.idx.msk [tilespmem:v12+s21+$0x60 ss:$0x1], $0xffff  }
0x1ad: {  	s23 =	sand.u32 $0x380, s23;
	s22 =	sshra.s32 s22, $0x2;
	v23 =	vld.idx.msk [tilespmem:v13+s21+$0x0 ss:$0x1], $0xffff;
	[tilespmem:v10+s21+$0x120 ss:$0x1] =	vst.idx.msk $0xffff, v21  }
0x1ae: {  	s22 =	sor.u32 s23, s22;
	v21 =	vld.idx.msk [tilespmem:v13+s21+$0x10 ss:$0x1], $0xffff;
	[tilespmem:v10+s21+$0x1F0 ss:$0x1] =	vst.idx.msk $0xffff, v19  }
0x1af: {  	s28 =	spop (v2sf);
	s22 =	sor.u32 $0x400, s22;
	[tilespmem:v10+s21+$0x130 ss:$0x1] =	vst.idx.msk $0xffff, v18;
	v19 =	vld.idx.msk [tilespmem:v14+s21+$0x70 ss:$0x1], $0xffff  }
0x1b0: {  	s29 =	sshrl.u32 s28, $0x3;
	v18 =	vld.idx.msk [tilespmem:v13+s21+$0x20 ss:$0x1], $0xffff;
	v15 =	vmov s22;
	[tilespmem:v10+s21+$0x140 ss:$0x1] =	vst.idx.msk $0xffff, v20  }
0x1b1: {  	s22 =	smul.u32 $0xA000, s29;
	v20 =	vld.idx.msk [tilespmem:v13+s21+$0x30 ss:$0x1], $0xffff;
	[tilespmem:v10+s21+$0x150 ss:$0x1] =	vst.idx.msk $0xffff, v22  }
0x1b2: {  	s23 =	sshll.u32 s28, $0x7;
	v22 =	vld.idx.msk [tilespmem:v13+s21+$0x40 ss:$0x1], $0xffff;
	[tilespmem:v10+s21+$0x160 ss:$0x1] =	vst.idx.msk $0xffff, v17  }
0x1b3: {  	s23 =	sand.u32 $0x380, s23;
	s22 =	sshra.s32 s22, $0x2;
	[tilespmem:v10+s21+$0x180 ss:$0x1] =	vst.idx.msk $0xffff, v23;
	v23 =	vld.idx.msk [tilespmem:v13+s21+$0x50 ss:$0x1], $0xffff  }
0x1b4: {  	s22 =	sor.u32 s23, s22;
	v24 =	vld.idx.msk [tilespmem:v13+s21+$0x60 ss:$0x1], $0xffff;
	[tilespmem:v10+s21+$0x270 ss:$0x1] =	vst.idx.msk $0xffff, v19  }
0x1b5: {  	s30 =	spop (v2sf);
	[tilespmem:v10+s21+$0x190 ss:$0x1] =	vst.idx.msk $0xffff, v21;
	s22 =	sor.u32 $0x400, s22;
	v19 =	vld.idx.msk [tilespmem:v15+s21+$0x70 ss:$0x1], $0xffff  }
0x1b6: {  	s31 =	sshrl.u32 s30, $0x3;
	v21 =	vld.idx.msk [tilespmem:v14+s21+$0x0 ss:$0x1], $0xffff;
	[tilespmem:v10+s21+$0x1A0 ss:$0x1] =	vst.idx.msk $0xffff, v18;
	v16 =	vmov s22  }
0x1b7: {  	v18 =	vld.idx.msk [tilespmem:v14+s21+$0x10 ss:$0x1], $0xffff;
	s22 =	smul.u32 $0xA000, s31;
	[tilespmem:v10+s21+$0x1B0 ss:$0x1] =	vst.idx.msk $0xffff, v20  }
0x1b8: {  	s23 =	sshll.u32 s30, $0x7;
	v20 =	vld.idx.msk [tilespmem:v14+s21+$0x20 ss:$0x1], $0xffff;
	[tilespmem:v10+s21+$0x1C0 ss:$0x1] =	vst.idx.msk $0xffff, v22  }
0x1b9: {  	s23 =	sand.u32 $0x380, s23;
	v22 =	vld.idx.msk [tilespmem:v14+s21+$0x30 ss:$0x1], $0xffff;
	s22 =	sshra.s32 s22, $0x2;
	[tilespmem:v10+s21+$0x1D0 ss:$0x1] =	vst.idx.msk $0xffff, v23  }
0x1ba: {  	v23 =	vld.idx.msk [tilespmem:v14+s21+$0x40 ss:$0x1], $0xffff;
	s22 =	sor.u32 s23, s22;
	[tilespmem:v10+s21+$0x2F0 ss:$0x1] =	vst.idx.msk $0xffff, v19  }
0x1bb: {  	[tilespmem:v10+s21+$0x1E0 ss:$0x1] =	vst.idx.msk $0xffff, v24;
	s22 =	sor.u32 $0x400, s22;
	v19 =	vld.idx.msk [tilespmem:v16+s21+$0x70 ss:$0x1], $0xffff  }
0x1bc: {  	v62 =	vld.idx.msk [tilespmem:v14+s21+$0x50 ss:$0x1], $0xffff;
	[tilespmem:v10+s21+$0x200 ss:$0x1] =	vst.idx.msk $0xffff, v21;
	v17 =	vmov s22  }
0x1bd: {  	[tilespmem:v10+s21+$0x210 ss:$0x1] =	vst.idx.msk $0xffff, v18;
	v18 =	vld.idx.msk [tilespmem:v14+s21+$0x60 ss:$0x1], $0xffff  }
0x1be: {  	v21 =	vld.idx.msk [tilespmem:v15+s21+$0x0 ss:$0x1], $0xffff;
	[tilespmem:v10+s21+$0x220 ss:$0x1] =	vst.idx.msk $0xffff, v20  }
0x1bf: {  	v20 =	vld.idx.msk [tilespmem:v15+s21+$0x10 ss:$0x1], $0xffff;
	[tilespmem:v10+s21+$0x230 ss:$0x1] =	vst.idx.msk $0xffff, v22  }
0x1c0: {  	v22 =	vld.idx.msk [tilespmem:v15+s21+$0x20 ss:$0x1], $0xffff;
	[tilespmem:v10+s21+$0x370 ss:$0x1] =	vst.idx.msk $0xffff, v19  }
0x1c1: {  	[tilespmem:v10+s21+$0x240 ss:$0x1] =	vst.idx.msk $0xffff, v23;
	v19 =	vld.idx.msk [tilespmem:v17+s21+$0x70 ss:$0x1], $0xffff  }
0x1c2: {  	v23 =	vld.idx.msk [tilespmem:v15+s21+$0x30 ss:$0x1], $0xffff;
	[tilespmem:v10+s21+$0x250 ss:$0x1] =	vst.idx.msk $0xffff, v62  }
0x1c3: {  	v63 =	vld.idx.msk [tilespmem:v15+s21+$0x40 ss:$0x1], $0xffff;
	[tilespmem:v10+s21+$0x260 ss:$0x1] =	vst.idx.msk $0xffff, v18  }
0x1c4: {  	[tilespmem:v10+s21+$0x280 ss:$0x1] =	vst.idx.msk $0xffff, v21;
	v18 =	vld.idx.msk [tilespmem:v15+s21+$0x60 ss:$0x1], $0xffff  }
0x1c5: {  	v21 =	vld.idx.msk [tilespmem:v16+s21+$0x0 ss:$0x1], $0xffff;
	[tilespmem:v10+s21+$0x290 ss:$0x1] =	vst.idx.msk $0xffff, v20  }
0x1c6: {  	[tilespmem:v10+s21+$0x3F0 ss:$0x1] =	vst.idx.msk $0xffff, v19;
	v19 =	vld.idx.msk [tilespmem:v15+s21+$0x50 ss:$0x1], $0xffff  }
0x1c7: {  	v20 =	vld.idx.msk [tilespmem:v16+s21+$0x10 ss:$0x1], $0xffff;
	[tilespmem:v10+s21+$0x2A0 ss:$0x1] =	vst.idx.msk $0xffff, v22  }
0x1c8: {  	v22 =	vld.idx.msk [tilespmem:v16+s21+$0x20 ss:$0x1], $0xffff;
	[tilespmem:v10+s21+$0x2B0 ss:$0x1] =	vst.idx.msk $0xffff, v23  }
0x1c9: {  	v23 =	vld.idx.msk [tilespmem:v16+s21+$0x30 ss:$0x1], $0xffff;
	[tilespmem:v10+s21+$0x2C0 ss:$0x1] =	vst.idx.msk $0xffff, v63  }
0x1ca: {  	v24 =	vld.idx.msk [tilespmem:v16+s21+$0x40 ss:$0x1], $0xffff;
	[tilespmem:v10+s21+$0x2E0 ss:$0x1] =	vst.idx.msk $0xffff, v18  }
0x1cb: {  	v26 =	vld.idx.msk [tilespmem:v16+s21+$0x60 ss:$0x1], $0xffff;
	[tilespmem:v10+s21+$0x2D0 ss:$0x1] =	vst.idx.msk $0xffff, v19  }
0x1cc: {  	[tilespmem:v10+s21+$0x310 ss:$0x1] =	vst.idx.msk $0xffff, v20;
	v25 =	vld.idx.msk [tilespmem:v16+s21+$0x50 ss:$0x1], $0xffff  }
0x1cd: {  	[tilespmem:v10+s21+$0x300 ss:$0x1] =	vst.idx.msk $0xffff, v21;
	v18 =	vld.idx.msk [tilespmem:v17+s21+$0x10 ss:$0x1], $0xffff  }
0x1ce: {  	[tilespmem:v10+s21+$0x320 ss:$0x1] =	vst.idx.msk $0xffff, v22;
	v19 =	vld.idx.msk [tilespmem:v17+s21+$0x0 ss:$0x1], $0xffff  }
0x1cf: {  	v20 =	vld.idx.msk [tilespmem:v17+s21+$0x20 ss:$0x1], $0xffff;
	[tilespmem:v10+s21+$0x330 ss:$0x1] =	vst.idx.msk $0xffff, v23  }
0x1d0: {  	v21 =	vld.idx.msk [tilespmem:v17+s21+$0x30 ss:$0x1], $0xffff;
	[tilespmem:v10+s21+$0x340 ss:$0x1] =	vst.idx.msk $0xffff, v24  }
0x1d1: {  	v22 =	vld.idx.msk [tilespmem:v17+s21+$0x40 ss:$0x1], $0xffff;
	[tilespmem:v10+s21+$0x350 ss:$0x1] =	vst.idx.msk $0xffff, v25  }
0x1d2: {  	s22 =	simm.s32 $0x8;
	[tilespmem:v10+s21+$0x360 ss:$0x1] =	vst.idx.msk $0xffff, v26;
	v23 =	vld.idx.msk [tilespmem:v17+s21+$0x50 ss:$0x1], $0xffff  }
.LBB2_8:
0x1d3: {  	s23 =	sshll.u32 s22, $0x7;
	p2 =	slt.u32 s22, $0x48;
	[tilespmem:v10+s21+$0x380 ss:$0x1] =	vst.idx.msk $0xffff, v19;
	v19 =	vld.idx.msk [tilespmem:v17+s21+$0x60 ss:$0x1], $0xffff  }
0x1d4: {  	v24 =	vld.idx.msk [tilespmem:v0+s23+$0x70 ss:$0x1], $0xffff;
	[tilespmem:v10+s21+$0x390 ss:$0x1] =	vst.idx.msk $0xffff, v18  }
0x1d5: {  	v18 =	vld.idx.msk [tilespmem:v0+s23+$0x0 ss:$0x1], $0xffff;
	[tilespmem:v10+s21+$0x3A0 ss:$0x1] =	vst.idx.msk $0xffff, v20  }
0x1d6: {  	v20 =	vld.idx.msk [tilespmem:v0+s23+$0x10 ss:$0x1], $0xffff;
	[tilespmem:v10+s21+$0x3B0 ss:$0x1] =	vst.idx.msk $0xffff, v21  }
0x1d7: {  	v21 =	vld.idx.msk [tilespmem:v0+s23+$0x20 ss:$0x1], $0xffff;
	[tilespmem:v10+s21+$0x3C0 ss:$0x1] =	vst.idx.msk $0xffff, v22  }
0x1d8: {  	v22 =	vld.idx.msk [tilespmem:v0+s23+$0x30 ss:$0x1], $0xffff;
	[tilespmem:v10+s21+$0x3D0 ss:$0x1] =	vst.idx.msk $0xffff, v23  }
0x1d9: {  	v23 =	vld.idx.msk [tilespmem:v0+s23+$0x40 ss:$0x1], $0xffff;
	[tilespmem:v10+s21+$0x3E0 ss:$0x1] =	vst.idx.msk $0xffff, v19;
	s21 =	smov.u32 s23  }
0x1da: {  	v19 =	vld.idx.msk [tilespmem:v0+s21+$0x50 ss:$0x1], $0xffff;
	[tilespmem:v1+s21+$0x70 ss:$0x1] =	vst.idx.msk $0xffff, v24  }
0x1db: {  	[tilespmem:v1+s21+$0x0 ss:$0x1] =	vst.idx.msk $0xffff, v18;
	v18 =	vld.idx.msk [tilespmem:v2+s21+$0x70 ss:$0x1], $0xffff  }
0x1dc: {  	[tilespmem:v1+s21+$0x10 ss:$0x1] =	vst.idx.msk $0xffff, v20;
	v20 =	vld.idx.msk [tilespmem:v0+s21+$0x60 ss:$0x1], $0xffff  }
0x1dd: {  	v24 =	vld.idx.msk [tilespmem:v2+s21+$0x0 ss:$0x1], $0xffff;
	[tilespmem:v1+s21+$0x20 ss:$0x1] =	vst.idx.msk $0xffff, v21  }
0x1de: {  	v21 =	vld.idx.msk [tilespmem:v2+s21+$0x10 ss:$0x1], $0xffff;
	[tilespmem:v1+s21+$0x30 ss:$0x1] =	vst.idx.msk $0xffff, v22  }
0x1df: {  	v22 =	vld.idx.msk [tilespmem:v2+s21+$0x20 ss:$0x1], $0xffff;
	[tilespmem:v1+s21+$0x40 ss:$0x1] =	vst.idx.msk $0xffff, v23  }
0x1e0: {  	v23 =	vld.idx.msk [tilespmem:v2+s21+$0x30 ss:$0x1], $0xffff;
	[tilespmem:v1+s21+$0x50 ss:$0x1] =	vst.idx.msk $0xffff, v19  }
0x1e1: {  	v19 =	vld.idx.msk [tilespmem:v2+s21+$0x40 ss:$0x1], $0xffff;
	[tilespmem:v1+s21+$0xF0 ss:$0x1] =	vst.idx.msk $0xffff, v18  }
0x1e2: {  	[tilespmem:v1+s21+$0x60 ss:$0x1] =	vst.idx.msk $0xffff, v20;
	v18 =	vld.idx.msk [tilespmem:v3+s21+$0x70 ss:$0x1], $0xffff  }
0x1e3: {  	[tilespmem:v1+s21+$0x80 ss:$0x1] =	vst.idx.msk $0xffff, v24;
	v20 =	vld.idx.msk [tilespmem:v2+s21+$0x50 ss:$0x1], $0xffff  }
0x1e4: {  	[tilespmem:v1+s21+$0x90 ss:$0x1] =	vst.idx.msk $0xffff, v21;
	v21 =	vld.idx.msk [tilespmem:v2+s21+$0x60 ss:$0x1], $0xffff  }
0x1e5: {  	v24 =	vld.idx.msk [tilespmem:v3+s21+$0x0 ss:$0x1], $0xffff;
	[tilespmem:v1+s21+$0xA0 ss:$0x1] =	vst.idx.msk $0xffff, v22  }
0x1e6: {  	v22 =	vld.idx.msk [tilespmem:v3+s21+$0x10 ss:$0x1], $0xffff;
	[tilespmem:v1+s21+$0xB0 ss:$0x1] =	vst.idx.msk $0xffff, v23  }
0x1e7: {  	v23 =	vld.idx.msk [tilespmem:v3+s21+$0x20 ss:$0x1], $0xffff;
	[tilespmem:v1+s21+$0xC0 ss:$0x1] =	vst.idx.msk $0xffff, v19  }
0x1e8: {  	v19 =	vld.idx.msk [tilespmem:v3+s21+$0x30 ss:$0x1], $0xffff;
	[tilespmem:v1+s21+$0x170 ss:$0x1] =	vst.idx.msk $0xffff, v18  }
0x1e9: {  	[tilespmem:v1+s21+$0xD0 ss:$0x1] =	vst.idx.msk $0xffff, v20;
	v18 =	vld.idx.msk [tilespmem:v4+s21+$0x70 ss:$0x1], $0xffff  }
0x1ea: {  	v20 =	vld.idx.msk [tilespmem:v3+s21+$0x40 ss:$0x1], $0xffff;
	[tilespmem:v1+s21+$0xE0 ss:$0x1] =	vst.idx.msk $0xffff, v21  }
0x1eb: {  	[tilespmem:v1+s21+$0x100 ss:$0x1] =	vst.idx.msk $0xffff, v24;
	v21 =	vld.idx.msk [tilespmem:v3+s21+$0x50 ss:$0x1], $0xffff  }
0x1ec: {  	[tilespmem:v1+s21+$0x110 ss:$0x1] =	vst.idx.msk $0xffff, v22;
	v22 =	vld.idx.msk [tilespmem:v3+s21+$0x60 ss:$0x1], $0xffff  }
0x1ed: {  	v24 =	vld.idx.msk [tilespmem:v4+s21+$0x0 ss:$0x1], $0xffff;
	[tilespmem:v1+s21+$0x120 ss:$0x1] =	vst.idx.msk $0xffff, v23  }
0x1ee: {  	v23 =	vld.idx.msk [tilespmem:v4+s21+$0x10 ss:$0x1], $0xffff;
	[tilespmem:v1+s21+$0x130 ss:$0x1] =	vst.idx.msk $0xffff, v19  }
0x1ef: {  	v19 =	vld.idx.msk [tilespmem:v4+s21+$0x20 ss:$0x1], $0xffff;
	[tilespmem:v1+s21+$0x1F0 ss:$0x1] =	vst.idx.msk $0xffff, v18  }
0x1f0: {  	[tilespmem:v1+s21+$0x140 ss:$0x1] =	vst.idx.msk $0xffff, v20;
	v18 =	vld.idx.msk [tilespmem:v5+s21+$0x70 ss:$0x1], $0xffff  }
0x1f1: {  	v20 =	vld.idx.msk [tilespmem:v4+s21+$0x30 ss:$0x1], $0xffff;
	[tilespmem:v1+s21+$0x150 ss:$0x1] =	vst.idx.msk $0xffff, v21  }
0x1f2: {  	v21 =	vld.idx.msk [tilespmem:v4+s21+$0x40 ss:$0x1], $0xffff;
	[tilespmem:v1+s21+$0x160 ss:$0x1] =	vst.idx.msk $0xffff, v22  }
0x1f3: {  	[tilespmem:v1+s21+$0x180 ss:$0x1] =	vst.idx.msk $0xffff, v24;
	v22 =	vld.idx.msk [tilespmem:v4+s21+$0x50 ss:$0x1], $0xffff  }
0x1f4: {  	[tilespmem:v1+s21+$0x190 ss:$0x1] =	vst.idx.msk $0xffff, v23;
	v23 =	vld.idx.msk [tilespmem:v4+s21+$0x60 ss:$0x1], $0xffff  }
0x1f5: {  	v24 =	vld.idx.msk [tilespmem:v5+s21+$0x0 ss:$0x1], $0xffff;
	[tilespmem:v1+s21+$0x1A0 ss:$0x1] =	vst.idx.msk $0xffff, v19  }
0x1f6: {  	v19 =	vld.idx.msk [tilespmem:v5+s21+$0x10 ss:$0x1], $0xffff;
	[tilespmem:v1+s21+$0x270 ss:$0x1] =	vst.idx.msk $0xffff, v18  }
0x1f7: {  	[tilespmem:v1+s21+$0x1B0 ss:$0x1] =	vst.idx.msk $0xffff, v20;
	v18 =	vld.idx.msk [tilespmem:v6+s21+$0x70 ss:$0x1], $0xffff  }
0x1f8: {  	v20 =	vld.idx.msk [tilespmem:v5+s21+$0x20 ss:$0x1], $0xffff;
	[tilespmem:v1+s21+$0x1C0 ss:$0x1] =	vst.idx.msk $0xffff, v21  }
0x1f9: {  	v21 =	vld.idx.msk [tilespmem:v5+s21+$0x30 ss:$0x1], $0xffff;
	[tilespmem:v1+s21+$0x1D0 ss:$0x1] =	vst.idx.msk $0xffff, v22  }
0x1fa: {  	v22 =	vld.idx.msk [tilespmem:v5+s21+$0x40 ss:$0x1], $0xffff;
	[tilespmem:v1+s21+$0x1E0 ss:$0x1] =	vst.idx.msk $0xffff, v23  }
0x1fb: {  	[tilespmem:v1+s21+$0x200 ss:$0x1] =	vst.idx.msk $0xffff, v24;
	v23 =	vld.idx.msk [tilespmem:v5+s21+$0x50 ss:$0x1], $0xffff  }
0x1fc: {  	[tilespmem:v1+s21+$0x210 ss:$0x1] =	vst.idx.msk $0xffff, v19;
	v19 =	vld.idx.msk [tilespmem:v5+s21+$0x60 ss:$0x1], $0xffff  }
0x1fd: {  	v24 =	vld.idx.msk [tilespmem:v6+s21+$0x0 ss:$0x1], $0xffff;
	[tilespmem:v1+s21+$0x2F0 ss:$0x1] =	vst.idx.msk $0xffff, v18  }
0x1fe: {  	[tilespmem:v1+s21+$0x220 ss:$0x1] =	vst.idx.msk $0xffff, v20;
	v18 =	vld.idx.msk [tilespmem:v7+s21+$0x70 ss:$0x1], $0xffff  }
0x1ff: {  	v20 =	vld.idx.msk [tilespmem:v6+s21+$0x10 ss:$0x1], $0xffff;
	[tilespmem:v1+s21+$0x230 ss:$0x1] =	vst.idx.msk $0xffff, v21  }
0x200: {  	v21 =	vld.idx.msk [tilespmem:v6+s21+$0x20 ss:$0x1], $0xffff;
	[tilespmem:v1+s21+$0x240 ss:$0x1] =	vst.idx.msk $0xffff, v22  }
0x201: {  	v22 =	vld.idx.msk [tilespmem:v6+s21+$0x30 ss:$0x1], $0xffff;
	[tilespmem:v1+s21+$0x250 ss:$0x1] =	vst.idx.msk $0xffff, v23  }
0x202: {  	v23 =	vld.idx.msk [tilespmem:v6+s21+$0x40 ss:$0x1], $0xffff;
	[tilespmem:v1+s21+$0x260 ss:$0x1] =	vst.idx.msk $0xffff, v19  }
0x203: {  	[tilespmem:v1+s21+$0x280 ss:$0x1] =	vst.idx.msk $0xffff, v24;
	v19 =	vld.idx.msk [tilespmem:v6+s21+$0x50 ss:$0x1], $0xffff  }
0x204: {  	v24 =	vld.idx.msk [tilespmem:v6+s21+$0x60 ss:$0x1], $0xffff;
	[tilespmem:v1+s21+$0x370 ss:$0x1] =	vst.idx.msk $0xffff, v18  }
0x205: {  	[tilespmem:v1+s21+$0x290 ss:$0x1] =	vst.idx.msk $0xffff, v20;
	v18 =	vld.idx.msk [tilespmem:v8+s21+$0x70 ss:$0x1], $0xffff  }
0x206: {  	v20 =	vld.idx.msk [tilespmem:v7+s21+$0x0 ss:$0x1], $0xffff;
	[tilespmem:v1+s21+$0x2A0 ss:$0x1] =	vst.idx.msk $0xffff, v21  }
0x207: {  	v21 =	vld.idx.msk [tilespmem:v7+s21+$0x10 ss:$0x1], $0xffff;
	[tilespmem:v1+s21+$0x2B0 ss:$0x1] =	vst.idx.msk $0xffff, v22  }
0x208: {  	v22 =	vld.idx.msk [tilespmem:v7+s21+$0x20 ss:$0x1], $0xffff;
	[tilespmem:v1+s21+$0x2C0 ss:$0x1] =	vst.idx.msk $0xffff, v23  }
0x209: {  	v23 =	vld.idx.msk [tilespmem:v7+s21+$0x30 ss:$0x1], $0xffff;
	[tilespmem:v1+s21+$0x2D0 ss:$0x1] =	vst.idx.msk $0xffff, v19  }
0x20a: {  	v19 =	vld.idx.msk [tilespmem:v7+s21+$0x40 ss:$0x1], $0xffff;
	[tilespmem:v1+s21+$0x2E0 ss:$0x1] =	vst.idx.msk $0xffff, v24  }
0x20b: {  	v24 =	vld.idx.msk [tilespmem:v7+s21+$0x50 ss:$0x1], $0xffff;
	[tilespmem:v1+s21+$0x3F0 ss:$0x1] =	vst.idx.msk $0xffff, v18  }
0x20c: {  	[tilespmem:v1+s21+$0x300 ss:$0x1] =	vst.idx.msk $0xffff, v20;
	v18 =	vld.idx.msk [tilespmem:v9+s21+$0x70 ss:$0x1], $0xffff  }
0x20d: {  	[tilespmem:v1+s21+$0x310 ss:$0x1] =	vst.idx.msk $0xffff, v21;
	v20 =	vld.idx.msk [tilespmem:v7+s21+$0x60 ss:$0x1], $0xffff  }
0x20e: {  	v21 =	vld.idx.msk [tilespmem:v8+s21+$0x0 ss:$0x1], $0xffff;
	[tilespmem:v1+s21+$0x320 ss:$0x1] =	vst.idx.msk $0xffff, v22  }
0x20f: {  	v22 =	vld.idx.msk [tilespmem:v8+s21+$0x10 ss:$0x1], $0xffff;
	[tilespmem:v1+s21+$0x330 ss:$0x1] =	vst.idx.msk $0xffff, v23  }
0x210: {  	v23 =	vld.idx.msk [tilespmem:v8+s21+$0x20 ss:$0x1], $0xffff;
	[tilespmem:v1+s21+$0x340 ss:$0x1] =	vst.idx.msk $0xffff, v19  }
0x211: {  	v19 =	vld.idx.msk [tilespmem:v8+s21+$0x30 ss:$0x1], $0xffff;
	[tilespmem:v1+s21+$0x350 ss:$0x1] =	vst.idx.msk $0xffff, v24  }
0x212: {  	v24 =	vld.idx.msk [tilespmem:v8+s21+$0x40 ss:$0x1], $0xffff;
	[tilespmem:v10+s21+$0x70 ss:$0x1] =	vst.idx.msk $0xffff, v18  }
0x213: {  	[tilespmem:v1+s21+$0x360 ss:$0x1] =	vst.idx.msk $0xffff, v20;
	v18 =	vld.idx.msk [tilespmem:v11+s21+$0x70 ss:$0x1], $0xffff  }
0x214: {  	[tilespmem:v1+s21+$0x380 ss:$0x1] =	vst.idx.msk $0xffff, v21;
	v20 =	vld.idx.msk [tilespmem:v8+s21+$0x50 ss:$0x1], $0xffff  }
0x215: {  	[tilespmem:v1+s21+$0x390 ss:$0x1] =	vst.idx.msk $0xffff, v22;
	v21 =	vld.idx.msk [tilespmem:v8+s21+$0x60 ss:$0x1], $0xffff  }
0x216: {  	v22 =	vld.idx.msk [tilespmem:v9+s21+$0x0 ss:$0x1], $0xffff;
	[tilespmem:v1+s21+$0x3A0 ss:$0x1] =	vst.idx.msk $0xffff, v23  }
0x217: {  	v23 =	vld.idx.msk [tilespmem:v9+s21+$0x10 ss:$0x1], $0xffff;
	[tilespmem:v1+s21+$0x3B0 ss:$0x1] =	vst.idx.msk $0xffff, v19  }
0x218: {  	v19 =	vld.idx.msk [tilespmem:v9+s21+$0x20 ss:$0x1], $0xffff;
	[tilespmem:v1+s21+$0x3C0 ss:$0x1] =	vst.idx.msk $0xffff, v24  }
0x219: {  	v24 =	vld.idx.msk [tilespmem:v9+s21+$0x30 ss:$0x1], $0xffff;
	[tilespmem:v10+s21+$0xF0 ss:$0x1] =	vst.idx.msk $0xffff, v18  }
0x21a: {  	[tilespmem:v1+s21+$0x3D0 ss:$0x1] =	vst.idx.msk $0xffff, v20;
	v18 =	vld.idx.msk [tilespmem:v12+s21+$0x70 ss:$0x1], $0xffff  }
0x21b: {  	v20 =	vld.idx.msk [tilespmem:v9+s21+$0x40 ss:$0x1], $0xffff;
	[tilespmem:v1+s21+$0x3E0 ss:$0x1] =	vst.idx.msk $0xffff, v21  }
0x21c: {  	[tilespmem:v10+s21+$0x0 ss:$0x1] =	vst.idx.msk $0xffff, v22;
	v21 =	vld.idx.msk [tilespmem:v9+s21+$0x50 ss:$0x1], $0xffff  }
0x21d: {  	[tilespmem:v10+s21+$0x10 ss:$0x1] =	vst.idx.msk $0xffff, v23;
	v22 =	vld.idx.msk [tilespmem:v9+s21+$0x60 ss:$0x1], $0xffff  }
0x21e: {  	v23 =	vld.idx.msk [tilespmem:v11+s21+$0x0 ss:$0x1], $0xffff;
	[tilespmem:v10+s21+$0x20 ss:$0x1] =	vst.idx.msk $0xffff, v19  }
0x21f: {  	v19 =	vld.idx.msk [tilespmem:v11+s21+$0x10 ss:$0x1], $0xffff;
	[tilespmem:v10+s21+$0x30 ss:$0x1] =	vst.idx.msk $0xffff, v24  }
0x220: {  	v24 =	vld.idx.msk [tilespmem:v11+s21+$0x20 ss:$0x1], $0xffff;
	[tilespmem:v10+s21+$0x170 ss:$0x1] =	vst.idx.msk $0xffff, v18  }
0x221: {  	[tilespmem:v10+s21+$0x40 ss:$0x1] =	vst.idx.msk $0xffff, v20;
	v18 =	vld.idx.msk [tilespmem:v13+s21+$0x70 ss:$0x1], $0xffff  }
0x222: {  	v20 =	vld.idx.msk [tilespmem:v11+s21+$0x30 ss:$0x1], $0xffff;
	[tilespmem:v10+s21+$0x50 ss:$0x1] =	vst.idx.msk $0xffff, v21  }
0x223: {  	v21 =	vld.idx.msk [tilespmem:v11+s21+$0x40 ss:$0x1], $0xffff;
	[tilespmem:v10+s21+$0x60 ss:$0x1] =	vst.idx.msk $0xffff, v22  }
0x224: {  	[tilespmem:v10+s21+$0x80 ss:$0x1] =	vst.idx.msk $0xffff, v23;
	v22 =	vld.idx.msk [tilespmem:v11+s21+$0x50 ss:$0x1], $0xffff  }
0x225: {  	[tilespmem:v10+s21+$0x90 ss:$0x1] =	vst.idx.msk $0xffff, v19;
	v19 =	vld.idx.msk [tilespmem:v11+s21+$0x60 ss:$0x1], $0xffff  }
0x226: {  	v23 =	vld.idx.msk [tilespmem:v12+s21+$0x0 ss:$0x1], $0xffff;
	[tilespmem:v10+s21+$0xA0 ss:$0x1] =	vst.idx.msk $0xffff, v24  }
0x227: {  	v24 =	vld.idx.msk [tilespmem:v12+s21+$0x10 ss:$0x1], $0xffff;
	[tilespmem:v10+s21+$0x1F0 ss:$0x1] =	vst.idx.msk $0xffff, v18  }
0x228: {  	[tilespmem:v10+s21+$0xB0 ss:$0x1] =	vst.idx.msk $0xffff, v20;
	v18 =	vld.idx.msk [tilespmem:v14+s21+$0x70 ss:$0x1], $0xffff  }
0x229: {  	v20 =	vld.idx.msk [tilespmem:v12+s21+$0x20 ss:$0x1], $0xffff;
	[tilespmem:v10+s21+$0xC0 ss:$0x1] =	vst.idx.msk $0xffff, v21  }
0x22a: {  	v21 =	vld.idx.msk [tilespmem:v12+s21+$0x30 ss:$0x1], $0xffff;
	[tilespmem:v10+s21+$0xD0 ss:$0x1] =	vst.idx.msk $0xffff, v22  }
0x22b: {  	v22 =	vld.idx.msk [tilespmem:v12+s21+$0x40 ss:$0x1], $0xffff;
	[tilespmem:v10+s21+$0xE0 ss:$0x1] =	vst.idx.msk $0xffff, v19  }
0x22c: {  	[tilespmem:v10+s21+$0x100 ss:$0x1] =	vst.idx.msk $0xffff, v23;
	v19 =	vld.idx.msk [tilespmem:v12+s21+$0x50 ss:$0x1], $0xffff  }
0x22d: {  	[tilespmem:v10+s21+$0x110 ss:$0x1] =	vst.idx.msk $0xffff, v24;
	v23 =	vld.idx.msk [tilespmem:v12+s21+$0x60 ss:$0x1], $0xffff  }
0x22e: {  	v24 =	vld.idx.msk [tilespmem:v13+s21+$0x0 ss:$0x1], $0xffff;
	[tilespmem:v10+s21+$0x270 ss:$0x1] =	vst.idx.msk $0xffff, v18  }
0x22f: {  	[tilespmem:v10+s21+$0x120 ss:$0x1] =	vst.idx.msk $0xffff, v20;
	v18 =	vld.idx.msk [tilespmem:v15+s21+$0x70 ss:$0x1], $0xffff  }
0x230: {  	v20 =	vld.idx.msk [tilespmem:v13+s21+$0x10 ss:$0x1], $0xffff;
	[tilespmem:v10+s21+$0x130 ss:$0x1] =	vst.idx.msk $0xffff, v21  }
0x231: {  	v21 =	vld.idx.msk [tilespmem:v13+s21+$0x20 ss:$0x1], $0xffff;
	[tilespmem:v10+s21+$0x140 ss:$0x1] =	vst.idx.msk $0xffff, v22  }
0x232: {  	v22 =	vld.idx.msk [tilespmem:v13+s21+$0x30 ss:$0x1], $0xffff;
	[tilespmem:v10+s21+$0x150 ss:$0x1] =	vst.idx.msk $0xffff, v19  }
0x233: {  	v19 =	vld.idx.msk [tilespmem:v13+s21+$0x40 ss:$0x1], $0xffff;
	[tilespmem:v10+s21+$0x160 ss:$0x1] =	vst.idx.msk $0xffff, v23  }
0x234: {  	[tilespmem:v10+s21+$0x180 ss:$0x1] =	vst.idx.msk $0xffff, v24;
	v23 =	vld.idx.msk [tilespmem:v13+s21+$0x50 ss:$0x1], $0xffff  }
0x235: {  	v24 =	vld.idx.msk [tilespmem:v13+s21+$0x60 ss:$0x1], $0xffff;
	[tilespmem:v10+s21+$0x2F0 ss:$0x1] =	vst.idx.msk $0xffff, v18  }
0x236: {  	[tilespmem:v10+s21+$0x190 ss:$0x1] =	vst.idx.msk $0xffff, v20;
	v18 =	vld.idx.msk [tilespmem:v16+s21+$0x70 ss:$0x1], $0xffff  }
0x237: {  	v20 =	vld.idx.msk [tilespmem:v14+s21+$0x0 ss:$0x1], $0xffff;
	[tilespmem:v10+s21+$0x1A0 ss:$0x1] =	vst.idx.msk $0xffff, v21  }
0x238: {  	v21 =	vld.idx.msk [tilespmem:v14+s21+$0x10 ss:$0x1], $0xffff;
	[tilespmem:v10+s21+$0x1B0 ss:$0x1] =	vst.idx.msk $0xffff, v22  }
0x239: {  	v22 =	vld.idx.msk [tilespmem:v14+s21+$0x20 ss:$0x1], $0xffff;
	[tilespmem:v10+s21+$0x1C0 ss:$0x1] =	vst.idx.msk $0xffff, v19  }
0x23a: {  	v19 =	vld.idx.msk [tilespmem:v14+s21+$0x30 ss:$0x1], $0xffff;
	[tilespmem:v10+s21+$0x1D0 ss:$0x1] =	vst.idx.msk $0xffff, v23  }
0x23b: {  	v23 =	vld.idx.msk [tilespmem:v14+s21+$0x40 ss:$0x1], $0xffff;
	[tilespmem:v10+s21+$0x1E0 ss:$0x1] =	vst.idx.msk $0xffff, v24  }
0x23c: {  	v24 =	vld.idx.msk [tilespmem:v14+s21+$0x50 ss:$0x1], $0xffff;
	[tilespmem:v10+s21+$0x370 ss:$0x1] =	vst.idx.msk $0xffff, v18  }
0x23d: {  	[tilespmem:v10+s21+$0x200 ss:$0x1] =	vst.idx.msk $0xffff, v20;
	v18 =	vld.idx.msk [tilespmem:v17+s21+$0x70 ss:$0x1], $0xffff  }
0x23e: {  	[tilespmem:v10+s21+$0x210 ss:$0x1] =	vst.idx.msk $0xffff, v21;
	v20 =	vld.idx.msk [tilespmem:v14+s21+$0x60 ss:$0x1], $0xffff  }
0x23f: {  	v21 =	vld.idx.msk [tilespmem:v15+s21+$0x0 ss:$0x1], $0xffff;
	[tilespmem:v10+s21+$0x220 ss:$0x1] =	vst.idx.msk $0xffff, v22  }
0x240: {  	v22 =	vld.idx.msk [tilespmem:v15+s21+$0x10 ss:$0x1], $0xffff;
	[tilespmem:v10+s21+$0x230 ss:$0x1] =	vst.idx.msk $0xffff, v19  }
0x241: {  	v19 =	vld.idx.msk [tilespmem:v15+s21+$0x20 ss:$0x1], $0xffff;
	[tilespmem:v10+s21+$0x240 ss:$0x1] =	vst.idx.msk $0xffff, v23  }
0x242: {  	v23 =	vld.idx.msk [tilespmem:v15+s21+$0x30 ss:$0x1], $0xffff;
	[tilespmem:v10+s21+$0x250 ss:$0x1] =	vst.idx.msk $0xffff, v24  }
0x243: {  	v24 =	vld.idx.msk [tilespmem:v15+s21+$0x40 ss:$0x1], $0xffff;
	[tilespmem:v10+s21+$0x3F0 ss:$0x1] =	vst.idx.msk $0xffff, v18  }
0x244: {  	v18 =	vld.idx.msk [tilespmem:v15+s21+$0x50 ss:$0x1], $0xffff;
	[tilespmem:v10+s21+$0x260 ss:$0x1] =	vst.idx.msk $0xffff, v20  }
0x245: {  	[tilespmem:v10+s21+$0x280 ss:$0x1] =	vst.idx.msk $0xffff, v21;
	v20 =	vld.idx.msk [tilespmem:v15+s21+$0x60 ss:$0x1], $0xffff  }
0x246: {  	v21 =	vld.idx.msk [tilespmem:v16+s21+$0x0 ss:$0x1], $0xffff;
	[tilespmem:v10+s21+$0x290 ss:$0x1] =	vst.idx.msk $0xffff, v22  }
0x247: {  	v22 =	vld.idx.msk [tilespmem:v16+s21+$0x10 ss:$0x1], $0xffff;
	[tilespmem:v10+s21+$0x2A0 ss:$0x1] =	vst.idx.msk $0xffff, v19  }
0x248: {  	v25 =	vld.idx.msk [tilespmem:v16+s21+$0x20 ss:$0x1], $0xffff;
	[tilespmem:v10+s21+$0x2B0 ss:$0x1] =	vst.idx.msk $0xffff, v23  }
0x249: {  	v23 =	vld.idx.msk [tilespmem:v16+s21+$0x30 ss:$0x1], $0xffff;
	[tilespmem:v10+s21+$0x2C0 ss:$0x1] =	vst.idx.msk $0xffff, v24  }
0x24a: {  	v24 =	vld.idx.msk [tilespmem:v16+s21+$0x40 ss:$0x1], $0xffff;
	[tilespmem:v10+s21+$0x2D0 ss:$0x1] =	vst.idx.msk $0xffff, v18  }
0x24b: {  	v26 =	vld.idx.msk [tilespmem:v16+s21+$0x50 ss:$0x1], $0xffff;
	[tilespmem:v10+s21+$0x2E0 ss:$0x1] =	vst.idx.msk $0xffff, v20  }
0x24c: {  	[tilespmem:v10+s21+$0x300 ss:$0x1] =	vst.idx.msk $0xffff, v21;
	v27 =	vld.idx.msk [tilespmem:v16+s21+$0x60 ss:$0x1], $0xffff  }
0x24d: {  	v19 =	vld.idx.msk [tilespmem:v17+s21+$0x0 ss:$0x1], $0xffff;
	[tilespmem:v10+s21+$0x310 ss:$0x1] =	vst.idx.msk $0xffff, v22  }
.Ltmp2:
0x24e: {  	v18 =	vld.idx.msk [tilespmem:v17+s21+$0x10 ss:$0x1], $0xffff;
	[tilespmem:v10+s21+$0x320 ss:$0x1] =	vst.idx.msk $0xffff, v25;
	(pc) =	sbr.rel @p2 .LBB2_8-.Ltmp2, $4  }
0x24f: {  	v20 =	vld.idx.msk [tilespmem:v17+s21+$0x20 ss:$0x1], $0xffff;
	[tilespmem:v10+s21+$0x330 ss:$0x1] =	vst.idx.msk $0xffff, v23  }
0x250: {  	v21 =	vld.idx.msk [tilespmem:v17+s21+$0x30 ss:$0x1], $0xffff;
	[tilespmem:v10+s21+$0x340 ss:$0x1] =	vst.idx.msk $0xffff, v24  }
0x251: {  	v22 =	vld.idx.msk [tilespmem:v17+s21+$0x40 ss:$0x1], $0xffff;
	[tilespmem:v10+s21+$0x350 ss:$0x1] =	vst.idx.msk $0xffff, v26  }
0x252: {  	s22 =	sadd.s32 $0x8, s22;
	v23 =	vld.idx.msk [tilespmem:v17+s21+$0x50 ss:$0x1], $0xffff;
	[tilespmem:v10+s21+$0x360 ss:$0x1] =	vst.idx.msk $0xffff, v27  }
0x253: {  	_ =	sdelay $0x3  }
0x254: {  	[tilespmem:v10+s21+$0x380 ss:$0x1] =	vst.idx.msk $0xffff, v19;
	s20 =	sadd.s32 $0x1, s20  }
0x255: {  	v0 =	vld.idx.msk [tilespmem:v17+s21+$0x60 ss:$0x1], $0xffff;
	[tilespmem:v10+s21+$0x390 ss:$0x1] =	vst.idx.msk $0xffff, v18;
	p2 =	sne.s32 s20, s18  }
.Ltmp3:
0x256: {  	[tilespmem:v10+s21+$0x3A0 ss:$0x1] =	vst.idx.msk $0xffff, v20;
	(pc) =	sbr.rel @p2 .LBB2_7-.Ltmp3, $4  }
0x257: {  	[tilespmem:v10+s21+$0x3B0 ss:$0x1] =	vst.idx.msk $0xffff, v21  }
0x258: {  	[tilespmem:v10+s21+$0x3C0 ss:$0x1] =	vst.idx.msk $0xffff, v22  }
0x259: {  	[tilespmem:v10+s21+$0x3D0 ss:$0x1] =	vst.idx.msk $0xffff, v23  }
0x25a: {  	[tilespmem:v10+s21+$0x3E0 ss:$0x1] =	vst.idx.msk $0xffff, v0  }
0x25b: {  	s19 =	sshll.u32 s19, $0x5;
	s17 =	sadd.s32 $0x1, s17  }
0x25c: {  	s19 =	sadd.s32 s4, s19;
	p2 =	sne.s32 s17, $0x10  }
.Ltmp4:
0x25d: {  	s19 =	sshrl.u32 s19, $0x3;
	(pc) =	sbr.rel @p2 .LBB2_2-.Ltmp4, $3  }
0x25e: {  	s19 =	smul.u32 $0x500, s19;
	_ =	sdelay $0x1  }
0x25f: {  	s16 =	sadd.s32 $0x4, s16;
	s18 =	sadd.s32 $0x4, s18;
	s19 =	sadd.s32 s2, s19  }
0x260: {  	[hbm4b:s19+s3] =	stream.linear.scatter [tilespmem:s11], [sflag:$0x2], $0xA000, $0x38;
	[tilespmem:$0x1BC00] =	vst v63  }
0x261: {  	s15 =	sadd.s32 $0x1, s15  }
0x262: {  	_ =	swait.ge [sflag:s9], $0xA000;
	p2 =	sne.s32 s15, s8  }
.Ltmp5:
0x263: {  	[sflag:s9] =	ssyncset.done $0x0;
	(pc) =	sbr.rel @p2 .LBB2_1-.Ltmp5, $4  }
0x264: {  	[sflag:s9] =	ssyncadd.s32 $0xFFFF6000  }
0x265: {  	_ =	swait.ge [sflag:s12], $0xA000  }
0x266: {  	[sflag:s12] =	ssyncset.done $0x0  }
0x267: {  	[sflag:s12] =	ssyncadd.s32 $0xFFFF6000  }
0x268: {  	_ =	sfence.sel $0x180000  }
0x269: {  	[bflag:$0x0] =	sbarrier.arrive $0xFFFF  }
0x26a: {  	p0 =	sne.s32 s0, $0x0;
	_ =	strace $0x90000047  }
0x26b: {  	s0 =	sadd.s32 @!p0 $0x100000, s1;
	[bflag:$0x2] =	sbarrier.arrive $0xFFFF  }
0x26c: {  	[sflag:s0] =	ssyncadd.tile.s32 @!p0 $0x1;
	_ =	shalt  }
.Lfunc_end2:
_tile_overlayer_lowered:
.L_overlay_start_2:
0x26d: {  	(tag) =	ssettag $0x2  }
0x26e: {  	s0 =	rddreg [dreg:$0x0];
	s2 =	stileid.u32  }
0x26f: {  	s1 =	rddreg [dreg:$0x1];
	p0 =	sne.s32 s2, $0x0  }
0x270: {  	s3 =	rddreg [dreg:$0x2];
	[bflag:$0x3] =	sbarrier.arrive $0xFFFF;
	s2 =	simm.s32 @!p0 $0x1C03  }
0x271: {  	[timem:s3], [sflag:s2] =	dma.local @!p0 [hbm:s0], s1  }
0x272: {  	s0 =	simm.s32 @!p0 $0x3  }
0x273: {  	_ =	swait.ge @!p0 [sflag:s0], s1  }
0x274: {  	s1 =	ssub.s32 @!p0 $0x0, s1;
	[sflag:s0] =	ssyncset.done @!p0 $0x0  }
0x275: {  	[sflag:s0] =	ssyncadd.s32 @!p0 s1  }
0x276: {  	[bflag:$0x3] =	sbarrier.arrive $0xFFFF  }
0x277: {  	_ =	shalt  }

</sc_bundles>
